<compile_context>
chip_gen: v7x
topology: tpu7x:2x2x1
jax: 0.10.2.dev20260603
libtpu: 0.0.44.dev20260713+nightly
codegen_flags: <defaults>
</compile_context>

<pallas_src>
import functools

import jax
import jax.numpy as jnp
from jax import lax
from jax.experimental import pallas as pl
from jax.experimental.pallas import tpu as pltpu
from jax.experimental.pallas import tpu_sc as plsc

_N = 10000
_E = 320000
_D_HID = 128
_D_OUT = 64
_CW = 8

_NP = 10000
_NC = 2
_NS = 16
_NW = _NC * _NS
_EPW = _E // _NW
_CH = 100
_NCH = _EPW // _CH


def _make_propagate(dp, with_counts=False):
  rpt = _NP // _NS

  mesh = plsc.VectorSubcoreMesh(core_axis_name="c", subcore_axis_name="s")

  main_out = jax.ShapeDtypeStruct((_NC, _NP, dp), jnp.float32)
  cnt_out = jax.ShapeDtypeStruct((_NC, _NP, _CW), jnp.float32)
  scratch = [
      pltpu.VMEM((_NCH, _CH), jnp.int32),
      pltpu.VMEM((_CH,), jnp.int32),
      pltpu.VMEM((_CH,), jnp.int32),
      pltpu.VMEM((_CH, dp), jnp.float32),
      pltpu.VMEM((_CH, dp), jnp.float32),
      pltpu.VMEM_SHARED((_NP, dp), jnp.float32),
      pltpu.SemaphoreType.DMA,
      pltpu.SemaphoreType.DMA,
  ]
  if with_counts:
    scratch += [
        pltpu.VMEM((_CH, _CW), jnp.float32),
        pltpu.VMEM_SHARED((_NP, _CW), jnp.float32),
    ]

  @functools.partial(
      pl.kernel,
      mesh=mesh,
      compiler_params=pltpu.CompilerParams(use_tc_tiling_on_sc=False),
      out_type=[main_out, cnt_out] if with_counts else main_out,
      scratch_types=scratch,
  )
  def prop(vals, ed, *rest):
    if with_counts:
      (out, cnt, src_l, dst0, dst1, rows0, rows1, accum, sem0, sem1,
       ones, cacc) = rest
    else:
      out, src_l, dst0, dst1, rows0, rows1, accum, sem0, sem1 = rest
    c = lax.axis_index("c")
    s = lax.axis_index("s")
    w = s * _NC + c

    idx_cp = pltpu.async_copy(ed.at[0, w], src_l, sem0)

    def zrow(i, carry):
      for j in range(dp // 16):
        rows0[i, pl.ds(j * 16, 16)] = jnp.zeros((16,), jnp.float32)
      if with_counts:
        ones[i, :] = jnp.zeros((_CW,), jnp.float32)
      return carry

    lax.fori_loop(0, _CH, zrow, 0)
    rbase = s * rpt
    nz, zrem = rpt // _CH, rpt % _CH
    for k in range(nz):
      pltpu.sync_copy(rows0, accum.at[pl.ds(rbase + k * _CH, _CH)])
      if with_counts:
        pltpu.sync_copy(ones, cacc.at[pl.ds(rbase + k * _CH, _CH)])
    if zrem:
      pltpu.sync_copy(rows0.at[pl.ds(0, zrem)],
                      accum.at[pl.ds(rbase + nz * _CH, zrem)])
      if with_counts:
        pltpu.sync_copy(ones.at[pl.ds(0, zrem)],
                        cacc.at[pl.ds(rbase + nz * _CH, zrem)])
    if with_counts:
      def onerow(i, carry):
        ones[i, :] = jnp.full((_CW,), 1.0, jnp.float32)
        return carry
      lax.fori_loop(0, _CH, onerow, 0)
    idx_cp.wait()
    plsc.subcore_barrier()

    pltpu.async_copy(ed.at[1, w, 0], dst0, sem0)
    pltpu.async_copy(vals.at[src_l.at[0]], rows0, sem0)
    pltpu.async_copy(ed.at[1, w, 1], dst1, sem1)
    pltpu.async_copy(vals.at[src_l.at[1]], rows1, sem1)

    def pair(i, carry):
      j0 = 2 * i
      pltpu.make_async_copy(ed.at[1, w, 0], dst0, sem0).wait()
      pltpu.make_async_copy(vals.at[src_l.at[0]], rows0, sem0).wait()
      pltpu.sync_copy(rows0, accum.at[dst0], add=True)
      if with_counts:
        pltpu.sync_copy(ones, cacc.at[dst0], add=True)
      n0 = jnp.minimum(j0 + 2, _NCH - 1)
      pltpu.async_copy(ed.at[1, w, n0], dst0, sem0)
      pltpu.async_copy(vals.at[src_l.at[n0]], rows0, sem0)
      j1 = j0 + 1
      pltpu.make_async_copy(ed.at[1, w, 1], dst1, sem1).wait()
      pltpu.make_async_copy(vals.at[src_l.at[1]], rows1, sem1).wait()
      pltpu.sync_copy(rows1, accum.at[dst1], add=True)
      if with_counts:
        pltpu.sync_copy(ones, cacc.at[dst1], add=True)
      n1 = jnp.minimum(j1 + 2, _NCH - 1)
      pltpu.async_copy(ed.at[1, w, n1], dst1, sem1)
      pltpu.async_copy(vals.at[src_l.at[n1]], rows1, sem1)
      return carry

    lax.fori_loop(0, _NCH // 2, pair, 0)
    pltpu.make_async_copy(ed.at[1, w, 0], dst0, sem0).wait()
    pltpu.make_async_copy(vals.at[src_l.at[0]], rows0, sem0).wait()
    pltpu.make_async_copy(ed.at[1, w, 1], dst1, sem1).wait()
    pltpu.make_async_copy(vals.at[src_l.at[1]], rows1, sem1).wait()
    plsc.subcore_barrier()

    pltpu.sync_copy(accum.at[pl.ds(rbase, rpt)], out.at[c, pl.ds(rbase, rpt)])
    if with_counts:
      pltpu.sync_copy(cacc.at[pl.ds(rbase, rpt)],
                      cnt.at[c, pl.ds(rbase, rpt)])

  return prop


_PROP_CACHE = {}


def _get_prop(dp, with_counts=False):
  key = (dp, with_counts)
  if key not in _PROP_CACHE:
    _PROP_CACHE[key] = _make_propagate(dp, with_counts)
  return _PROP_CACHE[key]


def _stage_a(x_ref, w_ref, out_ref):
  out_ref[...] = jnp.dot(x_ref[...], w_ref[...],
                         preferred_element_type=jnp.float32)


def _stage_b(p_ref, c_ref, b1_ref, g1_ref, be1_ref, wl_ref,
             h1_ref, g_ref, invc_ref, dinv_ref):
  p = p_ref[0] + p_ref[1]
  cnt = c_ref[0, :, :1] + c_ref[1, :, :1]
  t = p + b1_ref[...]
  nrm = jnp.sqrt(jnp.sum(t * t, axis=1, keepdims=True))
  t = t / jnp.maximum(nrm, 1e-12)
  m = jnp.mean(t, axis=0, keepdims=True)
  v = jnp.mean((t - m) ** 2, axis=0, keepdims=True)
  t = g1_ref[...] * (t - m) / jnp.sqrt(v + 1e-5) + be1_ref[...]
  t = jnp.maximum(t, 0.0)
  h1_ref[...] = t
  g_ref[...] = jnp.dot(t, wl_ref[...], preferred_element_type=jnp.float32)
  invc_ref[...] = 1.0 / jnp.maximum(cnt, 1.0)
  dinv_ref[...] = lax.rsqrt(cnt + 1.0)


def _stage_c0(h1_ref, wr_ref, st_ref):
  st_ref[...] = jnp.dot(h1_ref[...], wr_ref[...],
                        preferred_element_type=jnp.float32)


def _stage_c(p_ref, invc_ref, st_ref, bl_ref, g2_ref, be2_ref,
             wg_ref, dinv_ref, xw_ref, xs_ref):
  p = p_ref[0] + p_ref[1]
  t = p * invc_ref[...] + bl_ref[...] + st_ref[...]
  m = jnp.mean(t, axis=0, keepdims=True)
  v = jnp.mean((t - m) ** 2, axis=0, keepdims=True)
  t = g2_ref[...] * (t - m) / jnp.sqrt(v + 1e-5) + be2_ref[...]
  t = jnp.maximum(t, 0.0)
  xw = jnp.dot(t, wg_ref[...], preferred_element_type=jnp.float32)
  xw_ref[...] = xw
  xs_ref[...] = xw * dinv_ref[...]


def _stage_d(p_ref, dinv_ref, xw_ref, bg_ref, out_ref):
  agg = p_ref[0] + p_ref[1]
  d = dinv_ref[...]
  o = d * agg + (d * d) * xw_ref[...] + bg_ref[...]
  mx = jnp.max(o, axis=1, keepdims=True)
  z = o - mx
  lse = jnp.log(jnp.sum(jnp.exp(z), axis=1, keepdims=True))
  out_ref[...] = z - lse


def kernel(x, edge_index, lin1_W, lin1_b, bn1_g, bn1_b, sage_Wl, sage_bl,
           sage_Wr, bn2_g, bn2_b, gcn_W, gcn_b):
  ed = edge_index.astype(jnp.int32).reshape(2, _NW, _NCH, _CH)
  b1 = lin1_b.reshape(1, -1)
  g1 = bn1_g.reshape(1, -1)
  be1 = bn1_b.reshape(1, -1)
  bl = sage_bl.reshape(1, -1)
  g2 = bn2_g.reshape(1, -1)
  be2 = bn2_b.reshape(1, -1)
  bg = gcn_b.reshape(1, -1)
  f32 = jnp.float32

  h0 = pl.pallas_call(
      _stage_a, out_shape=jax.ShapeDtypeStruct((_N, _D_HID), f32),
  )(x, lin1_W)

  p0, c0 = _get_prop(_D_HID, with_counts=True)(h0, ed)

  h1, g, invc, dinv = pl.pallas_call(
      _stage_b,
      out_shape=[
          jax.ShapeDtypeStruct((_N, _D_HID), f32),
          jax.ShapeDtypeStruct((_N, _D_HID), f32),
          jax.ShapeDtypeStruct((_N, 1), f32),
          jax.ShapeDtypeStruct((_N, 1), f32),
      ],
  )(p0, c0, b1, g1, be1, sage_Wl)

  p1 = _get_prop(_D_HID)(g, ed)

  selfterm = pl.pallas_call(
      _stage_c0, out_shape=jax.ShapeDtypeStruct((_N, _D_HID), f32),
  )(h1, sage_Wr)

  xw, xs = pl.pallas_call(
      _stage_c,
      out_shape=[
          jax.ShapeDtypeStruct((_N, _D_OUT), f32),
          jax.ShapeDtypeStruct((_N, _D_OUT), f32),
      ],
  )(p1, invc, selfterm, bl, g2, be2, gcn_W, dinv)

  p2 = _get_prop(_D_OUT)(xs, ed)

  out = pl.pallas_call(
      _stage_d, out_shape=jax.ShapeDtypeStruct((_N, _D_OUT), f32),
  )(p2, dinv, xw, bg)
  return out

# --- scband reference (transcript-rebuilt; emitter-appended) ---
"""Pipeline reference for scband-gnnhybrid-2310692405933 (READ-ONLY COPY).

The authoritative reference and input builder live on the scoring server;
editing this copy changes nothing except your own understanding.
"""

import jax, jax.numpy as jnp
import numpy as np

N_NODES = 10000
N_EDGES = 320000
D_IN = 128
D_HID = 128
D_OUT = 64


def setup_inputs(seed: int = 0) -> dict:
    key = jax.random.key(seed)
    ks = jax.random.split(key, 16)
    x = jax.random.normal(ks[0], (N_NODES, D_IN), dtype=jnp.float32)
    edge_index = jax.random.randint(ks[1], (2, N_EDGES), 0, N_NODES, dtype=jnp.int64 if jax.config.jax_enable_x64 else jnp.int32)
    s = 1.0 / np.sqrt(D_HID)
    lin1_W = jax.random.uniform(ks[2], (D_IN, D_HID), minval=-s, maxval=s, dtype=jnp.float32)
    lin1_b = jax.random.uniform(ks[3], (D_HID,), minval=-s, maxval=s, dtype=jnp.float32)
    bn1_g = jnp.ones((D_HID,), dtype=jnp.float32)
    bn1_b = jnp.zeros((D_HID,), dtype=jnp.float32)
    sage_Wl = jax.random.uniform(ks[4], (D_HID, D_HID), minval=-s, maxval=s, dtype=jnp.float32)
    sage_bl = jax.random.uniform(ks[5], (D_HID,), minval=-s, maxval=s, dtype=jnp.float32)
    sage_Wr = jax.random.uniform(ks[6], (D_HID, D_HID), minval=-s, maxval=s, dtype=jnp.float32)
    bn2_g = jnp.ones((D_HID,), dtype=jnp.float32)
    bn2_b = jnp.zeros((D_HID,), dtype=jnp.float32)
    gcn_W = jax.random.uniform(ks[7], (D_HID, D_OUT), minval=-s, maxval=s, dtype=jnp.float32)
    gcn_b = jax.random.uniform(ks[8], (D_OUT,), minval=-s, maxval=s, dtype=jnp.float32)
    return {"x": x, "edge_index": edge_index, "lin1_W": lin1_W, "lin1_b": lin1_b,
            "bn1_g": bn1_g, "bn1_b": bn1_b, "sage_Wl": sage_Wl, "sage_bl": sage_bl,
            "sage_Wr": sage_Wr, "bn2_g": bn2_g, "bn2_b": bn2_b, "gcn_W": gcn_W, "gcn_b": gcn_b}


def _film_conv(x, src, dst, W, b):
    # GNNFiLMConv with edge_index path: sum-aggregate source feats at dst,
    # then linear, then F.normalize (L2, dim=1, eps=1e-12)
    agg = jnp.zeros_like(x).at[dst].add(x[src])
    out = agg @ W + b
    nrm = jnp.sqrt(jnp.sum(out * out, axis=1, keepdims=True))
    return out / jnp.maximum(nrm, 1e-12)


def _sage_conv(x, src, dst, Wl, bl, Wr):
    # PyG SAGEConv: mean aggregation, out = lin_l(mean_neigh) + lin_r(x)
    n = x.shape[0]
    summ = jnp.zeros_like(x).at[dst].add(x[src])
    cnt = jnp.zeros((n, 1), dtype=x.dtype).at[dst].add(1.0)
    mean = summ / jnp.maximum(cnt, 1.0)
    return mean @ Wl + bl + x @ Wr


def _gcn_conv(x, src, dst, W, b):
    # PyG GCNConv: add self loops, symmetric normalization
    n = x.shape[0]
    loop = jnp.arange(n, dtype=src.dtype)
    s = jnp.concatenate([src, loop])
    d = jnp.concatenate([dst, loop])
    deg = jnp.zeros((n,), dtype=x.dtype).at[d].add(1.0)
    dinv = jnp.where(deg > 0, 1.0 / jnp.sqrt(deg), 0.0)
    norm = dinv[s] * dinv[d]
    xw = x @ W
    out = jnp.zeros((n, W.shape[1]), dtype=x.dtype).at[d].add(norm[:, None] * xw[s])
    return out + b


def _batch_norm(x, g, b):
    m = jnp.mean(x, axis=0)
    v = jnp.var(x, axis=0)
    return g * (x - m) / jnp.sqrt(v + 1e-5) + b


def reference(x, edge_index, lin1_W, lin1_b, bn1_g, bn1_b, sage_Wl, sage_bl, sage_Wr, bn2_g, bn2_b, gcn_W, gcn_b):
    src = edge_index[0]
    dst = edge_index[1]
    h = _film_conv(x, src, dst, lin1_W, lin1_b)
    h = _batch_norm(h, bn1_g, bn1_b)
    h = jax.nn.relu(h)
    # dropout: identity in deterministic reference
    h = _sage_conv(h, src, dst, sage_Wl, sage_bl, sage_Wr)
    h = _batch_norm(h, bn2_g, bn2_b)
    h = jax.nn.relu(h)
    h = _gcn_conv(h, src, dst, gcn_W, gcn_b)
    return jax.nn.log_softmax(h, axis=-1)

if __name__ == "__main__":
    import jax
    _d = setup_inputs()
    print(jax.jit(kernel)(*tuple(_d.values())))

</pallas_src>

<mosaic_0001>
#map = affine_map<(d0, d1) -> (0, 0)>
#map1 = affine_map<(d0, d1) -> (0, 0, 0, 0)>
#map2 = affine_map<(d0, d1) -> (0, 0, 0)>
module attributes {stable_mosaic.version = 14 : i64} {
  func.func @prop(%arg0: i32, %arg1: i32, %arg2: memref<10000x128xf32, #tpu.memory_space<hbm>>, %arg3: memref<2x32x100x100xi32, #tpu.memory_space<hbm>>, %arg4: memref<2x10000x128xf32, #tpu.memory_space<hbm>>, %arg5: memref<2x10000x8xf32, #tpu.memory_space<hbm>>, %arg6: memref<100x100xi32, #tpu.memory_space<vmem>>, %arg7: memref<100xi32, #tpu.memory_space<vmem>>, %arg8: memref<100xi32, #tpu.memory_space<vmem>>, %arg9: memref<100x128xf32, #tpu.memory_space<vmem>>, %arg10: memref<100x128xf32, #tpu.memory_space<vmem>>, %arg11: memref<10000x128xf32, #tpu.memory_space<vmem_shared>>, %arg12: memref<!tpu.dma_semaphore, #tpu.memory_space<semaphore_mem>>, %arg13: memref<!tpu.dma_semaphore, #tpu.memory_space<semaphore_mem>>, %arg14: memref<100x8xf32, #tpu.memory_space<vmem>>, %arg15: memref<10000x8xf32, #tpu.memory_space<vmem_shared>>) attributes {dimension_semantics = [#tpu.dimension_semantics<core_parallel>, #tpu.dimension_semantics<subcore_parallel>], iteration_bounds = array<i64: 2, 16>, scalar_prefetch = 0 : i64, scratch_operands = 10 : i64, tpu.core_type = #tpu.core_type<sc_vector_subcore>, window_params = [{transform_indices = #map}, {transform_indices = #map1}, {transform_indices = #map2}, {transform_indices = #map2}]} {
    %mul3A = arith.constant 2 : i32
    %mul3A_0 = arith.muli %arg1, %mul3A : i32
    %add3A = arith.addi %mul3A_0, %arg0 : i32
    %dma_start3A = arith.constant 0 : i32
    %dma_start3A_1 = arith.constant 0 : i32
    %dma_start3A_2 = arith.constant 0 : i32
    %dma_start3A_3 = tpu.memref_slice %arg3[%dma_start3A, %add3A, %dma_start3A_1, %dma_start3A_2] : memref<2x32x100x100xi32, #tpu.memory_space<hbm>> -> memref<1x1x100x100xi32, #tpu.memory_space<hbm>>
    %dma_start3A_4 = tpu.memref_squeeze %dma_start3A_3 : memref<1x1x100x100xi32, #tpu.memory_space<hbm>> -> memref<100x100xi32, #tpu.memory_space<hbm>>
    %dma_start3A_5 = arith.constant 0 : i32
    %dma_start3A_6 = arith.constant 0 : i32
    %dma_start3A_7 = tpu.memref_slice %arg3[%dma_start3A, %add3A, %dma_start3A_5, %dma_start3A_6] : memref<2x32x100x100xi32, #tpu.memory_space<hbm>> -> memref<1x1x100x100xi32, #tpu.memory_space<hbm>>
    %dma_start3A_8 = tpu.memref_squeeze %dma_start3A_7 : memref<1x1x100x100xi32, #tpu.memory_space<hbm>> -> memref<100x100xi32, #tpu.memory_space<hbm>>
    tpu.enqueue_dma source(%dma_start3A_8 : memref<100x100xi32, #tpu.memory_space<hbm>>) target(%arg6 : memref<100x100xi32, #tpu.memory_space<vmem>>) target_semaphore(%arg12 : memref<!tpu.dma_semaphore, #tpu.memory_space<semaphore_mem>>)
    %scan3A = arith.constant 0 : i32
    %scan3A_9 = arith.constant 0 : i32
    %scan3A_10 = arith.constant 100 : i32
    %scan3A_11 = arith.addi %scan3A_9, %scan3A_10 : i32
    %scan3A_12 = arith.constant 1 : i32
    scf.for %scan3A_125 = %scan3A_9 to %scan3A_11 step %scan3A_12  : i32 {
      %broadcast_in_dim3A = arith.constant 0.000000e+00 : f32
      %broadcast_in_dim3A_126 = vector.broadcast %broadcast_in_dim3A : f32 to vector<16xf32>
      %swap3A = arith.index_cast %scan3A_125 : i32 to index
      %swap3A_127 = arith.constant 0 : index
      %swap3A_128 = tpu.vector_load %arg9[%swap3A, %swap3A_127] {strides = array<i32>} : memref<100x128xf32, #tpu.memory_space<vmem>>, vector<1x16xf32>,
      %swap3A_129 = vector.shape_cast %swap3A_128 : vector<1x16xf32> to vector<16xf32>
      %swap3A_130 = vector.shape_cast %broadcast_in_dim3A_126 : vector<16xf32> to vector<1x16xf32>
      tpu.vector_store %arg9[%swap3A, %swap3A_127], %swap3A_130 {strides = array<i32>} : memref<100x128xf32, #tpu.memory_space<vmem>>, vector<1x16xf32>,
      %broadcast_in_dim3A_131 = arith.constant 0.000000e+00 : f32
      %broadcast_in_dim3A_132 = vector.broadcast %broadcast_in_dim3A_131 : f32 to vector<16xf32>
      %swap3A_133 = arith.index_cast %scan3A_125 : i32 to index
      %swap3A_134 = arith.constant 16 : index
      %swap3A_135 = tpu.vector_load %arg9[%swap3A_133, %swap3A_134] {strides = array<i32>} : memref<100x128xf32, #tpu.memory_space<vmem>>, vector<1x16xf32>,
      %swap3A_136 = vector.shape_cast %swap3A_135 : vector<1x16xf32> to vector<16xf32>
      %swap3A_137 = vector.shape_cast %broadcast_in_dim3A_132 : vector<16xf32> to vector<1x16xf32>
      tpu.vector_store %arg9[%swap3A_133, %swap3A_134], %swap3A_137 {strides = array<i32>} : memref<100x128xf32, #tpu.memory_space<vmem>>, vector<1x16xf32>,
      %broadcast_in_dim3A_138 = arith.constant 0.000000e+00 : f32
      %broadcast_in_dim3A_139 = vector.broadcast %broadcast_in_dim3A_138 : f32 to vector<16xf32>
      %swap3A_140 = arith.index_cast %scan3A_125 : i32 to index
      %swap3A_141 = arith.constant 32 : index
      %swap3A_142 = tpu.vector_load %arg9[%swap3A_140, %swap3A_141] {strides = array<i32>} : memref<100x128xf32, #tpu.memory_space<vmem>>, vector<1x16xf32>,
      %swap3A_143 = vector.shape_cast %swap3A_142 : vector<1x16xf32> to vector<16xf32>
      %swap3A_144 = vector.shape_cast %broadcast_in_dim3A_139 : vector<16xf32> to vector<1x16xf32>
      tpu.vector_store %arg9[%swap3A_140, %swap3A_141], %swap3A_144 {strides = array<i32>} : memref<100x128xf32, #tpu.memory_space<vmem>>, vector<1x16xf32>,
      %broadcast_in_dim3A_145 = arith.constant 0.000000e+00 : f32
      %broadcast_in_dim3A_146 = vector.broadcast %broadcast_in_dim3A_145 : f32 to vector<16xf32>
      %swap3A_147 = arith.index_cast %scan3A_125 : i32 to index
      %swap3A_148 = arith.constant 48 : index
      %swap3A_149 = tpu.vector_load %arg9[%swap3A_147, %swap3A_148] {strides = array<i32>} : memref<100x128xf32, #tpu.memory_space<vmem>>, vector<1x16xf32>,
      %swap3A_150 = vector.shape_cast %swap3A_149 : vector<1x16xf32> to vector<16xf32>
      %swap3A_151 = vector.shape_cast %broadcast_in_dim3A_146 : vector<16xf32> to vector<1x16xf32>
      tpu.vector_store %arg9[%swap3A_147, %swap3A_148], %swap3A_151 {strides = array<i32>} : memref<100x128xf32, #tpu.memory_space<vmem>>, vector<1x16xf32>,
      %broadcast_in_dim3A_152 = arith.constant 0.000000e+00 : f32
      %broadcast_in_dim3A_153 = vector.broadcast %broadcast_in_dim3A_152 : f32 to vector<16xf32>
      %swap3A_154 = arith.index_cast %scan3A_125 : i32 to index
      %swap3A_155 = arith.constant 64 : index
      %swap3A_156 = tpu.vector_load %arg9[%swap3A_154, %swap3A_155] {strides = array<i32>} : memref<100x128xf32, #tpu.memory_space<vmem>>, vector<1x16xf32>,
      %swap3A_157 = vector.shape_cast %swap3A_156 : vector<1x16xf32> to vector<16xf32>
      %swap3A_158 = vector.shape_cast %broadcast_in_dim3A_153 : vector<16xf32> to vector<1x16xf32>
      tpu.vector_store %arg9[%swap3A_154, %swap3A_155], %swap3A_158 {strides = array<i32>} : memref<100x128xf32, #tpu.memory_space<vmem>>, vector<1x16xf32>,
      %broadcast_in_dim3A_159 = arith.constant 0.000000e+00 : f32
      %broadcast_in_dim3A_160 = vector.broadcast %broadcast_in_dim3A_159 : f32 to vector<16xf32>
      %swap3A_161 = arith.index_cast %scan3A_125 : i32 to index
      %swap3A_162 = arith.constant 80 : index
      %swap3A_163 = tpu.vector_load %arg9[%swap3A_161, %swap3A_162] {strides = array<i32>} : memref<100x128xf32, #tpu.memory_space<vmem>>, vector<1x16xf32>,
      %swap3A_164 = vector.shape_cast %swap3A_163 : vector<1x16xf32> to vector<16xf32>
      %swap3A_165 = vector.shape_cast %broadcast_in_dim3A_160 : vector<16xf32> to vector<1x16xf32>
      tpu.vector_store %arg9[%swap3A_161, %swap3A_162], %swap3A_165 {strides = array<i32>} : memref<100x128xf32, #tpu.memory_space<vmem>>, vector<1x16xf32>,
      %broadcast_in_dim3A_166 = arith.constant 0.000000e+00 : f32
      %broadcast_in_dim3A_167 = vector.broadcast %broadcast_in_dim3A_166 : f32 to vector<16xf32>
      %swap3A_168 = arith.index_cast %scan3A_125 : i32 to index
      %swap3A_169 = arith.constant 96 : index
      %swap3A_170 = tpu.vector_load %arg9[%swap3A_168, %swap3A_169] {strides = array<i32>} : memref<100x128xf32, #tpu.memory_space<vmem>>, vector<1x16xf32>,
      %swap3A_171 = vector.shape_cast %swap3A_170 : vector<1x16xf32> to vector<16xf32>
      %swap3A_172 = vector.shape_cast %broadcast_in_dim3A_167 : vector<16xf32> to vector<1x16xf32>
      tpu.vector_store %arg9[%swap3A_168, %swap3A_169], %swap3A_172 {strides = array<i32>} : memref<100x128xf32, #tpu.memory_space<vmem>>, vector<1x16xf32>,
      %broadcast_in_dim3A_173 = arith.constant 0.000000e+00 : f32
      %broadcast_in_dim3A_174 = vector.broadcast %broadcast_in_dim3A_173 : f32 to vector<16xf32>
      %swap3A_175 = arith.index_cast %scan3A_125 : i32 to index
      %swap3A_176 = arith.constant 112 : index
      %swap3A_177 = tpu.vector_load %arg9[%swap3A_175, %swap3A_176] {strides = array<i32>} : memref<100x128xf32, #tpu.memory_space<vmem>>, vector<1x16xf32>,
      %swap3A_178 = vector.shape_cast %swap3A_177 : vector<1x16xf32> to vector<16xf32>
      %swap3A_179 = vector.shape_cast %broadcast_in_dim3A_174 : vector<16xf32> to vector<1x16xf32>
      tpu.vector_store %arg9[%swap3A_175, %swap3A_176], %swap3A_179 {strides = array<i32>} : memref<100x128xf32, #tpu.memory_space<vmem>>, vector<1x16xf32>,
      %broadcast_in_dim3A_180 = arith.constant 0.000000e+00 : f32
      %broadcast_in_dim3A_181 = vector.broadcast %broadcast_in_dim3A_180 : f32 to vector<8xf32>
      %swap3A_182 = arith.index_cast %scan3A_125 : i32 to index
      %swap3A_183 = arith.constant 0 : index
      %swap3A_184 = tpu.vector_load %arg14[%swap3A_182, %swap3A_183] {strides = array<i32>} : memref<100x8xf32, #tpu.memory_space<vmem>>, vector<1x8xf32>,
      %swap3A_185 = vector.shape_cast %swap3A_184 : vector<1x8xf32> to vector<8xf32>
      %swap3A_186 = vector.shape_cast %broadcast_in_dim3A_181 : vector<8xf32> to vector<1x8xf32>
      tpu.vector_store %arg14[%swap3A_182, %swap3A_183], %swap3A_186 {strides = array<i32>} : memref<100x8xf32, #tpu.memory_space<vmem>>, vector<1x8xf32>,
    }
    %scan3A_13 = arith.constant 100 : i32
    %mul3A_14 = arith.constant 625 : i32
    %mul3A_15 = arith.muli %arg1, %mul3A_14 : i32
    %add3A_16 = arith.constant 0 : i32
    %add3A_17 = arith.addi %mul3A_15, %add3A_16 : i32
    "tpu.region"() ({
      %run_scoped3A = tpu.sem_alloc : memref<!tpu.dma_semaphore, #tpu.memory_space<semaphore_mem>>
      %dma_start3A_125 = arith.constant 0 : i32
      %dma_start3A_126 = tpu.memref_slice %arg11[%add3A_17, %dma_start3A_125] : memref<10000x128xf32, #tpu.memory_space<vmem_shared>> -> memref<100x128xf32, #tpu.memory_space<vmem_shared>>
      %dma_start3A_127 = arith.constant 0 : i32
      %dma_start3A_128 = tpu.memref_slice %arg11[%add3A_17, %dma_start3A_127] : memref<10000x128xf32, #tpu.memory_space<vmem_shared>> -> memref<100x128xf32, #tpu.memory_space<vmem_shared>>
      tpu.enqueue_dma source(%arg9 : memref<100x128xf32, #tpu.memory_space<vmem>>) target(%dma_start3A_128 : memref<100x128xf32, #tpu.memory_space<vmem_shared>>) target_semaphore(%run_scoped3A : memref<!tpu.dma_semaphore, #tpu.memory_space<semaphore_mem>>)
      %dma_wait3A_129 = arith.constant 0 : i32
      %dma_wait3A_130 = tpu.memref_slice %arg11[%add3A_17, %dma_wait3A_129] : memref<10000x128xf32, #tpu.memory_space<vmem_shared>> -> memref<100x128xf32, #tpu.memory_space<vmem_shared>>
      %dma_wait3A_131 = arith.constant 0 : i32
      %dma_wait3A_132 = tpu.memref_slice %arg11[%add3A_17, %dma_wait3A_131] : memref<10000x128xf32, #tpu.memory_space<vmem_shared>> -> memref<100x128xf32, #tpu.memory_space<vmem_shared>>
      tpu.wait_dma2 semaphore(%run_scoped3A : memref<!tpu.dma_semaphore, #tpu.memory_space<semaphore_mem>>) src(%arg9 : memref<100x128xf32, #tpu.memory_space<vmem>>) dst(%dma_wait3A_132 : memref<100x128xf32, #tpu.memory_space<vmem_shared>>)
      tpu.yield
    }) : () -> ()
    %add3A_18 = arith.constant 0 : i32
    %add3A_19 = arith.addi %mul3A_15, %add3A_18 : i32
    "tpu.region"() ({
      %run_scoped3A = tpu.sem_alloc : memref<!tpu.dma_semaphore, #tpu.memory_space<semaphore_mem>>
      %dma_start3A_125 = arith.constant 0 : i32
      %dma_start3A_126 = tpu.memref_slice %arg15[%add3A_19, %dma_start3A_125] : memref<10000x8xf32, #tpu.memory_space<vmem_shared>> -> memref<100x8xf32, #tpu.memory_space<vmem_shared>>
      %dma_start3A_127 = arith.constant 0 : i32
      %dma_start3A_128 = tpu.memref_slice %arg15[%add3A_19, %dma_start3A_127] : memref<10000x8xf32, #tpu.memory_space<vmem_shared>> -> memref<100x8xf32, #tpu.memory_space<vmem_shared>>
      tpu.enqueue_dma source(%arg14 : memref<100x8xf32, #tpu.memory_space<vmem>>) target(%dma_start3A_128 : memref<100x8xf32, #tpu.memory_space<vmem_shared>>) target_semaphore(%run_scoped3A : memref<!tpu.dma_semaphore, #tpu.memory_space<semaphore_mem>>)
      %dma_wait3A_129 = arith.constant 0 : i32
      %dma_wait3A_130 = tpu.memref_slice %arg15[%add3A_19, %dma_wait3A_129] : memref<10000x8xf32, #tpu.memory_space<vmem_shared>> -> memref<100x8xf32, #tpu.memory_space<vmem_shared>>
      %dma_wait3A_131 = arith.constant 0 : i32
      %dma_wait3A_132 = tpu.memref_slice %arg15[%add3A_19, %dma_wait3A_131] : memref<10000x8xf32, #tpu.memory_space<vmem_shared>> -> memref<100x8xf32, #tpu.memory_space<vmem_shared>>
      tpu.wait_dma2 semaphore(%run_scoped3A : memref<!tpu.dma_semaphore, #tpu.memory_space<semaphore_mem>>) src(%arg14 : memref<100x8xf32, #tpu.memory_space<vmem>>) dst(%dma_wait3A_132 : memref<100x8xf32, #tpu.memory_space<vmem_shared>>)
      tpu.yield
    }) : () -> ()
    %add3A_20 = arith.constant 100 : i32
    %add3A_21 = arith.addi %mul3A_15, %add3A_20 : i32
    "tpu.region"() ({
      %run_scoped3A = tpu.sem_alloc : memref<!tpu.dma_semaphore, #tpu.memory_space<semaphore_mem>>
      %dma_start3A_125 = arith.constant 0 : i32
      %dma_start3A_126 = tpu.memref_slice %arg11[%add3A_21, %dma_start3A_125] : memref<10000x128xf32, #tpu.memory_space<vmem_shared>> -> memref<100x128xf32, #tpu.memory_space<vmem_shared>>
      %dma_start3A_127 = arith.constant 0 : i32
      %dma_start3A_128 = tpu.memref_slice %arg11[%add3A_21, %dma_start3A_127] : memref<10000x128xf32, #tpu.memory_space<vmem_shared>> -> memref<100x128xf32, #tpu.memory_space<vmem_shared>>
      tpu.enqueue_dma source(%arg9 : memref<100x128xf32, #tpu.memory_space<vmem>>) target(%dma_start3A_128 : memref<100x128xf32, #tpu.memory_space<vmem_shared>>) target_semaphore(%run_scoped3A : memref<!tpu.dma_semaphore, #tpu.memory_space<semaphore_mem>>)
      %dma_wait3A_129 = arith.constant 0 : i32
      %dma_wait3A_130 = tpu.memref_slice %arg11[%add3A_21, %dma_wait3A_129] : memref<10000x128xf32, #tpu.memory_space<vmem_shared>> -> memref<100x128xf32, #tpu.memory_space<vmem_shared>>
      %dma_wait3A_131 = arith.constant 0 : i32
      %dma_wait3A_132 = tpu.memref_slice %arg11[%add3A_21, %dma_wait3A_131] : memref<10000x128xf32, #tpu.memory_space<vmem_shared>> -> memref<100x128xf32, #tpu.memory_space<vmem_shared>>
      tpu.wait_dma2 semaphore(%run_scoped3A : memref<!tpu.dma_semaphore, #tpu.memory_space<semaphore_mem>>) src(%arg9 : memref<100x128xf32, #tpu.memory_space<vmem>>) dst(%dma_wait3A_132 : memref<100x128xf32, #tpu.memory_space<vmem_shared>>)
      tpu.yield
    }) : () -> ()
    %add3A_22 = arith.constant 100 : i32
    %add3A_23 = arith.addi %mul3A_15, %add3A_22 : i32
    "tpu.region"() ({
      %run_scoped3A = tpu.sem_alloc : memref<!tpu.dma_semaphore, #tpu.memory_space<semaphore_mem>>
      %dma_start3A_125 = arith.constant 0 : i32
      %dma_start3A_126 = tpu.memref_slice %arg15[%add3A_23, %dma_start3A_125] : memref<10000x8xf32, #tpu.memory_space<vmem_shared>> -> memref<100x8xf32, #tpu.memory_space<vmem_shared>>
      %dma_start3A_127 = arith.constant 0 : i32
      %dma_start3A_128 = tpu.memref_slice %arg15[%add3A_23, %dma_start3A_127] : memref<10000x8xf32, #tpu.memory_space<vmem_shared>> -> memref<100x8xf32, #tpu.memory_space<vmem_shared>>
      tpu.enqueue_dma source(%arg14 : memref<100x8xf32, #tpu.memory_space<vmem>>) target(%dma_start3A_128 : memref<100x8xf32, #tpu.memory_space<vmem_shared>>) target_semaphore(%run_scoped3A : memref<!tpu.dma_semaphore, #tpu.memory_space<semaphore_mem>>)
      %dma_wait3A_129 = arith.constant 0 : i32
      %dma_wait3A_130 = tpu.memref_slice %arg15[%add3A_23, %dma_wait3A_129] : memref<10000x8xf32, #tpu.memory_space<vmem_shared>> -> memref<100x8xf32, #tpu.memory_space<vmem_shared>>
      %dma_wait3A_131 = arith.constant 0 : i32
      %dma_wait3A_132 = tpu.memref_slice %arg15[%add3A_23, %dma_wait3A_131] : memref<10000x8xf32, #tpu.memory_space<vmem_shared>> -> memref<100x8xf32, #tpu.memory_space<vmem_shared>>
      tpu.wait_dma2 semaphore(%run_scoped3A : memref<!tpu.dma_semaphore, #tpu.memory_space<semaphore_mem>>) src(%arg14 : memref<100x8xf32, #tpu.memory_space<vmem>>) dst(%dma_wait3A_132 : memref<100x8xf32, #tpu.memory_space<vmem_shared>>)
      tpu.yield
    }) : () -> ()
    %add3A_24 = arith.constant 200 : i32
    %add3A_25 = arith.addi %mul3A_15, %add3A_24 : i32
    "tpu.region"() ({
      %run_scoped3A = tpu.sem_alloc : memref<!tpu.dma_semaphore, #tpu.memory_space<semaphore_mem>>
      %dma_start3A_125 = arith.constant 0 : i32
      %dma_start3A_126 = tpu.memref_slice %arg11[%add3A_25, %dma_start3A_125] : memref<10000x128xf32, #tpu.memory_space<vmem_shared>> -> memref<100x128xf32, #tpu.memory_space<vmem_shared>>
      %dma_start3A_127 = arith.constant 0 : i32
      %dma_start3A_128 = tpu.memref_slice %arg11[%add3A_25, %dma_start3A_127] : memref<10000x128xf32, #tpu.memory_space<vmem_shared>> -> memref<100x128xf32, #tpu.memory_space<vmem_shared>>
      tpu.enqueue_dma source(%arg9 : memref<100x128xf32, #tpu.memory_space<vmem>>) target(%dma_start3A_128 : memref<100x128xf32, #tpu.memory_space<vmem_shared>>) target_semaphore(%run_scoped3A : memref<!tpu.dma_semaphore, #tpu.memory_space<semaphore_mem>>)
      %dma_wait3A_129 = arith.constant 0 : i32
      %dma_wait3A_130 = tpu.memref_slice %arg11[%add3A_25, %dma_wait3A_129] : memref<10000x128xf32, #tpu.memory_space<vmem_shared>> -> memref<100x128xf32, #tpu.memory_space<vmem_shared>>
      %dma_wait3A_131 = arith.constant 0 : i32
      %dma_wait3A_132 = tpu.memref_slice %arg11[%add3A_25, %dma_wait3A_131] : memref<10000x128xf32, #tpu.memory_space<vmem_shared>> -> memref<100x128xf32, #tpu.memory_space<vmem_shared>>
      tpu.wait_dma2 semaphore(%run_scoped3A : memref<!tpu.dma_semaphore, #tpu.memory_space<semaphore_mem>>) src(%arg9 : memref<100x128xf32, #tpu.memory_space<vmem>>) dst(%dma_wait3A_132 : memref<100x128xf32, #tpu.memory_space<vmem_shared>>)
      tpu.yield
    }) : () -> ()
    %add3A_26 = arith.constant 200 : i32
    %add3A_27 = arith.addi %mul3A_15, %add3A_26 : i32
    "tpu.region"() ({
      %run_scoped3A = tpu.sem_alloc : memref<!tpu.dma_semaphore, #tpu.memory_space<semaphore_mem>>
      %dma_start3A_125 = arith.constant 0 : i32
      %dma_start3A_126 = tpu.memref_slice %arg15[%add3A_27, %dma_start3A_125] : memref<10000x8xf32, #tpu.memory_space<vmem_shared>> -> memref<100x8xf32, #tpu.memory_space<vmem_shared>>
      %dma_start3A_127 = arith.constant 0 : i32
      %dma_start3A_128 = tpu.memref_slice %arg15[%add3A_27, %dma_start3A_127] : memref<10000x8xf32, #tpu.memory_space<vmem_shared>> -> memref<100x8xf32, #tpu.memory_space<vmem_shared>>
      tpu.enqueue_dma source(%arg14 : memref<100x8xf32, #tpu.memory_space<vmem>>) target(%dma_start3A_128 : memref<100x8xf32, #tpu.memory_space<vmem_shared>>) target_semaphore(%run_scoped3A : memref<!tpu.dma_semaphore, #tpu.memory_space<semaphore_mem>>)
      %dma_wait3A_129 = arith.constant 0 : i32
      %dma_wait3A_130 = tpu.memref_slice %arg15[%add3A_27, %dma_wait3A_129] : memref<10000x8xf32, #tpu.memory_space<vmem_shared>> -> memref<100x8xf32, #tpu.memory_space<vmem_shared>>
      %dma_wait3A_131 = arith.constant 0 : i32
      %dma_wait3A_132 = tpu.memref_slice %arg15[%add3A_27, %dma_wait3A_131] : memref<10000x8xf32, #tpu.memory_space<vmem_shared>> -> memref<100x8xf32, #tpu.memory_space<vmem_shared>>
      tpu.wait_dma2 semaphore(%run_scoped3A : memref<!tpu.dma_semaphore, #tpu.memory_space<semaphore_mem>>) src(%arg14 : memref<100x8xf32, #tpu.memory_space<vmem>>) dst(%dma_wait3A_132 : memref<100x8xf32, #tpu.memory_space<vmem_shared>>)
      tpu.yield
    }) : () -> ()
    %add3A_28 = arith.constant 300 : i32
    %add3A_29 = arith.addi %mul3A_15, %add3A_28 : i32
    "tpu.region"() ({
      %run_scoped3A = tpu.sem_alloc : memref<!tpu.dma_semaphore, #tpu.memory_space<semaphore_mem>>
      %dma_start3A_125 = arith.constant 0 : i32
      %dma_start3A_126 = tpu.memref_slice %arg11[%add3A_29, %dma_start3A_125] : memref<10000x128xf32, #tpu.memory_space<vmem_shared>> -> memref<100x128xf32, #tpu.memory_space<vmem_shared>>
      %dma_start3A_127 = arith.constant 0 : i32
      %dma_start3A_128 = tpu.memref_slice %arg11[%add3A_29, %dma_start3A_127] : memref<10000x128xf32, #tpu.memory_space<vmem_shared>> -> memref<100x128xf32, #tpu.memory_space<vmem_shared>>
      tpu.enqueue_dma source(%arg9 : memref<100x128xf32, #tpu.memory_space<vmem>>) target(%dma_start3A_128 : memref<100x128xf32, #tpu.memory_space<vmem_shared>>) target_semaphore(%run_scoped3A : memref<!tpu.dma_semaphore, #tpu.memory_space<semaphore_mem>>)
      %dma_wait3A_129 = arith.constant 0 : i32
      %dma_wait3A_130 = tpu.memref_slice %arg11[%add3A_29, %dma_wait3A_129] : memref<10000x128xf32, #tpu.memory_space<vmem_shared>> -> memref<100x128xf32, #tpu.memory_space<vmem_shared>>
      %dma_wait3A_131 = arith.constant 0 : i32
      %dma_wait3A_132 = tpu.memref_slice %arg11[%add3A_29, %dma_wait3A_131] : memref<10000x128xf32, #tpu.memory_space<vmem_shared>> -> memref<100x128xf32, #tpu.memory_space<vmem_shared>>
      tpu.wait_dma2 semaphore(%run_scoped3A : memref<!tpu.dma_semaphore, #tpu.memory_space<semaphore_mem>>) src(%arg9 : memref<100x128xf32, #tpu.memory_space<vmem>>) dst(%dma_wait3A_132 : memref<100x128xf32, #tpu.memory_space<vmem_shared>>)
      tpu.yield
    }) : () -> ()
    %add3A_30 = arith.constant 300 : i32
    %add3A_31 = arith.addi %mul3A_15, %add3A_30 : i32
    "tpu.region"() ({
      %run_scoped3A = tpu.sem_alloc : memref<!tpu.dma_semaphore, #tpu.memory_space<semaphore_mem>>
      %dma_start3A_125 = arith.constant 0 : i32
      %dma_start3A_126 = tpu.memref_slice %arg15[%add3A_31, %dma_start3A_125] : memref<10000x8xf32, #tpu.memory_space<vmem_shared>> -> memref<100x8xf32, #tpu.memory_space<vmem_shared>>
      %dma_start3A_127 = arith.constant 0 : i32
      %dma_start3A_128 = tpu.memref_slice %arg15[%add3A_31, %dma_start3A_127] : memref<10000x8xf32, #tpu.memory_space<vmem_shared>> -> memref<100x8xf32, #tpu.memory_space<vmem_shared>>
      tpu.enqueue_dma source(%arg14 : memref<100x8xf32, #tpu.memory_space<vmem>>) target(%dma_start3A_128 : memref<100x8xf32, #tpu.memory_space<vmem_shared>>) target_semaphore(%run_scoped3A : memref<!tpu.dma_semaphore, #tpu.memory_space<semaphore_mem>>)
      %dma_wait3A_129 = arith.constant 0 : i32
      %dma_wait3A_130 = tpu.memref_slice %arg15[%add3A_31, %dma_wait3A_129] : memref<10000x8xf32, #tpu.memory_space<vmem_shared>> -> memref<100x8xf32, #tpu.memory_space<vmem_shared>>
      %dma_wait3A_131 = arith.constant 0 : i32
      %dma_wait3A_132 = tpu.memref_slice %arg15[%add3A_31, %dma_wait3A_131] : memref<10000x8xf32, #tpu.memory_space<vmem_shared>> -> memref<100x8xf32, #tpu.memory_space<vmem_shared>>
      tpu.wait_dma2 semaphore(%run_scoped3A : memref<!tpu.dma_semaphore, #tpu.memory_space<semaphore_mem>>) src(%arg14 : memref<100x8xf32, #tpu.memory_space<vmem>>) dst(%dma_wait3A_132 : memref<100x8xf32, #tpu.memory_space<vmem_shared>>)
      tpu.yield
    }) : () -> ()
    %add3A_32 = arith.constant 400 : i32
    %add3A_33 = arith.addi %mul3A_15, %add3A_32 : i32
    "tpu.region"() ({
      %run_scoped3A = tpu.sem_alloc : memref<!tpu.dma_semaphore, #tpu.memory_space<semaphore_mem>>
      %dma_start3A_125 = arith.constant 0 : i32
      %dma_start3A_126 = tpu.memref_slice %arg11[%add3A_33, %dma_start3A_125] : memref<10000x128xf32, #tpu.memory_space<vmem_shared>> -> memref<100x128xf32, #tpu.memory_space<vmem_shared>>
      %dma_start3A_127 = arith.constant 0 : i32
      %dma_start3A_128 = tpu.memref_slice %arg11[%add3A_33, %dma_start3A_127] : memref<10000x128xf32, #tpu.memory_space<vmem_shared>> -> memref<100x128xf32, #tpu.memory_space<vmem_shared>>
      tpu.enqueue_dma source(%arg9 : memref<100x128xf32, #tpu.memory_space<vmem>>) target(%dma_start3A_128 : memref<100x128xf32, #tpu.memory_space<vmem_shared>>) target_semaphore(%run_scoped3A : memref<!tpu.dma_semaphore, #tpu.memory_space<semaphore_mem>>)
      %dma_wait3A_129 = arith.constant 0 : i32
      %dma_wait3A_130 = tpu.memref_slice %arg11[%add3A_33, %dma_wait3A_129] : memref<10000x128xf32, #tpu.memory_space<vmem_shared>> -> memref<100x128xf32, #tpu.memory_space<vmem_shared>>
      %dma_wait3A_131 = arith.constant 0 : i32
      %dma_wait3A_132 = tpu.memref_slice %arg11[%add3A_33, %dma_wait3A_131] : memref<10000x128xf32, #tpu.memory_space<vmem_shared>> -> memref<100x128xf32, #tpu.memory_space<vmem_shared>>
      tpu.wait_dma2 semaphore(%run_scoped3A : memref<!tpu.dma_semaphore, #tpu.memory_space<semaphore_mem>>) src(%arg9 : memref<100x128xf32, #tpu.memory_space<vmem>>) dst(%dma_wait3A_132 : memref<100x128xf32, #tpu.memory_space<vmem_shared>>)
      tpu.yield
    }) : () -> ()
    %add3A_34 = arith.constant 400 : i32
    %add3A_35 = arith.addi %mul3A_15, %add3A_34 : i32
    "tpu.region"() ({
      %run_scoped3A = tpu.sem_alloc : memref<!tpu.dma_semaphore, #tpu.memory_space<semaphore_mem>>
      %dma_start3A_125 = arith.constant 0 : i32
      %dma_start3A_126 = tpu.memref_slice %arg15[%add3A_35, %dma_start3A_125] : memref<10000x8xf32, #tpu.memory_space<vmem_shared>> -> memref<100x8xf32, #tpu.memory_space<vmem_shared>>
      %dma_start3A_127 = arith.constant 0 : i32
      %dma_start3A_128 = tpu.memref_slice %arg15[%add3A_35, %dma_start3A_127] : memref<10000x8xf32, #tpu.memory_space<vmem_shared>> -> memref<100x8xf32, #tpu.memory_space<vmem_shared>>
      tpu.enqueue_dma source(%arg14 : memref<100x8xf32, #tpu.memory_space<vmem>>) target(%dma_start3A_128 : memref<100x8xf32, #tpu.memory_space<vmem_shared>>) target_semaphore(%run_scoped3A : memref<!tpu.dma_semaphore, #tpu.memory_space<semaphore_mem>>)
      %dma_wait3A_129 = arith.constant 0 : i32
      %dma_wait3A_130 = tpu.memref_slice %arg15[%add3A_35, %dma_wait3A_129] : memref<10000x8xf32, #tpu.memory_space<vmem_shared>> -> memref<100x8xf32, #tpu.memory_space<vmem_shared>>
      %dma_wait3A_131 = arith.constant 0 : i32
      %dma_wait3A_132 = tpu.memref_slice %arg15[%add3A_35, %dma_wait3A_131] : memref<10000x8xf32, #tpu.memory_space<vmem_shared>> -> memref<100x8xf32, #tpu.memory_space<vmem_shared>>
      tpu.wait_dma2 semaphore(%run_scoped3A : memref<!tpu.dma_semaphore, #tpu.memory_space<semaphore_mem>>) src(%arg14 : memref<100x8xf32, #tpu.memory_space<vmem>>) dst(%dma_wait3A_132 : memref<100x8xf32, #tpu.memory_space<vmem_shared>>)
      tpu.yield
    }) : () -> ()
    %add3A_36 = arith.constant 500 : i32
    %add3A_37 = arith.addi %mul3A_15, %add3A_36 : i32
    "tpu.region"() ({
      %run_scoped3A = tpu.sem_alloc : memref<!tpu.dma_semaphore, #tpu.memory_space<semaphore_mem>>
      %dma_start3A_125 = arith.constant 0 : i32
      %dma_start3A_126 = tpu.memref_slice %arg11[%add3A_37, %dma_start3A_125] : memref<10000x128xf32, #tpu.memory_space<vmem_shared>> -> memref<100x128xf32, #tpu.memory_space<vmem_shared>>
      %dma_start3A_127 = arith.constant 0 : i32
      %dma_start3A_128 = tpu.memref_slice %arg11[%add3A_37, %dma_start3A_127] : memref<10000x128xf32, #tpu.memory_space<vmem_shared>> -> memref<100x128xf32, #tpu.memory_space<vmem_shared>>
      tpu.enqueue_dma source(%arg9 : memref<100x128xf32, #tpu.memory_space<vmem>>) target(%dma_start3A_128 : memref<100x128xf32, #tpu.memory_space<vmem_shared>>) target_semaphore(%run_scoped3A : memref<!tpu.dma_semaphore, #tpu.memory_space<semaphore_mem>>)
      %dma_wait3A_129 = arith.constant 0 : i32
      %dma_wait3A_130 = tpu.memref_slice %arg11[%add3A_37, %dma_wait3A_129] : memref<10000x128xf32, #tpu.memory_space<vmem_shared>> -> memref<100x128xf32, #tpu.memory_space<vmem_shared>>
      %dma_wait3A_131 = arith.constant 0 : i32
      %dma_wait3A_132 = tpu.memref_slice %arg11[%add3A_37, %dma_wait3A_131] : memref<10000x128xf32, #tpu.memory_space<vmem_shared>> -> memref<100x128xf32, #tpu.memory_space<vmem_shared>>
      tpu.wait_dma2 semaphore(%run_scoped3A : memref<!tpu.dma_semaphore, #tpu.memory_space<semaphore_mem>>) src(%arg9 : memref<100x128xf32, #tpu.memory_space<vmem>>) dst(%dma_wait3A_132 : memref<100x128xf32, #tpu.memory_space<vmem_shared>>)
      tpu.yield
    }) : () -> ()
    %add3A_38 = arith.constant 500 : i32
    %add3A_39 = arith.addi %mul3A_15, %add3A_38 : i32
    "tpu.region"() ({
      %run_scoped3A = tpu.sem_alloc : memref<!tpu.dma_semaphore, #tpu.memory_space<semaphore_mem>>
      %dma_start3A_125 = arith.constant 0 : i32
      %dma_start3A_126 = tpu.memref_slice %arg15[%add3A_39, %dma_start3A_125] : memref<10000x8xf32, #tpu.memory_space<vmem_shared>> -> memref<100x8xf32, #tpu.memory_space<vmem_shared>>
      %dma_start3A_127 = arith.constant 0 : i32
      %dma_start3A_128 = tpu.memref_slice %arg15[%add3A_39, %dma_start3A_127] : memref<10000x8xf32, #tpu.memory_space<vmem_shared>> -> memref<100x8xf32, #tpu.memory_space<vmem_shared>>
      tpu.enqueue_dma source(%arg14 : memref<100x8xf32, #tpu.memory_space<vmem>>) target(%dma_start3A_128 : memref<100x8xf32, #tpu.memory_space<vmem_shared>>) target_semaphore(%run_scoped3A : memref<!tpu.dma_semaphore, #tpu.memory_space<semaphore_mem>>)
      %dma_wait3A_129 = arith.constant 0 : i32
      %dma_wait3A_130 = tpu.memref_slice %arg15[%add3A_39, %dma_wait3A_129] : memref<10000x8xf32, #tpu.memory_space<vmem_shared>> -> memref<100x8xf32, #tpu.memory_space<vmem_shared>>
      %dma_wait3A_131 = arith.constant 0 : i32
      %dma_wait3A_132 = tpu.memref_slice %arg15[%add3A_39, %dma_wait3A_131] : memref<10000x8xf32, #tpu.memory_space<vmem_shared>> -> memref<100x8xf32, #tpu.memory_space<vmem_shared>>
      tpu.wait_dma2 semaphore(%run_scoped3A : memref<!tpu.dma_semaphore, #tpu.memory_space<semaphore_mem>>) src(%arg14 : memref<100x8xf32, #tpu.memory_space<vmem>>) dst(%dma_wait3A_132 : memref<100x8xf32, #tpu.memory_space<vmem_shared>>)
      tpu.yield
    }) : () -> ()
    %add3A_40 = arith.constant 600 : i32
    %add3A_41 = arith.addi %mul3A_15, %add3A_40 : i32
    "tpu.region"() ({
      %run_scoped3A = tpu.sem_alloc : memref<!tpu.dma_semaphore, #tpu.memory_space<semaphore_mem>>
      %dma_start3A_125 = arith.constant 0 : i32
      %dma_start3A_126 = arith.constant 0 : i32
      %dma_start3A_127 = tpu.memref_slice %arg9[%dma_start3A_125, %dma_start3A_126] : memref<100x128xf32, #tpu.memory_space<vmem>> -> memref<25x128xf32, #tpu.memory_space<vmem>>
      %dma_start3A_128 = arith.constant 0 : i32
      %dma_start3A_129 = tpu.memref_slice %arg11[%add3A_41, %dma_start3A_128] : memref<10000x128xf32, #tpu.memory_space<vmem_shared>> -> memref<25x128xf32, #tpu.memory_space<vmem_shared>>
      %dma_start3A_130 = arith.constant 0 : i32
      %dma_start3A_131 = tpu.memref_slice %arg11[%add3A_41, %dma_start3A_130] : memref<10000x128xf32, #tpu.memory_space<vmem_shared>> -> memref<25x128xf32, #tpu.memory_space<vmem_shared>>
      %dma_start3A_132 = arith.constant 0 : i32
      %dma_start3A_133 = arith.constant 0 : i32
      %dma_start3A_134 = tpu.memref_slice %arg9[%dma_start3A_132, %dma_start3A_133] : memref<100x128xf32, #tpu.memory_space<vmem>> -> memref<25x128xf32, #tpu.memory_space<vmem>>
      tpu.enqueue_dma source(%dma_start3A_134 : memref<25x128xf32, #tpu.memory_space<vmem>>) target(%dma_start3A_131 : memref<25x128xf32, #tpu.memory_space<vmem_shared>>) target_semaphore(%run_scoped3A : memref<!tpu.dma_semaphore, #tpu.memory_space<semaphore_mem>>)
      %dma_wait3A_135 = arith.constant 0 : i32
      %dma_wait3A_136 = arith.constant 0 : i32
      %dma_wait3A_137 = tpu.memref_slice %arg9[%dma_wait3A_135, %dma_wait3A_136] : memref<100x128xf32, #tpu.memory_space<vmem>> -> memref<25x128xf32, #tpu.memory_space<vmem>>
      %dma_wait3A_138 = arith.constant 0 : i32
      %dma_wait3A_139 = tpu.memref_slice %arg11[%add3A_41, %dma_wait3A_138] : memref<10000x128xf32, #tpu.memory_space<vmem_shared>> -> memref<25x128xf32, #tpu.memory_space<vmem_shared>>
      %dma_wait3A_140 = arith.constant 0 : i32
      %dma_wait3A_141 = tpu.memref_slice %arg11[%add3A_41, %dma_wait3A_140] : memref<10000x128xf32, #tpu.memory_space<vmem_shared>> -> memref<25x128xf32, #tpu.memory_space<vmem_shared>>
      %dma_wait3A_142 = arith.constant 0 : i32
      %dma_wait3A_143 = arith.constant 0 : i32
      %dma_wait3A_144 = tpu.memref_slice %arg9[%dma_wait3A_142, %dma_wait3A_143] : memref<100x128xf32, #tpu.memory_space<vmem>> -> memref<25x128xf32, #tpu.memory_space<vmem>>
      tpu.wait_dma2 semaphore(%run_scoped3A : memref<!tpu.dma_semaphore, #tpu.memory_space<semaphore_mem>>) src(%dma_wait3A_144 : memref<25x128xf32, #tpu.memory_space<vmem>>) dst(%dma_wait3A_141 : memref<25x128xf32, #tpu.memory_space<vmem_shared>>)
      tpu.yield
    }) : () -> ()
    %add3A_42 = arith.constant 600 : i32
    %add3A_43 = arith.addi %mul3A_15, %add3A_42 : i32
    "tpu.region"() ({
      %run_scoped3A = tpu.sem_alloc : memref<!tpu.dma_semaphore, #tpu.memory_space<semaphore_mem>>
      %dma_start3A_125 = arith.constant 0 : i32
      %dma_start3A_126 = arith.constant 0 : i32
      %dma_start3A_127 = tpu.memref_slice %arg14[%dma_start3A_125, %dma_start3A_126] : memref<100x8xf32, #tpu.memory_space<vmem>> -> memref<25x8xf32, #tpu.memory_space<vmem>>
      %dma_start3A_128 = arith.constant 0 : i32
      %dma_start3A_129 = tpu.memref_slice %arg15[%add3A_43, %dma_start3A_128] : memref<10000x8xf32, #tpu.memory_space<vmem_shared>> -> memref<25x8xf32, #tpu.memory_space<vmem_shared>>
      %dma_start3A_130 = arith.constant 0 : i32
      %dma_start3A_131 = tpu.memref_slice %arg15[%add3A_43, %dma_start3A_130] : memref<10000x8xf32, #tpu.memory_space<vmem_shared>> -> memref<25x8xf32, #tpu.memory_space<vmem_shared>>
      %dma_start3A_132 = arith.constant 0 : i32
      %dma_start3A_133 = arith.constant 0 : i32
      %dma_start3A_134 = tpu.memref_slice %arg14[%dma_start3A_132, %dma_start3A_133] : memref<100x8xf32, #tpu.memory_space<vmem>> -> memref<25x8xf32, #tpu.memory_space<vmem>>
      tpu.enqueue_dma source(%dma_start3A_134 : memref<25x8xf32, #tpu.memory_space<vmem>>) target(%dma_start3A_131 : memref<25x8xf32, #tpu.memory_space<vmem_shared>>) target_semaphore(%run_scoped3A : memref<!tpu.dma_semaphore, #tpu.memory_space<semaphore_mem>>)
      %dma_wait3A_135 = arith.constant 0 : i32
      %dma_wait3A_136 = arith.constant 0 : i32
      %dma_wait3A_137 = tpu.memref_slice %arg14[%dma_wait3A_135, %dma_wait3A_136] : memref<100x8xf32, #tpu.memory_space<vmem>> -> memref<25x8xf32, #tpu.memory_space<vmem>>
      %dma_wait3A_138 = arith.constant 0 : i32
      %dma_wait3A_139 = tpu.memref_slice %arg15[%add3A_43, %dma_wait3A_138] : memref<10000x8xf32, #tpu.memory_space<vmem_shared>> -> memref<25x8xf32, #tpu.memory_space<vmem_shared>>
      %dma_wait3A_140 = arith.constant 0 : i32
      %dma_wait3A_141 = tpu.memref_slice %arg15[%add3A_43, %dma_wait3A_140] : memref<10000x8xf32, #tpu.memory_space<vmem_shared>> -> memref<25x8xf32, #tpu.memory_space<vmem_shared>>
      %dma_wait3A_142 = arith.constant 0 : i32
      %dma_wait3A_143 = arith.constant 0 : i32
      %dma_wait3A_144 = tpu.memref_slice %arg14[%dma_wait3A_142, %dma_wait3A_143] : memref<100x8xf32, #tpu.memory_space<vmem>> -> memref<25x8xf32, #tpu.memory_space<vmem>>
      tpu.wait_dma2 semaphore(%run_scoped3A : memref<!tpu.dma_semaphore, #tpu.memory_space<semaphore_mem>>) src(%dma_wait3A_144 : memref<25x8xf32, #tpu.memory_space<vmem>>) dst(%dma_wait3A_141 : memref<25x8xf32, #tpu.memory_space<vmem_shared>>)
      tpu.yield
    }) : () -> ()
    %scan3A_44 = arith.constant 0 : i32
    %scan3A_45 = arith.constant 0 : i32
    %scan3A_46 = arith.constant 100 : i32
    %scan3A_47 = arith.addi %scan3A_45, %scan3A_46 : i32
    %scan3A_48 = arith.constant 1 : i32
    scf.for %scan3A_125 = %scan3A_45 to %scan3A_47 step %scan3A_48  : i32 {
      %broadcast_in_dim3A = arith.constant 1.000000e+00 : f32
      %broadcast_in_dim3A_126 = vector.broadcast %broadcast_in_dim3A : f32 to vector<8xf32>
      %swap3A = arith.index_cast %scan3A_125 : i32 to index
      %swap3A_127 = arith.constant 0 : index
      %swap3A_128 = tpu.vector_load %arg14[%swap3A, %swap3A_127] {strides = array<i32>} : memref<100x8xf32, #tpu.memory_space<vmem>>, vector<1x8xf32>,
      %swap3A_129 = vector.shape_cast %swap3A_128 : vector<1x8xf32> to vector<8xf32>
      %swap3A_130 = vector.shape_cast %broadcast_in_dim3A_126 : vector<8xf32> to vector<1x8xf32>
      tpu.vector_store %arg14[%swap3A, %swap3A_127], %swap3A_130 {strides = array<i32>} : memref<100x8xf32, #tpu.memory_space<vmem>>, vector<1x8xf32>,
    }
    %scan3A_49 = arith.constant 100 : i32
    %dma_wait3A = arith.constant 0 : i32
    %dma_wait3A_50 = arith.constant 0 : i32
    %dma_wait3A_51 = arith.constant 0 : i32
    %dma_wait3A_52 = tpu.memref_slice %arg3[%dma_wait3A, %add3A, %dma_wait3A_50, %dma_wait3A_51] : memref<2x32x100x100xi32, #tpu.memory_space<hbm>> -> memref<1x1x100x100xi32, #tpu.memory_space<hbm>>
    %dma_wait3A_53 = tpu.memref_squeeze %dma_wait3A_52 : memref<1x1x100x100xi32, #tpu.memory_space<hbm>> -> memref<100x100xi32, #tpu.memory_space<hbm>>
    %dma_wait3A_54 = arith.constant 0 : i32
    %dma_wait3A_55 = arith.constant 0 : i32
    %dma_wait3A_56 = tpu.memref_slice %arg3[%dma_wait3A, %add3A, %dma_wait3A_54, %dma_wait3A_55] : memref<2x32x100x100xi32, #tpu.memory_space<hbm>> -> memref<1x1x100x100xi32, #tpu.memory_space<hbm>>
    %dma_wait3A_57 = tpu.memref_squeeze %dma_wait3A_56 : memref<1x1x100x100xi32, #tpu.memory_space<hbm>> -> memref<100x100xi32, #tpu.memory_space<hbm>>
    tpu.wait_dma2 semaphore(%arg12 : memref<!tpu.dma_semaphore, #tpu.memory_space<semaphore_mem>>) src(%dma_wait3A_57 : memref<100x100xi32, #tpu.memory_space<hbm>>) dst(%arg6 : memref<100x100xi32, #tpu.memory_space<vmem>>)
    %barrier3A = arith.constant 0 : index
    tpu.barrier barrier_id(%barrier3A)
    %dma_start3A_58 = arith.constant 1 : i32
    %dma_start3A_59 = arith.constant 0 : i32
    %dma_start3A_60 = arith.constant 0 : i32
    %dma_start3A_61 = tpu.memref_slice %arg3[%dma_start3A_58, %add3A, %dma_start3A_59, %dma_start3A_60] : memref<2x32x100x100xi32, #tpu.memory_space<hbm>> -> memref<1x1x1x100xi32, #tpu.memory_space<hbm>>
    %dma_start3A_62 = tpu.memref_squeeze %dma_start3A_61 : memref<1x1x1x100xi32, #tpu.memory_space<hbm>> -> memref<100xi32, #tpu.memory_space<hbm>>
    %dma_start3A_63 = arith.constant 0 : i32
    %dma_start3A_64 = tpu.memref_slice %arg3[%dma_start3A_58, %add3A, %dma_start3A_59, %dma_start3A_63] : memref<2x32x100x100xi32, #tpu.memory_space<hbm>> -> memref<1x1x1x100xi32, #tpu.memory_space<hbm>>
    %dma_start3A_65 = tpu.memref_squeeze %dma_start3A_64 : memref<1x1x1x100xi32, #tpu.memory_space<hbm>> -> memref<100xi32, #tpu.memory_space<hbm>>
    tpu.enqueue_dma source(%dma_start3A_65 : memref<100xi32, #tpu.memory_space<hbm>>) target(%arg7 : memref<100xi32, #tpu.memory_space<vmem>>) target_semaphore(%arg12 : memref<!tpu.dma_semaphore, #tpu.memory_space<semaphore_mem>>)
    %dma_start3A_66 = arith.constant 0 : i32
    %dma_start3A_67 = arith.constant 0 : i32
    %dma_start3A_68 = tpu.memref_slice %arg6[%dma_start3A_66, %dma_start3A_67] : memref<100x100xi32, #tpu.memory_space<vmem>> -> memref<1x100xi32, #tpu.memory_space<vmem>>
    %dma_start3A_69 = tpu.memref_squeeze %dma_start3A_68 : memref<1x100xi32, #tpu.memory_space<vmem>> -> memref<100xi32, #tpu.memory_space<vmem>>
    %dma_start3A_70 = arith.constant 0 : i32
    %dma_start3A_71 = arith.constant 0 : i32
    %dma_start3A_72 = tpu.memref_slice %arg2[%dma_start3A_70, %dma_start3A_71] : memref<10000x128xf32, #tpu.memory_space<hbm>> -> memref<10000x128xf32, #tpu.memory_space<hbm>>
    tpu.enqueue_indirect_dma source(%dma_start3A_72 : memref<10000x128xf32, #tpu.memory_space<hbm>>) target(%arg9 : memref<100x128xf32, #tpu.memory_space<vmem>>) offsets(%dma_start3A_69 : memref<100xi32, #tpu.memory_space<vmem>>) semaphore(%arg12 : memref<!tpu.dma_semaphore, #tpu.memory_space<semaphore_mem>>)
    %dma_start3A_73 = arith.constant 1 : i32
    %dma_start3A_74 = arith.constant 1 : i32
    %dma_start3A_75 = arith.constant 0 : i32
    %dma_start3A_76 = tpu.memref_slice %arg3[%dma_start3A_73, %add3A, %dma_start3A_74, %dma_start3A_75] : memref<2x32x100x100xi32, #tpu.memory_space<hbm>> -> memref<1x1x1x100xi32, #tpu.memory_space<hbm>>
    %dma_start3A_77 = tpu.memref_squeeze %dma_start3A_76 : memref<1x1x1x100xi32, #tpu.memory_space<hbm>> -> memref<100xi32, #tpu.memory_space<hbm>>
    %dma_start3A_78 = arith.constant 0 : i32
    %dma_start3A_79 = tpu.memref_slice %arg3[%dma_start3A_73, %add3A, %dma_start3A_74, %dma_start3A_78] : memref<2x32x100x100xi32, #tpu.memory_space<hbm>> -> memref<1x1x1x100xi32, #tpu.memory_space<hbm>>
    %dma_start3A_80 = tpu.memref_squeeze %dma_start3A_79 : memref<1x1x1x100xi32, #tpu.memory_space<hbm>> -> memref<100xi32, #tpu.memory_space<hbm>>
    tpu.enqueue_dma source(%dma_start3A_80 : memref<100xi32, #tpu.memory_space<hbm>>) target(%arg8 : memref<100xi32, #tpu.memory_space<vmem>>) target_semaphore(%arg13 : memref<!tpu.dma_semaphore, #tpu.memory_space<semaphore_mem>>)
    %dma_start3A_81 = arith.constant 1 : i32
    %dma_start3A_82 = arith.constant 0 : i32
    %dma_start3A_83 = tpu.memref_slice %arg6[%dma_start3A_81, %dma_start3A_82] : memref<100x100xi32, #tpu.memory_space<vmem>> -> memref<1x100xi32, #tpu.memory_space<vmem>>
    %dma_start3A_84 = tpu.memref_squeeze %dma_start3A_83 : memref<1x100xi32, #tpu.memory_space<vmem>> -> memref<100xi32, #tpu.memory_space<vmem>>
    %dma_start3A_85 = arith.constant 0 : i32
    %dma_start3A_86 = arith.constant 0 : i32
    %dma_start3A_87 = tpu.memref_slice %arg2[%dma_start3A_85, %dma_start3A_86] : memref<10000x128xf32, #tpu.memory_space<hbm>> -> memref<10000x128xf32, #tpu.memory_space<hbm>>
    tpu.enqueue_indirect_dma source(%dma_start3A_87 : memref<10000x128xf32, #tpu.memory_space<hbm>>) target(%arg10 : memref<100x128xf32, #tpu.memory_space<vmem>>) offsets(%dma_start3A_84 : memref<100xi32, #tpu.memory_space<vmem>>) semaphore(%arg13 : memref<!tpu.dma_semaphore, #tpu.memory_space<semaphore_mem>>)
    %scan3A_88 = arith.constant 0 : i32
    %scan3A_89 = arith.constant 0 : i32
    %scan3A_90 = arith.constant 50 : i32
    %scan3A_91 = arith.addi %scan3A_89, %scan3A_90 : i32
    %scan3A_92 = arith.constant 1 : i32
    scf.for %scan3A_125 = %scan3A_89 to %scan3A_91 step %scan3A_92  : i32 {
      %mul3A_126 = arith.constant 2 : i32
      %mul3A_127 = arith.muli %mul3A_126, %scan3A_125 : i32
      %dma_wait3A_128 = arith.constant 1 : i32
      %dma_wait3A_129 = arith.constant 0 : i32
      %dma_wait3A_130 = arith.constant 0 : i32
      %dma_wait3A_131 = tpu.memref_slice %arg3[%dma_wait3A_128, %add3A, %dma_wait3A_129, %dma_wait3A_130] : memref<2x32x100x100xi32, #tpu.memory_space<hbm>> -> memref<1x1x1x100xi32, #tpu.memory_space<hbm>>
      %dma_wait3A_132 = tpu.memref_squeeze %dma_wait3A_131 : memref<1x1x1x100xi32, #tpu.memory_space<hbm>> -> memref<100xi32, #tpu.memory_space<hbm>>
      %dma_wait3A_133 = arith.constant 0 : i32
      %dma_wait3A_134 = tpu.memref_slice %arg3[%dma_wait3A_128, %add3A, %dma_wait3A_129, %dma_wait3A_133] : memref<2x32x100x100xi32, #tpu.memory_space<hbm>> -> memref<1x1x1x100xi32, #tpu.memory_space<hbm>>
      %dma_wait3A_135 = tpu.memref_squeeze %dma_wait3A_134 : memref<1x1x1x100xi32, #tpu.memory_space<hbm>> -> memref<100xi32, #tpu.memory_space<hbm>>
      tpu.wait_dma2 semaphore(%arg12 : memref<!tpu.dma_semaphore, #tpu.memory_space<semaphore_mem>>) src(%dma_wait3A_135 : memref<100xi32, #tpu.memory_space<hbm>>) dst(%arg7 : memref<100xi32, #tpu.memory_space<vmem>>)
      %dma_wait3A_136 = arith.constant 0 : i32
      %dma_wait3A_137 = arith.constant 0 : i32
      %dma_wait3A_138 = tpu.memref_slice %arg6[%dma_wait3A_136, %dma_wait3A_137] : memref<100x100xi32, #tpu.memory_space<vmem>> -> memref<1x100xi32, #tpu.memory_space<vmem>>
      %dma_wait3A_139 = tpu.memref_squeeze %dma_wait3A_138 : memref<1x100xi32, #tpu.memory_space<vmem>> -> memref<100xi32, #tpu.memory_space<vmem>>
      %dma_wait3A_140 = arith.constant 0 : i32
      %dma_wait3A_141 = arith.constant 0 : i32
      %dma_wait3A_142 = tpu.memref_slice %arg2[%dma_wait3A_140, %dma_wait3A_141] : memref<10000x128xf32, #tpu.memory_space<hbm>> -> memref<10000x128xf32, #tpu.memory_space<hbm>>
      tpu.wait_indirect_dma semaphore(%arg12 : memref<!tpu.dma_semaphore, #tpu.memory_space<semaphore_mem>>) src(%dma_wait3A_142 : memref<10000x128xf32, #tpu.memory_space<hbm>>) dst(%arg9 : memref<100x128xf32, #tpu.memory_space<vmem>>)
      "tpu.region"() ({
        %run_scoped3A = tpu.sem_alloc : memref<!tpu.dma_semaphore, #tpu.memory_space<semaphore_mem>>
        %dma_start3A_193 = arith.constant 0 : i32
        %dma_start3A_194 = arith.constant 0 : i32
        %dma_start3A_195 = tpu.memref_slice %arg11[%dma_start3A_193, %dma_start3A_194] : memref<10000x128xf32, #tpu.memory_space<vmem_shared>> -> memref<10000x128xf32, #tpu.memory_space<vmem_shared>>
        tpu.enqueue_indirect_dma source(%arg9 : memref<100x128xf32, #tpu.memory_space<vmem>>) target(%dma_start3A_195 : memref<10000x128xf32, #tpu.memory_space<vmem_shared>>) offsets(%arg7 : memref<100xi32, #tpu.memory_space<vmem>>) semaphore(%run_scoped3A : memref<!tpu.dma_semaphore, #tpu.memory_space<semaphore_mem>>) {add = true}
        %dma_wait3A_196 = arith.constant 0 : i32
        %dma_wait3A_197 = arith.constant 0 : i32
        %dma_wait3A_198 = tpu.memref_slice %arg11[%dma_wait3A_196, %dma_wait3A_197] : memref<10000x128xf32, #tpu.memory_space<vmem_shared>> -> memref<10000x128xf32, #tpu.memory_space<vmem_shared>>
        tpu.wait_indirect_dma semaphore(%run_scoped3A : memref<!tpu.dma_semaphore, #tpu.memory_space<semaphore_mem>>) src(%arg9 : memref<100x128xf32, #tpu.memory_space<vmem>>) dst(%dma_wait3A_198 : memref<10000x128xf32, #tpu.memory_space<vmem_shared>>)
        tpu.yield
      }) : () -> ()
      "tpu.region"() ({
        %run_scoped3A = tpu.sem_alloc : memref<!tpu.dma_semaphore, #tpu.memory_space<semaphore_mem>>
        %dma_start3A_193 = arith.constant 0 : i32
        %dma_start3A_194 = arith.constant 0 : i32
        %dma_start3A_195 = tpu.memref_slice %arg15[%dma_start3A_193, %dma_start3A_194] : memref<10000x8xf32, #tpu.memory_space<vmem_shared>> -> memref<10000x8xf32, #tpu.memory_space<vmem_shared>>
        tpu.enqueue_indirect_dma source(%arg14 : memref<100x8xf32, #tpu.memory_space<vmem>>) target(%dma_start3A_195 : memref<10000x8xf32, #tpu.memory_space<vmem_shared>>) offsets(%arg7 : memref<100xi32, #tpu.memory_space<vmem>>) semaphore(%run_scoped3A : memref<!tpu.dma_semaphore, #tpu.memory_space<semaphore_mem>>) {add = true}
        %dma_wait3A_196 = arith.constant 0 : i32
        %dma_wait3A_197 = arith.constant 0 : i32
        %dma_wait3A_198 = tpu.memref_slice %arg15[%dma_wait3A_196, %dma_wait3A_197] : memref<10000x8xf32, #tpu.memory_space<vmem_shared>> -> memref<10000x8xf32, #tpu.memory_space<vmem_shared>>
        tpu.wait_indirect_dma semaphore(%run_scoped3A : memref<!tpu.dma_semaphore, #tpu.memory_space<semaphore_mem>>) src(%arg14 : memref<100x8xf32, #tpu.memory_space<vmem>>) dst(%dma_wait3A_198 : memref<10000x8xf32, #tpu.memory_space<vmem_shared>>)
        tpu.yield
      }) : () -> ()
      %add3A_143 = arith.constant 2 : i32
      %add3A_144 = arith.addi %mul3A_127, %add3A_143 : i32
      %min3A = arith.constant 99 : i32
      %min3A_145 = arith.minsi %add3A_144, %min3A : i32
      %dma_start3A_146 = arith.constant 1 : i32
      %dma_start3A_147 = arith.constant 0 : i32
      %dma_start3A_148 = tpu.memref_slice %arg3[%dma_start3A_146, %add3A, %min3A_145, %dma_start3A_147] : memref<2x32x100x100xi32, #tpu.memory_space<hbm>> -> memref<1x1x1x100xi32, #tpu.memory_space<hbm>>
      %dma_start3A_149 = tpu.memref_squeeze %dma_start3A_148 : memref<1x1x1x100xi32, #tpu.memory_space<hbm>> -> memref<100xi32, #tpu.memory_space<hbm>>
      %dma_start3A_150 = arith.constant 0 : i32
      %dma_start3A_151 = tpu.memref_slice %arg3[%dma_start3A_146, %add3A, %min3A_145, %dma_start3A_150] : memref<2x32x100x100xi32, #tpu.memory_space<hbm>> -> memref<1x1x1x100xi32, #tpu.memory_space<hbm>>
      %dma_start3A_152 = tpu.memref_squeeze %dma_start3A_151 : memref<1x1x1x100xi32, #tpu.memory_space<hbm>> -> memref<100xi32, #tpu.memory_space<hbm>>
      tpu.enqueue_dma source(%dma_start3A_152 : memref<100xi32, #tpu.memory_space<hbm>>) target(%arg7 : memref<100xi32, #tpu.memory_space<vmem>>) target_semaphore(%arg12 : memref<!tpu.dma_semaphore, #tpu.memory_space<semaphore_mem>>)
      %dma_start3A_153 = arith.constant 0 : i32
      %dma_start3A_154 = tpu.memref_slice %arg6[%min3A_145, %dma_start3A_153] : memref<100x100xi32, #tpu.memory_space<vmem>> -> memref<1x100xi32, #tpu.memory_space<vmem>>
      %dma_start3A_155 = tpu.memref_squeeze %dma_start3A_154 : memref<1x100xi32, #tpu.memory_space<vmem>> -> memref<100xi32, #tpu.memory_space<vmem>>
      %dma_start3A_156 = arith.constant 0 : i32
      %dma_start3A_157 = arith.constant 0 : i32
      %dma_start3A_158 = tpu.memref_slice %arg2[%dma_start3A_156, %dma_start3A_157] : memref<10000x128xf32, #tpu.memory_space<hbm>> -> memref<10000x128xf32, #tpu.memory_space<hbm>>
      tpu.enqueue_indirect_dma source(%dma_start3A_158 : memref<10000x128xf32, #tpu.memory_space<hbm>>) target(%arg9 : memref<100x128xf32, #tpu.memory_space<vmem>>) offsets(%dma_start3A_155 : memref<100xi32, #tpu.memory_space<vmem>>) semaphore(%arg12 : memref<!tpu.dma_semaphore, #tpu.memory_space<semaphore_mem>>)
      %add3A_159 = arith.constant 1 : i32
      %add3A_160 = arith.addi %mul3A_127, %add3A_159 : i32
      %dma_wait3A_161 = arith.constant 1 : i32
      %dma_wait3A_162 = arith.constant 1 : i32
      %dma_wait3A_163 = arith.constant 0 : i32
      %dma_wait3A_164 = tpu.memref_slice %arg3[%dma_wait3A_161, %add3A, %dma_wait3A_162, %dma_wait3A_163] : memref<2x32x100x100xi32, #tpu.memory_space<hbm>> -> memref<1x1x1x100xi32, #tpu.memory_space<hbm>>
      %dma_wait3A_165 = tpu.memref_squeeze %dma_wait3A_164 : memref<1x1x1x100xi32, #tpu.memory_space<hbm>> -> memref<100xi32, #tpu.memory_space<hbm>>
      %dma_wait3A_166 = arith.constant 0 : i32
      %dma_wait3A_167 = tpu.memref_slice %arg3[%dma_wait3A_161, %add3A, %dma_wait3A_162, %dma_wait3A_166] : memref<2x32x100x100xi32, #tpu.memory_space<hbm>> -> memref<1x1x1x100xi32, #tpu.memory_space<hbm>>
      %dma_wait3A_168 = tpu.memref_squeeze %dma_wait3A_167 : memref<1x1x1x100xi32, #tpu.memory_space<hbm>> -> memref<100xi32, #tpu.memory_space<hbm>>
      tpu.wait_dma2 semaphore(%arg13 : memref<!tpu.dma_semaphore, #tpu.memory_space<semaphore_mem>>) src(%dma_wait3A_168 : memref<100xi32, #tpu.memory_space<hbm>>) dst(%arg8 : memref<100xi32, #tpu.memory_space<vmem>>)
      %dma_wait3A_169 = arith.constant 1 : i32
      %dma_wait3A_170 = arith.constant 0 : i32
      %dma_wait3A_171 = tpu.memref_slice %arg6[%dma_wait3A_169, %dma_wait3A_170] : memref<100x100xi32, #tpu.memory_space<vmem>> -> memref<1x100xi32, #tpu.memory_space<vmem>>
      %dma_wait3A_172 = tpu.memref_squeeze %dma_wait3A_171 : memref<1x100xi32, #tpu.memory_space<vmem>> -> memref<100xi32, #tpu.memory_space<vmem>>
      %dma_wait3A_173 = arith.constant 0 : i32
      %dma_wait3A_174 = arith.constant 0 : i32
      %dma_wait3A_175 = tpu.memref_slice %arg2[%dma_wait3A_173, %dma_wait3A_174] : memref<10000x128xf32, #tpu.memory_space<hbm>> -> memref<10000x128xf32, #tpu.memory_space<hbm>>
      tpu.wait_indirect_dma semaphore(%arg13 : memref<!tpu.dma_semaphore, #tpu.memory_space<semaphore_mem>>) src(%dma_wait3A_175 : memref<10000x128xf32, #tpu.memory_space<hbm>>) dst(%arg10 : memref<100x128xf32, #tpu.memory_space<vmem>>)
      "tpu.region"() ({
        %run_scoped3A = tpu.sem_alloc : memref<!tpu.dma_semaphore, #tpu.memory_space<semaphore_mem>>
        %dma_start3A_193 = arith.constant 0 : i32
        %dma_start3A_194 = arith.constant 0 : i32
        %dma_start3A_195 = tpu.memref_slice %arg11[%dma_start3A_193, %dma_start3A_194] : memref<10000x128xf32, #tpu.memory_space<vmem_shared>> -> memref<10000x128xf32, #tpu.memory_space<vmem_shared>>
        tpu.enqueue_indirect_dma source(%arg10 : memref<100x128xf32, #tpu.memory_space<vmem>>) target(%dma_start3A_195 : memref<10000x128xf32, #tpu.memory_space<vmem_shared>>) offsets(%arg8 : memref<100xi32, #tpu.memory_space<vmem>>) semaphore(%run_scoped3A : memref<!tpu.dma_semaphore, #tpu.memory_space<semaphore_mem>>) {add = true}
        %dma_wait3A_196 = arith.constant 0 : i32
        %dma_wait3A_197 = arith.constant 0 : i32
        %dma_wait3A_198 = tpu.memref_slice %arg11[%dma_wait3A_196, %dma_wait3A_197] : memref<10000x128xf32, #tpu.memory_space<vmem_shared>> -> memref<10000x128xf32, #tpu.memory_space<vmem_shared>>
        tpu.wait_indirect_dma semaphore(%run_scoped3A : memref<!tpu.dma_semaphore, #tpu.memory_space<semaphore_mem>>) src(%arg10 : memref<100x128xf32, #tpu.memory_space<vmem>>) dst(%dma_wait3A_198 : memref<10000x128xf32, #tpu.memory_space<vmem_shared>>)
        tpu.yield
      }) : () -> ()
      "tpu.region"() ({
        %run_scoped3A = tpu.sem_alloc : memref<!tpu.dma_semaphore, #tpu.memory_space<semaphore_mem>>
        %dma_start3A_193 = arith.constant 0 : i32
        %dma_start3A_194 = arith.constant 0 : i32
        %dma_start3A_195 = tpu.memref_slice %arg15[%dma_start3A_193, %dma_start3A_194] : memref<10000x8xf32, #tpu.memory_space<vmem_shared>> -> memref<10000x8xf32, #tpu.memory_space<vmem_shared>>
        tpu.enqueue_indirect_dma source(%arg14 : memref<100x8xf32, #tpu.memory_space<vmem>>) target(%dma_start3A_195 : memref<10000x8xf32, #tpu.memory_space<vmem_shared>>) offsets(%arg8 : memref<100xi32, #tpu.memory_space<vmem>>) semaphore(%run_scoped3A : memref<!tpu.dma_semaphore, #tpu.memory_space<semaphore_mem>>) {add = true}
        %dma_wait3A_196 = arith.constant 0 : i32
        %dma_wait3A_197 = arith.constant 0 : i32
        %dma_wait3A_198 = tpu.memref_slice %arg15[%dma_wait3A_196, %dma_wait3A_197] : memref<10000x8xf32, #tpu.memory_space<vmem_shared>> -> memref<10000x8xf32, #tpu.memory_space<vmem_shared>>
        tpu.wait_indirect_dma semaphore(%run_scoped3A : memref<!tpu.dma_semaphore, #tpu.memory_space<semaphore_mem>>) src(%arg14 : memref<100x8xf32, #tpu.memory_space<vmem>>) dst(%dma_wait3A_198 : memref<10000x8xf32, #tpu.memory_space<vmem_shared>>)
        tpu.yield
      }) : () -> ()
      %add3A_176 = arith.constant 2 : i32
      %add3A_177 = arith.addi %add3A_160, %add3A_176 : i32
      %min3A_178 = arith.constant 99 : i32
      %min3A_179 = arith.minsi %add3A_177, %min3A_178 : i32
      %dma_start3A_180 = arith.constant 1 : i32
      %dma_start3A_181 = arith.constant 0 : i32
      %dma_start3A_182 = tpu.memref_slice %arg3[%dma_start3A_180, %add3A, %min3A_179, %dma_start3A_181] : memref<2x32x100x100xi32, #tpu.memory_space<hbm>> -> memref<1x1x1x100xi32, #tpu.memory_space<hbm>>
      %dma_start3A_183 = tpu.memref_squeeze %dma_start3A_182 : memref<1x1x1x100xi32, #tpu.memory_space<hbm>> -> memref<100xi32, #tpu.memory_space<hbm>>
      %dma_start3A_184 = arith.constant 0 : i32
      %dma_start3A_185 = tpu.memref_slice %arg3[%dma_start3A_180, %add3A, %min3A_179, %dma_start3A_184] : memref<2x32x100x100xi32, #tpu.memory_space<hbm>> -> memref<1x1x1x100xi32, #tpu.memory_space<hbm>>
      %dma_start3A_186 = tpu.memref_squeeze %dma_start3A_185 : memref<1x1x1x100xi32, #tpu.memory_space<hbm>> -> memref<100xi32, #tpu.memory_space<hbm>>
      tpu.enqueue_dma source(%dma_start3A_186 : memref<100xi32, #tpu.memory_space<hbm>>) target(%arg8 : memref<100xi32, #tpu.memory_space<vmem>>) target_semaphore(%arg13 : memref<!tpu.dma_semaphore, #tpu.memory_space<semaphore_mem>>)
      %dma_start3A_187 = arith.constant 0 : i32
      %dma_start3A_188 = tpu.memref_slice %arg6[%min3A_179, %dma_start3A_187] : memref<100x100xi32, #tpu.memory_space<vmem>> -> memref<1x100xi32, #tpu.memory_space<vmem>>
      %dma_start3A_189 = tpu.memref_squeeze %dma_start3A_188 : memref<1x100xi32, #tpu.memory_space<vmem>> -> memref<100xi32, #tpu.memory_space<vmem>>
      %dma_start3A_190 = arith.constant 0 : i32
      %dma_start3A_191 = arith.constant 0 : i32
      %dma_start3A_192 = tpu.memref_slice %arg2[%dma_start3A_190, %dma_start3A_191] : memref<10000x128xf32, #tpu.memory_space<hbm>> -> memref<10000x128xf32, #tpu.memory_space<hbm>>
      tpu.enqueue_indirect_dma source(%dma_start3A_192 : memref<10000x128xf32, #tpu.memory_space<hbm>>) target(%arg10 : memref<100x128xf32, #tpu.memory_space<vmem>>) offsets(%dma_start3A_189 : memref<100xi32, #tpu.memory_space<vmem>>) semaphore(%arg13 : memref<!tpu.dma_semaphore, #tpu.memory_space<semaphore_mem>>)
    }
    %scan3A_93 = arith.constant 50 : i32
    %dma_wait3A_94 = arith.constant 1 : i32
    %dma_wait3A_95 = arith.constant 0 : i32
    %dma_wait3A_96 = arith.constant 0 : i32
    %dma_wait3A_97 = tpu.memref_slice %arg3[%dma_wait3A_94, %add3A, %dma_wait3A_95, %dma_wait3A_96] : memref<2x32x100x100xi32, #tpu.memory_space<hbm>> -> memref<1x1x1x100xi32, #tpu.memory_space<hbm>>
    %dma_wait3A_98 = tpu.memref_squeeze %dma_wait3A_97 : memref<1x1x1x100xi32, #tpu.memory_space<hbm>> -> memref<100xi32, #tpu.memory_space<hbm>>
    %dma_wait3A_99 = arith.constant 0 : i32
    %dma_wait3A_100 = tpu.memref_slice %arg3[%dma_wait3A_94, %add3A, %dma_wait3A_95, %dma_wait3A_99] : memref<2x32x100x100xi32, #tpu.memory_space<hbm>> -> memref<1x1x1x100xi32, #tpu.memory_space<hbm>>
    %dma_wait3A_101 = tpu.memref_squeeze %dma_wait3A_100 : memref<1x1x1x100xi32, #tpu.memory_space<hbm>> -> memref<100xi32, #tpu.memory_space<hbm>>
    tpu.wait_dma2 semaphore(%arg12 : memref<!tpu.dma_semaphore, #tpu.memory_space<semaphore_mem>>) src(%dma_wait3A_101 : memref<100xi32, #tpu.memory_space<hbm>>) dst(%arg7 : memref<100xi32, #tpu.memory_space<vmem>>)
    %dma_wait3A_102 = arith.constant 0 : i32
    %dma_wait3A_103 = arith.constant 0 : i32
    %dma_wait3A_104 = tpu.memref_slice %arg6[%dma_wait3A_102, %dma_wait3A_103] : memref<100x100xi32, #tpu.memory_space<vmem>> -> memref<1x100xi32, #tpu.memory_space<vmem>>
    %dma_wait3A_105 = tpu.memref_squeeze %dma_wait3A_104 : memref<1x100xi32, #tpu.memory_space<vmem>> -> memref<100xi32, #tpu.memory_space<vmem>>
    %dma_wait3A_106 = arith.constant 0 : i32
    %dma_wait3A_107 = arith.constant 0 : i32
    %dma_wait3A_108 = tpu.memref_slice %arg2[%dma_wait3A_106, %dma_wait3A_107] : memref<10000x128xf32, #tpu.memory_space<hbm>> -> memref<10000x128xf32, #tpu.memory_space<hbm>>
    tpu.wait_indirect_dma semaphore(%arg12 : memref<!tpu.dma_semaphore, #tpu.memory_space<semaphore_mem>>) src(%dma_wait3A_108 : memref<10000x128xf32, #tpu.memory_space<hbm>>) dst(%arg9 : memref<100x128xf32, #tpu.memory_space<vmem>>)
    %dma_wait3A_109 = arith.constant 1 : i32
    %dma_wait3A_110 = arith.constant 1 : i32
    %dma_wait3A_111 = arith.constant 0 : i32
    %dma_wait3A_112 = tpu.memref_slice %arg3[%dma_wait3A_109, %add3A, %dma_wait3A_110, %dma_wait3A_111] : memref<2x32x100x100xi32, #tpu.memory_space<hbm>> -> memref<1x1x1x100xi32, #tpu.memory_space<hbm>>
    %dma_wait3A_113 = tpu.memref_squeeze %dma_wait3A_112 : memref<1x1x1x100xi32, #tpu.memory_space<hbm>> -> memref<100xi32, #tpu.memory_space<hbm>>
    %dma_wait3A_114 = arith.constant 0 : i32
    %dma_wait3A_115 = tpu.memref_slice %arg3[%dma_wait3A_109, %add3A, %dma_wait3A_110, %dma_wait3A_114] : memref<2x32x100x100xi32, #tpu.memory_space<hbm>> -> memref<1x1x1x100xi32, #tpu.memory_space<hbm>>
    %dma_wait3A_116 = tpu.memref_squeeze %dma_wait3A_115 : memref<1x1x1x100xi32, #tpu.memory_space<hbm>> -> memref<100xi32, #tpu.memory_space<hbm>>
    tpu.wait_dma2 semaphore(%arg13 : memref<!tpu.dma_semaphore, #tpu.memory_space<semaphore_mem>>) src(%dma_wait3A_116 : memref<100xi32, #tpu.memory_space<hbm>>) dst(%arg8 : memref<100xi32, #tpu.memory_space<vmem>>)
    %dma_wait3A_117 = arith.constant 1 : i32
    %dma_wait3A_118 = arith.constant 0 : i32
    %dma_wait3A_119 = tpu.memref_slice %arg6[%dma_wait3A_117, %dma_wait3A_118] : memref<100x100xi32, #tpu.memory_space<vmem>> -> memref<1x100xi32, #tpu.memory_space<vmem>>
    %dma_wait3A_120 = tpu.memref_squeeze %dma_wait3A_119 : memref<1x100xi32, #tpu.memory_space<vmem>> -> memref<100xi32, #tpu.memory_space<vmem>>
    %dma_wait3A_121 = arith.constant 0 : i32
    %dma_wait3A_122 = arith.constant 0 : i32
    %dma_wait3A_123 = tpu.memref_slice %arg2[%dma_wait3A_121, %dma_wait3A_122] : memref<10000x128xf32, #tpu.memory_space<hbm>> -> memref<10000x128xf32, #tpu.memory_space<hbm>>
    tpu.wait_indirect_dma semaphore(%arg13 : memref<!tpu.dma_semaphore, #tpu.memory_space<semaphore_mem>>) src(%dma_wait3A_123 : memref<10000x128xf32, #tpu.memory_space<hbm>>) dst(%arg10 : memref<100x128xf32, #tpu.memory_space<vmem>>)
    %barrier3A_124 = arith.constant 0 : index
    tpu.barrier barrier_id(%barrier3A_124)
    "tpu.region"() ({
      %run_scoped3A = tpu.sem_alloc : memref<!tpu.dma_semaphore, #tpu.memory_space<semaphore_mem>>
      %dma_start3A_125 = arith.constant 0 : i32
      %dma_start3A_126 = tpu.memref_slice %arg4[%arg0, %mul3A_15, %dma_start3A_125] : memref<2x10000x128xf32, #tpu.memory_space<hbm>> -> memref<1x625x128xf32, #tpu.memory_space<hbm>>
      %dma_start3A_127 = tpu.memref_squeeze %dma_start3A_126 : memref<1x625x128xf32, #tpu.memory_space<hbm>> -> memref<625x128xf32, #tpu.memory_space<hbm>>
      %dma_start3A_128 = arith.constant 0 : i32
      %dma_start3A_129 = tpu.memref_slice %arg11[%mul3A_15, %dma_start3A_128] : memref<10000x128xf32, #tpu.memory_space<vmem_shared>> -> memref<625x128xf32, #tpu.memory_space<vmem_shared>>
      tpu.enqueue_dma source(%dma_start3A_129 : memref<625x128xf32, #tpu.memory_space<vmem_shared>>) target(%dma_start3A_127 : memref<625x128xf32, #tpu.memory_space<hbm>>) target_semaphore(%run_scoped3A : memref<!tpu.dma_semaphore, #tpu.memory_space<semaphore_mem>>)
      %dma_wait3A_130 = arith.constant 0 : i32
      %dma_wait3A_131 = tpu.memref_slice %arg4[%arg0, %mul3A_15, %dma_wait3A_130] : memref<2x10000x128xf32, #tpu.memory_space<hbm>> -> memref<1x625x128xf32, #tpu.memory_space<hbm>>
      %dma_wait3A_132 = tpu.memref_squeeze %dma_wait3A_131 : memref<1x625x128xf32, #tpu.memory_space<hbm>> -> memref<625x128xf32, #tpu.memory_space<hbm>>
      %dma_wait3A_133 = arith.constant 0 : i32
      %dma_wait3A_134 = tpu.memref_slice %arg11[%mul3A_15, %dma_wait3A_133] : memref<10000x128xf32, #tpu.memory_space<vmem_shared>> -> memref<625x128xf32, #tpu.memory_space<vmem_shared>>
      tpu.wait_dma2 semaphore(%run_scoped3A : memref<!tpu.dma_semaphore, #tpu.memory_space<semaphore_mem>>) src(%dma_wait3A_134 : memref<625x128xf32, #tpu.memory_space<vmem_shared>>) dst(%dma_wait3A_132 : memref<625x128xf32, #tpu.memory_space<hbm>>)
      tpu.yield
    }) : () -> ()
    "tpu.region"() ({
      %run_scoped3A = tpu.sem_alloc : memref<!tpu.dma_semaphore, #tpu.memory_space<semaphore_mem>>
      %dma_start3A_125 = arith.constant 0 : i32
      %dma_start3A_126 = tpu.memref_slice %arg5[%arg0, %mul3A_15, %dma_start3A_125] : memref<2x10000x8xf32, #tpu.memory_space<hbm>> -> memref<1x625x8xf32, #tpu.memory_space<hbm>>
      %dma_start3A_127 = tpu.memref_squeeze %dma_start3A_126 : memref<1x625x8xf32, #tpu.memory_space<hbm>> -> memref<625x8xf32, #tpu.memory_space<hbm>>
      %dma_start3A_128 = arith.constant 0 : i32
      %dma_start3A_129 = tpu.memref_slice %arg15[%mul3A_15, %dma_start3A_128] : memref<10000x8xf32, #tpu.memory_space<vmem_shared>> -> memref<625x8xf32, #tpu.memory_space<vmem_shared>>
      tpu.enqueue_dma source(%dma_start3A_129 : memref<625x8xf32, #tpu.memory_space<vmem_shared>>) target(%dma_start3A_127 : memref<625x8xf32, #tpu.memory_space<hbm>>) target_semaphore(%run_scoped3A : memref<!tpu.dma_semaphore, #tpu.memory_space<semaphore_mem>>)
      %dma_wait3A_130 = arith.constant 0 : i32
      %dma_wait3A_131 = tpu.memref_slice %arg5[%arg0, %mul3A_15, %dma_wait3A_130] : memref<2x10000x8xf32, #tpu.memory_space<hbm>> -> memref<1x625x8xf32, #tpu.memory_space<hbm>>
      %dma_wait3A_132 = tpu.memref_squeeze %dma_wait3A_131 : memref<1x625x8xf32, #tpu.memory_space<hbm>> -> memref<625x8xf32, #tpu.memory_space<hbm>>
      %dma_wait3A_133 = arith.constant 0 : i32
      %dma_wait3A_134 = tpu.memref_slice %arg15[%mul3A_15, %dma_wait3A_133] : memref<10000x8xf32, #tpu.memory_space<vmem_shared>> -> memref<625x8xf32, #tpu.memory_space<vmem_shared>>
      tpu.wait_dma2 semaphore(%run_scoped3A : memref<!tpu.dma_semaphore, #tpu.memory_space<semaphore_mem>>) src(%dma_wait3A_134 : memref<625x8xf32, #tpu.memory_space<vmem_shared>>) dst(%dma_wait3A_132 : memref<625x8xf32, #tpu.memory_space<hbm>>)
      tpu.yield
    }) : () -> ()
    return
  }
}

#map = affine_map<(d0, d1) -> (0, 0)>
#map1 = affine_map<(d0, d1) -> (0, 0, 0, 0)>
#map2 = affine_map<(d0, d1) -> (0, 0, 0)>
module attributes {stable_mosaic.version = 14 : i64} {
  func.func @prop(%arg0: i32, %arg1: i32, %arg2: memref<10000x64xf32, #tpu.memory_space<hbm>>, %arg3: memref<2x32x100x100xi32, #tpu.memory_space<hbm>>, %arg4: memref<2x10000x64xf32, #tpu.memory_space<hbm>>, %arg5: memref<100x100xi32, #tpu.memory_space<vmem>>, %arg6: memref<100xi32, #tpu.memory_space<vmem>>, %arg7: memref<100xi32, #tpu.memory_space<vmem>>, %arg8: memref<100x64xf32, #tpu.memory_space<vmem>>, %arg9: memref<100x64xf32, #tpu.memory_space<vmem>>, %arg10: memref<10000x64xf32, #tpu.memory_space<vmem_shared>>, %arg11: memref<!tpu.dma_semaphore, #tpu.memory_space<semaphore_mem>>, %arg12: memref<!tpu.dma_semaphore, #tpu.memory_space<semaphore_mem>>) attributes {dimension_semantics = [#tpu.dimension_semantics<core_parallel>, #tpu.dimension_semantics<subcore_parallel>], iteration_bounds = array<i64: 2, 16>, scalar_prefetch = 0 : i64, scratch_operands = 8 : i64, tpu.core_type = #tpu.core_type<sc_vector_subcore>, window_params = [{transform_indices = #map}, {transform_indices = #map1}, {transform_indices = #map2}]} {
    %mul3A = arith.constant 2 : i32
    %mul3A_0 = arith.muli %arg1, %mul3A : i32
    %add3A = arith.addi %mul3A_0, %arg0 : i32
    %dma_start3A = arith.constant 0 : i32
    %dma_start3A_1 = arith.constant 0 : i32
    %dma_start3A_2 = arith.constant 0 : i32
    %dma_start3A_3 = tpu.memref_slice %arg3[%dma_start3A, %add3A, %dma_start3A_1, %dma_start3A_2] : memref<2x32x100x100xi32, #tpu.memory_space<hbm>> -> memref<1x1x100x100xi32, #tpu.memory_space<hbm>>
    %dma_start3A_4 = tpu.memref_squeeze %dma_start3A_3 : memref<1x1x100x100xi32, #tpu.memory_space<hbm>> -> memref<100x100xi32, #tpu.memory_space<hbm>>
    %dma_start3A_5 = arith.constant 0 : i32
    %dma_start3A_6 = arith.constant 0 : i32
    %dma_start3A_7 = tpu.memref_slice %arg3[%dma_start3A, %add3A, %dma_start3A_5, %dma_start3A_6] : memref<2x32x100x100xi32, #tpu.memory_space<hbm>> -> memref<1x1x100x100xi32, #tpu.memory_space<hbm>>
    %dma_start3A_8 = tpu.memref_squeeze %dma_start3A_7 : memref<1x1x100x100xi32, #tpu.memory_space<hbm>> -> memref<100x100xi32, #tpu.memory_space<hbm>>
    tpu.enqueue_dma source(%dma_start3A_8 : memref<100x100xi32, #tpu.memory_space<hbm>>) target(%arg5 : memref<100x100xi32, #tpu.memory_space<vmem>>) target_semaphore(%arg11 : memref<!tpu.dma_semaphore, #tpu.memory_space<semaphore_mem>>)
    %scan3A = arith.constant 0 : i32
    %scan3A_9 = arith.constant 0 : i32
    %scan3A_10 = arith.constant 100 : i32
    %scan3A_11 = arith.addi %scan3A_9, %scan3A_10 : i32
    %scan3A_12 = arith.constant 1 : i32
    scf.for %scan3A_105 = %scan3A_9 to %scan3A_11 step %scan3A_12  : i32 {
      %broadcast_in_dim3A = arith.constant 0.000000e+00 : f32
      %broadcast_in_dim3A_106 = vector.broadcast %broadcast_in_dim3A : f32 to vector<16xf32>
      %swap3A = arith.index_cast %scan3A_105 : i32 to index
      %swap3A_107 = arith.constant 0 : index
      %swap3A_108 = tpu.vector_load %arg8[%swap3A, %swap3A_107] {strides = array<i32>} : memref<100x64xf32, #tpu.memory_space<vmem>>, vector<1x16xf32>,
      %swap3A_109 = vector.shape_cast %swap3A_108 : vector<1x16xf32> to vector<16xf32>
      %swap3A_110 = vector.shape_cast %broadcast_in_dim3A_106 : vector<16xf32> to vector<1x16xf32>
      tpu.vector_store %arg8[%swap3A, %swap3A_107], %swap3A_110 {strides = array<i32>} : memref<100x64xf32, #tpu.memory_space<vmem>>, vector<1x16xf32>,
      %broadcast_in_dim3A_111 = arith.constant 0.000000e+00 : f32
      %broadcast_in_dim3A_112 = vector.broadcast %broadcast_in_dim3A_111 : f32 to vector<16xf32>
      %swap3A_113 = arith.index_cast %scan3A_105 : i32 to index
      %swap3A_114 = arith.constant 16 : index
      %swap3A_115 = tpu.vector_load %arg8[%swap3A_113, %swap3A_114] {strides = array<i32>} : memref<100x64xf32, #tpu.memory_space<vmem>>, vector<1x16xf32>,
      %swap3A_116 = vector.shape_cast %swap3A_115 : vector<1x16xf32> to vector<16xf32>
      %swap3A_117 = vector.shape_cast %broadcast_in_dim3A_112 : vector<16xf32> to vector<1x16xf32>
      tpu.vector_store %arg8[%swap3A_113, %swap3A_114], %swap3A_117 {strides = array<i32>} : memref<100x64xf32, #tpu.memory_space<vmem>>, vector<1x16xf32>,
      %broadcast_in_dim3A_118 = arith.constant 0.000000e+00 : f32
      %broadcast_in_dim3A_119 = vector.broadcast %broadcast_in_dim3A_118 : f32 to vector<16xf32>
      %swap3A_120 = arith.index_cast %scan3A_105 : i32 to index
      %swap3A_121 = arith.constant 32 : index
      %swap3A_122 = tpu.vector_load %arg8[%swap3A_120, %swap3A_121] {strides = array<i32>} : memref<100x64xf32, #tpu.memory_space<vmem>>, vector<1x16xf32>,
      %swap3A_123 = vector.shape_cast %swap3A_122 : vector<1x16xf32> to vector<16xf32>
      %swap3A_124 = vector.shape_cast %broadcast_in_dim3A_119 : vector<16xf32> to vector<1x16xf32>
      tpu.vector_store %arg8[%swap3A_120, %swap3A_121], %swap3A_124 {strides = array<i32>} : memref<100x64xf32, #tpu.memory_space<vmem>>, vector<1x16xf32>,
      %broadcast_in_dim3A_125 = arith.constant 0.000000e+00 : f32
      %broadcast_in_dim3A_126 = vector.broadcast %broadcast_in_dim3A_125 : f32 to vector<16xf32>
      %swap3A_127 = arith.index_cast %scan3A_105 : i32 to index
      %swap3A_128 = arith.constant 48 : index
      %swap3A_129 = tpu.vector_load %arg8[%swap3A_127, %swap3A_128] {strides = array<i32>} : memref<100x64xf32, #tpu.memory_space<vmem>>, vector<1x16xf32>,
      %swap3A_130 = vector.shape_cast %swap3A_129 : vector<1x16xf32> to vector<16xf32>
      %swap3A_131 = vector.shape_cast %broadcast_in_dim3A_126 : vector<16xf32> to vector<1x16xf32>
      tpu.vector_store %arg8[%swap3A_127, %swap3A_128], %swap3A_131 {strides = array<i32>} : memref<100x64xf32, #tpu.memory_space<vmem>>, vector<1x16xf32>,
    }
    %scan3A_13 = arith.constant 100 : i32
    %mul3A_14 = arith.constant 625 : i32
    %mul3A_15 = arith.muli %arg1, %mul3A_14 : i32
    %add3A_16 = arith.constant 0 : i32
    %add3A_17 = arith.addi %mul3A_15, %add3A_16 : i32
    "tpu.region"() ({
      %run_scoped3A = tpu.sem_alloc : memref<!tpu.dma_semaphore, #tpu.memory_space<semaphore_mem>>
      %dma_start3A_105 = arith.constant 0 : i32
      %dma_start3A_106 = tpu.memref_slice %arg10[%add3A_17, %dma_start3A_105] : memref<10000x64xf32, #tpu.memory_space<vmem_shared>> -> memref<100x64xf32, #tpu.memory_space<vmem_shared>>
      %dma_start3A_107 = arith.constant 0 : i32
      %dma_start3A_108 = tpu.memref_slice %arg10[%add3A_17, %dma_start3A_107] : memref<10000x64xf32, #tpu.memory_space<vmem_shared>> -> memref<100x64xf32, #tpu.memory_space<vmem_shared>>
      tpu.enqueue_dma source(%arg8 : memref<100x64xf32, #tpu.memory_space<vmem>>) target(%dma_start3A_108 : memref<100x64xf32, #tpu.memory_space<vmem_shared>>) target_semaphore(%run_scoped3A : memref<!tpu.dma_semaphore, #tpu.memory_space<semaphore_mem>>)
      %dma_wait3A_109 = arith.constant 0 : i32
      %dma_wait3A_110 = tpu.memref_slice %arg10[%add3A_17, %dma_wait3A_109] : memref<10000x64xf32, #tpu.memory_space<vmem_shared>> -> memref<100x64xf32, #tpu.memory_space<vmem_shared>>
      %dma_wait3A_111 = arith.constant 0 : i32
      %dma_wait3A_112 = tpu.memref_slice %arg10[%add3A_17, %dma_wait3A_111] : memref<10000x64xf32, #tpu.memory_space<vmem_shared>> -> memref<100x64xf32, #tpu.memory_space<vmem_shared>>
      tpu.wait_dma2 semaphore(%run_scoped3A : memref<!tpu.dma_semaphore, #tpu.memory_space<semaphore_mem>>) src(%arg8 : memref<100x64xf32, #tpu.memory_space<vmem>>) dst(%dma_wait3A_112 : memref<100x64xf32, #tpu.memory_space<vmem_shared>>)
      tpu.yield
    }) : () -> ()
    %add3A_18 = arith.constant 100 : i32
    %add3A_19 = arith.addi %mul3A_15, %add3A_18 : i32
    "tpu.region"() ({
      %run_scoped3A = tpu.sem_alloc : memref<!tpu.dma_semaphore, #tpu.memory_space<semaphore_mem>>
      %dma_start3A_105 = arith.constant 0 : i32
      %dma_start3A_106 = tpu.memref_slice %arg10[%add3A_19, %dma_start3A_105] : memref<10000x64xf32, #tpu.memory_space<vmem_shared>> -> memref<100x64xf32, #tpu.memory_space<vmem_shared>>
      %dma_start3A_107 = arith.constant 0 : i32
      %dma_start3A_108 = tpu.memref_slice %arg10[%add3A_19, %dma_start3A_107] : memref<10000x64xf32, #tpu.memory_space<vmem_shared>> -> memref<100x64xf32, #tpu.memory_space<vmem_shared>>
      tpu.enqueue_dma source(%arg8 : memref<100x64xf32, #tpu.memory_space<vmem>>) target(%dma_start3A_108 : memref<100x64xf32, #tpu.memory_space<vmem_shared>>) target_semaphore(%run_scoped3A : memref<!tpu.dma_semaphore, #tpu.memory_space<semaphore_mem>>)
      %dma_wait3A_109 = arith.constant 0 : i32
      %dma_wait3A_110 = tpu.memref_slice %arg10[%add3A_19, %dma_wait3A_109] : memref<10000x64xf32, #tpu.memory_space<vmem_shared>> -> memref<100x64xf32, #tpu.memory_space<vmem_shared>>
      %dma_wait3A_111 = arith.constant 0 : i32
      %dma_wait3A_112 = tpu.memref_slice %arg10[%add3A_19, %dma_wait3A_111] : memref<10000x64xf32, #tpu.memory_space<vmem_shared>> -> memref<100x64xf32, #tpu.memory_space<vmem_shared>>
      tpu.wait_dma2 semaphore(%run_scoped3A : memref<!tpu.dma_semaphore, #tpu.memory_space<semaphore_mem>>) src(%arg8 : memref<100x64xf32, #tpu.memory_space<vmem>>) dst(%dma_wait3A_112 : memref<100x64xf32, #tpu.memory_space<vmem_shared>>)
      tpu.yield
    }) : () -> ()
    %add3A_20 = arith.constant 200 : i32
    %add3A_21 = arith.addi %mul3A_15, %add3A_20 : i32
    "tpu.region"() ({
      %run_scoped3A = tpu.sem_alloc : memref<!tpu.dma_semaphore, #tpu.memory_space<semaphore_mem>>
      %dma_start3A_105 = arith.constant 0 : i32
      %dma_start3A_106 = tpu.memref_slice %arg10[%add3A_21, %dma_start3A_105] : memref<10000x64xf32, #tpu.memory_space<vmem_shared>> -> memref<100x64xf32, #tpu.memory_space<vmem_shared>>
      %dma_start3A_107 = arith.constant 0 : i32
      %dma_start3A_108 = tpu.memref_slice %arg10[%add3A_21, %dma_start3A_107] : memref<10000x64xf32, #tpu.memory_space<vmem_shared>> -> memref<100x64xf32, #tpu.memory_space<vmem_shared>>
      tpu.enqueue_dma source(%arg8 : memref<100x64xf32, #tpu.memory_space<vmem>>) target(%dma_start3A_108 : memref<100x64xf32, #tpu.memory_space<vmem_shared>>) target_semaphore(%run_scoped3A : memref<!tpu.dma_semaphore, #tpu.memory_space<semaphore_mem>>)
      %dma_wait3A_109 = arith.constant 0 : i32
      %dma_wait3A_110 = tpu.memref_slice %arg10[%add3A_21, %dma_wait3A_109] : memref<10000x64xf32, #tpu.memory_space<vmem_shared>> -> memref<100x64xf32, #tpu.memory_space<vmem_shared>>
      %dma_wait3A_111 = arith.constant 0 : i32
      %dma_wait3A_112 = tpu.memref_slice %arg10[%add3A_21, %dma_wait3A_111] : memref<10000x64xf32, #tpu.memory_space<vmem_shared>> -> memref<100x64xf32, #tpu.memory_space<vmem_shared>>
      tpu.wait_dma2 semaphore(%run_scoped3A : memref<!tpu.dma_semaphore, #tpu.memory_space<semaphore_mem>>) src(%arg8 : memref<100x64xf32, #tpu.memory_space<vmem>>) dst(%dma_wait3A_112 : memref<100x64xf32, #tpu.memory_space<vmem_shared>>)
      tpu.yield
    }) : () -> ()
    %add3A_22 = arith.constant 300 : i32
    %add3A_23 = arith.addi %mul3A_15, %add3A_22 : i32
    "tpu.region"() ({
      %run_scoped3A = tpu.sem_alloc : memref<!tpu.dma_semaphore, #tpu.memory_space<semaphore_mem>>
      %dma_start3A_105 = arith.constant 0 : i32
      %dma_start3A_106 = tpu.memref_slice %arg10[%add3A_23, %dma_start3A_105] : memref<10000x64xf32, #tpu.memory_space<vmem_shared>> -> memref<100x64xf32, #tpu.memory_space<vmem_shared>>
      %dma_start3A_107 = arith.constant 0 : i32
      %dma_start3A_108 = tpu.memref_slice %arg10[%add3A_23, %dma_start3A_107] : memref<10000x64xf32, #tpu.memory_space<vmem_shared>> -> memref<100x64xf32, #tpu.memory_space<vmem_shared>>
      tpu.enqueue_dma source(%arg8 : memref<100x64xf32, #tpu.memory_space<vmem>>) target(%dma_start3A_108 : memref<100x64xf32, #tpu.memory_space<vmem_shared>>) target_semaphore(%run_scoped3A : memref<!tpu.dma_semaphore, #tpu.memory_space<semaphore_mem>>)
      %dma_wait3A_109 = arith.constant 0 : i32
      %dma_wait3A_110 = tpu.memref_slice %arg10[%add3A_23, %dma_wait3A_109] : memref<10000x64xf32, #tpu.memory_space<vmem_shared>> -> memref<100x64xf32, #tpu.memory_space<vmem_shared>>
      %dma_wait3A_111 = arith.constant 0 : i32
      %dma_wait3A_112 = tpu.memref_slice %arg10[%add3A_23, %dma_wait3A_111] : memref<10000x64xf32, #tpu.memory_space<vmem_shared>> -> memref<100x64xf32, #tpu.memory_space<vmem_shared>>
      tpu.wait_dma2 semaphore(%run_scoped3A : memref<!tpu.dma_semaphore, #tpu.memory_space<semaphore_mem>>) src(%arg8 : memref<100x64xf32, #tpu.memory_space<vmem>>) dst(%dma_wait3A_112 : memref<100x64xf32, #tpu.memory_space<vmem_shared>>)
      tpu.yield
    }) : () -> ()
    %add3A_24 = arith.constant 400 : i32
    %add3A_25 = arith.addi %mul3A_15, %add3A_24 : i32
    "tpu.region"() ({
      %run_scoped3A = tpu.sem_alloc : memref<!tpu.dma_semaphore, #tpu.memory_space<semaphore_mem>>
      %dma_start3A_105 = arith.constant 0 : i32
      %dma_start3A_106 = tpu.memref_slice %arg10[%add3A_25, %dma_start3A_105] : memref<10000x64xf32, #tpu.memory_space<vmem_shared>> -> memref<100x64xf32, #tpu.memory_space<vmem_shared>>
      %dma_start3A_107 = arith.constant 0 : i32
      %dma_start3A_108 = tpu.memref_slice %arg10[%add3A_25, %dma_start3A_107] : memref<10000x64xf32, #tpu.memory_space<vmem_shared>> -> memref<100x64xf32, #tpu.memory_space<vmem_shared>>
      tpu.enqueue_dma source(%arg8 : memref<100x64xf32, #tpu.memory_space<vmem>>) target(%dma_start3A_108 : memref<100x64xf32, #tpu.memory_space<vmem_shared>>) target_semaphore(%run_scoped3A : memref<!tpu.dma_semaphore, #tpu.memory_space<semaphore_mem>>)
      %dma_wait3A_109 = arith.constant 0 : i32
      %dma_wait3A_110 = tpu.memref_slice %arg10[%add3A_25, %dma_wait3A_109] : memref<10000x64xf32, #tpu.memory_space<vmem_shared>> -> memref<100x64xf32, #tpu.memory_space<vmem_shared>>
      %dma_wait3A_111 = arith.constant 0 : i32
      %dma_wait3A_112 = tpu.memref_slice %arg10[%add3A_25, %dma_wait3A_111] : memref<10000x64xf32, #tpu.memory_space<vmem_shared>> -> memref<100x64xf32, #tpu.memory_space<vmem_shared>>
      tpu.wait_dma2 semaphore(%run_scoped3A : memref<!tpu.dma_semaphore, #tpu.memory_space<semaphore_mem>>) src(%arg8 : memref<100x64xf32, #tpu.memory_space<vmem>>) dst(%dma_wait3A_112 : memref<100x64xf32, #tpu.memory_space<vmem_shared>>)
      tpu.yield
    }) : () -> ()
    %add3A_26 = arith.constant 500 : i32
    %add3A_27 = arith.addi %mul3A_15, %add3A_26 : i32
    "tpu.region"() ({
      %run_scoped3A = tpu.sem_alloc : memref<!tpu.dma_semaphore, #tpu.memory_space<semaphore_mem>>
      %dma_start3A_105 = arith.constant 0 : i32
      %dma_start3A_106 = tpu.memref_slice %arg10[%add3A_27, %dma_start3A_105] : memref<10000x64xf32, #tpu.memory_space<vmem_shared>> -> memref<100x64xf32, #tpu.memory_space<vmem_shared>>
      %dma_start3A_107 = arith.constant 0 : i32
      %dma_start3A_108 = tpu.memref_slice %arg10[%add3A_27, %dma_start3A_107] : memref<10000x64xf32, #tpu.memory_space<vmem_shared>> -> memref<100x64xf32, #tpu.memory_space<vmem_shared>>
      tpu.enqueue_dma source(%arg8 : memref<100x64xf32, #tpu.memory_space<vmem>>) target(%dma_start3A_108 : memref<100x64xf32, #tpu.memory_space<vmem_shared>>) target_semaphore(%run_scoped3A : memref<!tpu.dma_semaphore, #tpu.memory_space<semaphore_mem>>)
      %dma_wait3A_109 = arith.constant 0 : i32
      %dma_wait3A_110 = tpu.memref_slice %arg10[%add3A_27, %dma_wait3A_109] : memref<10000x64xf32, #tpu.memory_space<vmem_shared>> -> memref<100x64xf32, #tpu.memory_space<vmem_shared>>
      %dma_wait3A_111 = arith.constant 0 : i32
      %dma_wait3A_112 = tpu.memref_slice %arg10[%add3A_27, %dma_wait3A_111] : memref<10000x64xf32, #tpu.memory_space<vmem_shared>> -> memref<100x64xf32, #tpu.memory_space<vmem_shared>>
      tpu.wait_dma2 semaphore(%run_scoped3A : memref<!tpu.dma_semaphore, #tpu.memory_space<semaphore_mem>>) src(%arg8 : memref<100x64xf32, #tpu.memory_space<vmem>>) dst(%dma_wait3A_112 : memref<100x64xf32, #tpu.memory_space<vmem_shared>>)
      tpu.yield
    }) : () -> ()
    %add3A_28 = arith.constant 600 : i32
    %add3A_29 = arith.addi %mul3A_15, %add3A_28 : i32
    "tpu.region"() ({
      %run_scoped3A = tpu.sem_alloc : memref<!tpu.dma_semaphore, #tpu.memory_space<semaphore_mem>>
      %dma_start3A_105 = arith.constant 0 : i32
      %dma_start3A_106 = arith.constant 0 : i32
      %dma_start3A_107 = tpu.memref_slice %arg8[%dma_start3A_105, %dma_start3A_106] : memref<100x64xf32, #tpu.memory_space<vmem>> -> memref<25x64xf32, #tpu.memory_space<vmem>>
      %dma_start3A_108 = arith.constant 0 : i32
      %dma_start3A_109 = tpu.memref_slice %arg10[%add3A_29, %dma_start3A_108] : memref<10000x64xf32, #tpu.memory_space<vmem_shared>> -> memref<25x64xf32, #tpu.memory_space<vmem_shared>>
      %dma_start3A_110 = arith.constant 0 : i32
      %dma_start3A_111 = tpu.memref_slice %arg10[%add3A_29, %dma_start3A_110] : memref<10000x64xf32, #tpu.memory_space<vmem_shared>> -> memref<25x64xf32, #tpu.memory_space<vmem_shared>>
      %dma_start3A_112 = arith.constant 0 : i32
      %dma_start3A_113 = arith.constant 0 : i32
      %dma_start3A_114 = tpu.memref_slice %arg8[%dma_start3A_112, %dma_start3A_113] : memref<100x64xf32, #tpu.memory_space<vmem>> -> memref<25x64xf32, #tpu.memory_space<vmem>>
      tpu.enqueue_dma source(%dma_start3A_114 : memref<25x64xf32, #tpu.memory_space<vmem>>) target(%dma_start3A_111 : memref<25x64xf32, #tpu.memory_space<vmem_shared>>) target_semaphore(%run_scoped3A : memref<!tpu.dma_semaphore, #tpu.memory_space<semaphore_mem>>)
      %dma_wait3A_115 = arith.constant 0 : i32
      %dma_wait3A_116 = arith.constant 0 : i32
      %dma_wait3A_117 = tpu.memref_slice %arg8[%dma_wait3A_115, %dma_wait3A_116] : memref<100x64xf32, #tpu.memory_space<vmem>> -> memref<25x64xf32, #tpu.memory_space<vmem>>
      %dma_wait3A_118 = arith.constant 0 : i32
      %dma_wait3A_119 = tpu.memref_slice %arg10[%add3A_29, %dma_wait3A_118] : memref<10000x64xf32, #tpu.memory_space<vmem_shared>> -> memref<25x64xf32, #tpu.memory_space<vmem_shared>>
      %dma_wait3A_120 = arith.constant 0 : i32
      %dma_wait3A_121 = tpu.memref_slice %arg10[%add3A_29, %dma_wait3A_120] : memref<10000x64xf32, #tpu.memory_space<vmem_shared>> -> memref<25x64xf32, #tpu.memory_space<vmem_shared>>
      %dma_wait3A_122 = arith.constant 0 : i32
      %dma_wait3A_123 = arith.constant 0 : i32
      %dma_wait3A_124 = tpu.memref_slice %arg8[%dma_wait3A_122, %dma_wait3A_123] : memref<100x64xf32, #tpu.memory_space<vmem>> -> memref<25x64xf32, #tpu.memory_space<vmem>>
      tpu.wait_dma2 semaphore(%run_scoped3A : memref<!tpu.dma_semaphore, #tpu.memory_space<semaphore_mem>>) src(%dma_wait3A_124 : memref<25x64xf32, #tpu.memory_space<vmem>>) dst(%dma_wait3A_121 : memref<25x64xf32, #tpu.memory_space<vmem_shared>>)
      tpu.yield
    }) : () -> ()
    %dma_wait3A = arith.constant 0 : i32
    %dma_wait3A_30 = arith.constant 0 : i32
    %dma_wait3A_31 = arith.constant 0 : i32
    %dma_wait3A_32 = tpu.memref_slice %arg3[%dma_wait3A, %add3A, %dma_wait3A_30, %dma_wait3A_31] : memref<2x32x100x100xi32, #tpu.memory_space<hbm>> -> memref<1x1x100x100xi32, #tpu.memory_space<hbm>>
    %dma_wait3A_33 = tpu.memref_squeeze %dma_wait3A_32 : memref<1x1x100x100xi32, #tpu.memory_space<hbm>> -> memref<100x100xi32, #tpu.memory_space<hbm>>
    %dma_wait3A_34 = arith.constant 0 : i32
    %dma_wait3A_35 = arith.constant 0 : i32
    %dma_wait3A_36 = tpu.memref_slice %arg3[%dma_wait3A, %add3A, %dma_wait3A_34, %dma_wait3A_35] : memref<2x32x100x100xi32, #tpu.memory_space<hbm>> -> memref<1x1x100x100xi32, #tpu.memory_space<hbm>>
    %dma_wait3A_37 = tpu.memref_squeeze %dma_wait3A_36 : memref<1x1x100x100xi32, #tpu.memory_space<hbm>> -> memref<100x100xi32, #tpu.memory_space<hbm>>
    tpu.wait_dma2 semaphore(%arg11 : memref<!tpu.dma_semaphore, #tpu.memory_space<semaphore_mem>>) src(%dma_wait3A_37 : memref<100x100xi32, #tpu.memory_space<hbm>>) dst(%arg5 : memref<100x100xi32, #tpu.memory_space<vmem>>)
    %barrier3A = arith.constant 0 : index
    tpu.barrier barrier_id(%barrier3A)
    %dma_start3A_38 = arith.constant 1 : i32
    %dma_start3A_39 = arith.constant 0 : i32
    %dma_start3A_40 = arith.constant 0 : i32
    %dma_start3A_41 = tpu.memref_slice %arg3[%dma_start3A_38, %add3A, %dma_start3A_39, %dma_start3A_40] : memref<2x32x100x100xi32, #tpu.memory_space<hbm>> -> memref<1x1x1x100xi32, #tpu.memory_space<hbm>>
    %dma_start3A_42 = tpu.memref_squeeze %dma_start3A_41 : memref<1x1x1x100xi32, #tpu.memory_space<hbm>> -> memref<100xi32, #tpu.memory_space<hbm>>
    %dma_start3A_43 = arith.constant 0 : i32
    %dma_start3A_44 = tpu.memref_slice %arg3[%dma_start3A_38, %add3A, %dma_start3A_39, %dma_start3A_43] : memref<2x32x100x100xi32, #tpu.memory_space<hbm>> -> memref<1x1x1x100xi32, #tpu.memory_space<hbm>>
    %dma_start3A_45 = tpu.memref_squeeze %dma_start3A_44 : memref<1x1x1x100xi32, #tpu.memory_space<hbm>> -> memref<100xi32, #tpu.memory_space<hbm>>
    tpu.enqueue_dma source(%dma_start3A_45 : memref<100xi32, #tpu.memory_space<hbm>>) target(%arg6 : memref<100xi32, #tpu.memory_space<vmem>>) target_semaphore(%arg11 : memref<!tpu.dma_semaphore, #tpu.memory_space<semaphore_mem>>)
    %dma_start3A_46 = arith.constant 0 : i32
    %dma_start3A_47 = arith.constant 0 : i32
    %dma_start3A_48 = tpu.memref_slice %arg5[%dma_start3A_46, %dma_start3A_47] : memref<100x100xi32, #tpu.memory_space<vmem>> -> memref<1x100xi32, #tpu.memory_space<vmem>>
    %dma_start3A_49 = tpu.memref_squeeze %dma_start3A_48 : memref<1x100xi32, #tpu.memory_space<vmem>> -> memref<100xi32, #tpu.memory_space<vmem>>
    %dma_start3A_50 = arith.constant 0 : i32
    %dma_start3A_51 = arith.constant 0 : i32
    %dma_start3A_52 = tpu.memref_slice %arg2[%dma_start3A_50, %dma_start3A_51] : memref<10000x64xf32, #tpu.memory_space<hbm>> -> memref<10000x64xf32, #tpu.memory_space<hbm>>
    tpu.enqueue_indirect_dma source(%dma_start3A_52 : memref<10000x64xf32, #tpu.memory_space<hbm>>) target(%arg8 : memref<100x64xf32, #tpu.memory_space<vmem>>) offsets(%dma_start3A_49 : memref<100xi32, #tpu.memory_space<vmem>>) semaphore(%arg11 : memref<!tpu.dma_semaphore, #tpu.memory_space<semaphore_mem>>)
    %dma_start3A_53 = arith.constant 1 : i32
    %dma_start3A_54 = arith.constant 1 : i32
    %dma_start3A_55 = arith.constant 0 : i32
    %dma_start3A_56 = tpu.memref_slice %arg3[%dma_start3A_53, %add3A, %dma_start3A_54, %dma_start3A_55] : memref<2x32x100x100xi32, #tpu.memory_space<hbm>> -> memref<1x1x1x100xi32, #tpu.memory_space<hbm>>
    %dma_start3A_57 = tpu.memref_squeeze %dma_start3A_56 : memref<1x1x1x100xi32, #tpu.memory_space<hbm>> -> memref<100xi32, #tpu.memory_space<hbm>>
    %dma_start3A_58 = arith.constant 0 : i32
    %dma_start3A_59 = tpu.memref_slice %arg3[%dma_start3A_53, %add3A, %dma_start3A_54, %dma_start3A_58] : memref<2x32x100x100xi32, #tpu.memory_space<hbm>> -> memref<1x1x1x100xi32, #tpu.memory_space<hbm>>
    %dma_start3A_60 = tpu.memref_squeeze %dma_start3A_59 : memref<1x1x1x100xi32, #tpu.memory_space<hbm>> -> memref<100xi32, #tpu.memory_space<hbm>>
    tpu.enqueue_dma source(%dma_start3A_60 : memref<100xi32, #tpu.memory_space<hbm>>) target(%arg7 : memref<100xi32, #tpu.memory_space<vmem>>) target_semaphore(%arg12 : memref<!tpu.dma_semaphore, #tpu.memory_space<semaphore_mem>>)
    %dma_start3A_61 = arith.constant 1 : i32
    %dma_start3A_62 = arith.constant 0 : i32
    %dma_start3A_63 = tpu.memref_slice %arg5[%dma_start3A_61, %dma_start3A_62] : memref<100x100xi32, #tpu.memory_space<vmem>> -> memref<1x100xi32, #tpu.memory_space<vmem>>
    %dma_start3A_64 = tpu.memref_squeeze %dma_start3A_63 : memref<1x100xi32, #tpu.memory_space<vmem>> -> memref<100xi32, #tpu.memory_space<vmem>>
    %dma_start3A_65 = arith.constant 0 : i32
    %dma_start3A_66 = arith.constant 0 : i32
    %dma_start3A_67 = tpu.memref_slice %arg2[%dma_start3A_65, %dma_start3A_66] : memref<10000x64xf32, #tpu.memory_space<hbm>> -> memref<10000x64xf32, #tpu.memory_space<hbm>>
    tpu.enqueue_indirect_dma source(%dma_start3A_67 : memref<10000x64xf32, #tpu.memory_space<hbm>>) target(%arg9 : memref<100x64xf32, #tpu.memory_space<vmem>>) offsets(%dma_start3A_64 : memref<100xi32, #tpu.memory_space<vmem>>) semaphore(%arg12 : memref<!tpu.dma_semaphore, #tpu.memory_space<semaphore_mem>>)
    %scan3A_68 = arith.constant 0 : i32
    %scan3A_69 = arith.constant 0 : i32
    %scan3A_70 = arith.constant 50 : i32
    %scan3A_71 = arith.addi %scan3A_69, %scan3A_70 : i32
    %scan3A_72 = arith.constant 1 : i32
    scf.for %scan3A_105 = %scan3A_69 to %scan3A_71 step %scan3A_72  : i32 {
      %mul3A_106 = arith.constant 2 : i32
      %mul3A_107 = arith.muli %mul3A_106, %scan3A_105 : i32
      %dma_wait3A_108 = arith.constant 1 : i32
      %dma_wait3A_109 = arith.constant 0 : i32
      %dma_wait3A_110 = arith.constant 0 : i32
      %dma_wait3A_111 = tpu.memref_slice %arg3[%dma_wait3A_108, %add3A, %dma_wait3A_109, %dma_wait3A_110] : memref<2x32x100x100xi32, #tpu.memory_space<hbm>> -> memref<1x1x1x100xi32, #tpu.memory_space<hbm>>
      %dma_wait3A_112 = tpu.memref_squeeze %dma_wait3A_111 : memref<1x1x1x100xi32, #tpu.memory_space<hbm>> -> memref<100xi32, #tpu.memory_space<hbm>>
      %dma_wait3A_113 = arith.constant 0 : i32
      %dma_wait3A_114 = tpu.memref_slice %arg3[%dma_wait3A_108, %add3A, %dma_wait3A_109, %dma_wait3A_113] : memref<2x32x100x100xi32, #tpu.memory_space<hbm>> -> memref<1x1x1x100xi32, #tpu.memory_space<hbm>>
      %dma_wait3A_115 = tpu.memref_squeeze %dma_wait3A_114 : memref<1x1x1x100xi32, #tpu.memory_space<hbm>> -> memref<100xi32, #tpu.memory_space<hbm>>
      tpu.wait_dma2 semaphore(%arg11 : memref<!tpu.dma_semaphore, #tpu.memory_space<semaphore_mem>>) src(%dma_wait3A_115 : memref<100xi32, #tpu.memory_space<hbm>>) dst(%arg6 : memref<100xi32, #tpu.memory_space<vmem>>)
      %dma_wait3A_116 = arith.constant 0 : i32
      %dma_wait3A_117 = arith.constant 0 : i32
      %dma_wait3A_118 = tpu.memref_slice %arg5[%dma_wait3A_116, %dma_wait3A_117] : memref<100x100xi32, #tpu.memory_space<vmem>> -> memref<1x100xi32, #tpu.memory_space<vmem>>
      %dma_wait3A_119 = tpu.memref_squeeze %dma_wait3A_118 : memref<1x100xi32, #tpu.memory_space<vmem>> -> memref<100xi32, #tpu.memory_space<vmem>>
      %dma_wait3A_120 = arith.constant 0 : i32
      %dma_wait3A_121 = arith.constant 0 : i32
      %dma_wait3A_122 = tpu.memref_slice %arg2[%dma_wait3A_120, %dma_wait3A_121] : memref<10000x64xf32, #tpu.memory_space<hbm>> -> memref<10000x64xf32, #tpu.memory_space<hbm>>
      tpu.wait_indirect_dma semaphore(%arg11 : memref<!tpu.dma_semaphore, #tpu.memory_space<semaphore_mem>>) src(%dma_wait3A_122 : memref<10000x64xf32, #tpu.memory_space<hbm>>) dst(%arg8 : memref<100x64xf32, #tpu.memory_space<vmem>>)
      "tpu.region"() ({
        %run_scoped3A = tpu.sem_alloc : memref<!tpu.dma_semaphore, #tpu.memory_space<semaphore_mem>>
        %dma_start3A_173 = arith.constant 0 : i32
        %dma_start3A_174 = arith.constant 0 : i32
        %dma_start3A_175 = tpu.memref_slice %arg10[%dma_start3A_173, %dma_start3A_174] : memref<10000x64xf32, #tpu.memory_space<vmem_shared>> -> memref<10000x64xf32, #tpu.memory_space<vmem_shared>>
        tpu.enqueue_indirect_dma source(%arg8 : memref<100x64xf32, #tpu.memory_space<vmem>>) target(%dma_start3A_175 : memref<10000x64xf32, #tpu.memory_space<vmem_shared>>) offsets(%arg6 : memref<100xi32, #tpu.memory_space<vmem>>) semaphore(%run_scoped3A : memref<!tpu.dma_semaphore, #tpu.memory_space<semaphore_mem>>) {add = true}
        %dma_wait3A_176 = arith.constant 0 : i32
        %dma_wait3A_177 = arith.constant 0 : i32
        %dma_wait3A_178 = tpu.memref_slice %arg10[%dma_wait3A_176, %dma_wait3A_177] : memref<10000x64xf32, #tpu.memory_space<vmem_shared>> -> memref<10000x64xf32, #tpu.memory_space<vmem_shared>>
        tpu.wait_indirect_dma semaphore(%run_scoped3A : memref<!tpu.dma_semaphore, #tpu.memory_space<semaphore_mem>>) src(%arg8 : memref<100x64xf32, #tpu.memory_space<vmem>>) dst(%dma_wait3A_178 : memref<10000x64xf32, #tpu.memory_space<vmem_shared>>)
        tpu.yield
      }) : () -> ()
      %add3A_123 = arith.constant 2 : i32
      %add3A_124 = arith.addi %mul3A_107, %add3A_123 : i32
      %min3A = arith.constant 99 : i32
      %min3A_125 = arith.minsi %add3A_124, %min3A : i32
      %dma_start3A_126 = arith.constant 1 : i32
      %dma_start3A_127 = arith.constant 0 : i32
      %dma_start3A_128 = tpu.memref_slice %arg3[%dma_start3A_126, %add3A, %min3A_125, %dma_start3A_127] : memref<2x32x100x100xi32, #tpu.memory_space<hbm>> -> memref<1x1x1x100xi32, #tpu.memory_space<hbm>>
      %dma_start3A_129 = tpu.memref_squeeze %dma_start3A_128 : memref<1x1x1x100xi32, #tpu.memory_space<hbm>> -> memref<100xi32, #tpu.memory_space<hbm>>
      %dma_start3A_130 = arith.constant 0 : i32
      %dma_start3A_131 = tpu.memref_slice %arg3[%dma_start3A_126, %add3A, %min3A_125, %dma_start3A_130] : memref<2x32x100x100xi32, #tpu.memory_space<hbm>> -> memref<1x1x1x100xi32, #tpu.memory_space<hbm>>
      %dma_start3A_132 = tpu.memref_squeeze %dma_start3A_131 : memref<1x1x1x100xi32, #tpu.memory_space<hbm>> -> memref<100xi32, #tpu.memory_space<hbm>>
      tpu.enqueue_dma source(%dma_start3A_132 : memref<100xi32, #tpu.memory_space<hbm>>) target(%arg6 : memref<100xi32, #tpu.memory_space<vmem>>) target_semaphore(%arg11 : memref<!tpu.dma_semaphore, #tpu.memory_space<semaphore_mem>>)
      %dma_start3A_133 = arith.constant 0 : i32
      %dma_start3A_134 = tpu.memref_slice %arg5[%min3A_125, %dma_start3A_133] : memref<100x100xi32, #tpu.memory_space<vmem>> -> memref<1x100xi32, #tpu.memory_space<vmem>>
      %dma_start3A_135 = tpu.memref_squeeze %dma_start3A_134 : memref<1x100xi32, #tpu.memory_space<vmem>> -> memref<100xi32, #tpu.memory_space<vmem>>
      %dma_start3A_136 = arith.constant 0 : i32
      %dma_start3A_137 = arith.constant 0 : i32
      %dma_start3A_138 = tpu.memref_slice %arg2[%dma_start3A_136, %dma_start3A_137] : memref<10000x64xf32, #tpu.memory_space<hbm>> -> memref<10000x64xf32, #tpu.memory_space<hbm>>
      tpu.enqueue_indirect_dma source(%dma_start3A_138 : memref<10000x64xf32, #tpu.memory_space<hbm>>) target(%arg8 : memref<100x64xf32, #tpu.memory_space<vmem>>) offsets(%dma_start3A_135 : memref<100xi32, #tpu.memory_space<vmem>>) semaphore(%arg11 : memref<!tpu.dma_semaphore, #tpu.memory_space<semaphore_mem>>)
      %add3A_139 = arith.constant 1 : i32
      %add3A_140 = arith.addi %mul3A_107, %add3A_139 : i32
      %dma_wait3A_141 = arith.constant 1 : i32
      %dma_wait3A_142 = arith.constant 1 : i32
      %dma_wait3A_143 = arith.constant 0 : i32
      %dma_wait3A_144 = tpu.memref_slice %arg3[%dma_wait3A_141, %add3A, %dma_wait3A_142, %dma_wait3A_143] : memref<2x32x100x100xi32, #tpu.memory_space<hbm>> -> memref<1x1x1x100xi32, #tpu.memory_space<hbm>>
      %dma_wait3A_145 = tpu.memref_squeeze %dma_wait3A_144 : memref<1x1x1x100xi32, #tpu.memory_space<hbm>> -> memref<100xi32, #tpu.memory_space<hbm>>
      %dma_wait3A_146 = arith.constant 0 : i32
      %dma_wait3A_147 = tpu.memref_slice %arg3[%dma_wait3A_141, %add3A, %dma_wait3A_142, %dma_wait3A_146] : memref<2x32x100x100xi32, #tpu.memory_space<hbm>> -> memref<1x1x1x100xi32, #tpu.memory_space<hbm>>
      %dma_wait3A_148 = tpu.memref_squeeze %dma_wait3A_147 : memref<1x1x1x100xi32, #tpu.memory_space<hbm>> -> memref<100xi32, #tpu.memory_space<hbm>>
      tpu.wait_dma2 semaphore(%arg12 : memref<!tpu.dma_semaphore, #tpu.memory_space<semaphore_mem>>) src(%dma_wait3A_148 : memref<100xi32, #tpu.memory_space<hbm>>) dst(%arg7 : memref<100xi32, #tpu.memory_space<vmem>>)
      %dma_wait3A_149 = arith.constant 1 : i32
      %dma_wait3A_150 = arith.constant 0 : i32
      %dma_wait3A_151 = tpu.memref_slice %arg5[%dma_wait3A_149, %dma_wait3A_150] : memref<100x100xi32, #tpu.memory_space<vmem>> -> memref<1x100xi32, #tpu.memory_space<vmem>>
      %dma_wait3A_152 = tpu.memref_squeeze %dma_wait3A_151 : memref<1x100xi32, #tpu.memory_space<vmem>> -> memref<100xi32, #tpu.memory_space<vmem>>
      %dma_wait3A_153 = arith.constant 0 : i32
      %dma_wait3A_154 = arith.constant 0 : i32
      %dma_wait3A_155 = tpu.memref_slice %arg2[%dma_wait3A_153, %dma_wait3A_154] : memref<10000x64xf32, #tpu.memory_space<hbm>> -> memref<10000x64xf32, #tpu.memory_space<hbm>>
      tpu.wait_indirect_dma semaphore(%arg12 : memref<!tpu.dma_semaphore, #tpu.memory_space<semaphore_mem>>) src(%dma_wait3A_155 : memref<10000x64xf32, #tpu.memory_space<hbm>>) dst(%arg9 : memref<100x64xf32, #tpu.memory_space<vmem>>)
      "tpu.region"() ({
        %run_scoped3A = tpu.sem_alloc : memref<!tpu.dma_semaphore, #tpu.memory_space<semaphore_mem>>
        %dma_start3A_173 = arith.constant 0 : i32
        %dma_start3A_174 = arith.constant 0 : i32
        %dma_start3A_175 = tpu.memref_slice %arg10[%dma_start3A_173, %dma_start3A_174] : memref<10000x64xf32, #tpu.memory_space<vmem_shared>> -> memref<10000x64xf32, #tpu.memory_space<vmem_shared>>
        tpu.enqueue_indirect_dma source(%arg9 : memref<100x64xf32, #tpu.memory_space<vmem>>) target(%dma_start3A_175 : memref<10000x64xf32, #tpu.memory_space<vmem_shared>>) offsets(%arg7 : memref<100xi32, #tpu.memory_space<vmem>>) semaphore(%run_scoped3A : memref<!tpu.dma_semaphore, #tpu.memory_space<semaphore_mem>>) {add = true}
        %dma_wait3A_176 = arith.constant 0 : i32
        %dma_wait3A_177 = arith.constant 0 : i32
        %dma_wait3A_178 = tpu.memref_slice %arg10[%dma_wait3A_176, %dma_wait3A_177] : memref<10000x64xf32, #tpu.memory_space<vmem_shared>> -> memref<10000x64xf32, #tpu.memory_space<vmem_shared>>
        tpu.wait_indirect_dma semaphore(%run_scoped3A : memref<!tpu.dma_semaphore, #tpu.memory_space<semaphore_mem>>) src(%arg9 : memref<100x64xf32, #tpu.memory_space<vmem>>) dst(%dma_wait3A_178 : memref<10000x64xf32, #tpu.memory_space<vmem_shared>>)
        tpu.yield
      }) : () -> ()
      %add3A_156 = arith.constant 2 : i32
      %add3A_157 = arith.addi %add3A_140, %add3A_156 : i32
      %min3A_158 = arith.constant 99 : i32
      %min3A_159 = arith.minsi %add3A_157, %min3A_158 : i32
      %dma_start3A_160 = arith.constant 1 : i32
      %dma_start3A_161 = arith.constant 0 : i32
      %dma_start3A_162 = tpu.memref_slice %arg3[%dma_start3A_160, %add3A, %min3A_159, %dma_start3A_161] : memref<2x32x100x100xi32, #tpu.memory_space<hbm>> -> memref<1x1x1x100xi32, #tpu.memory_space<hbm>>
      %dma_start3A_163 = tpu.memref_squeeze %dma_start3A_162 : memref<1x1x1x100xi32, #tpu.memory_space<hbm>> -> memref<100xi32, #tpu.memory_space<hbm>>
      %dma_start3A_164 = arith.constant 0 : i32
      %dma_start3A_165 = tpu.memref_slice %arg3[%dma_start3A_160, %add3A, %min3A_159, %dma_start3A_164] : memref<2x32x100x100xi32, #tpu.memory_space<hbm>> -> memref<1x1x1x100xi32, #tpu.memory_space<hbm>>
      %dma_start3A_166 = tpu.memref_squeeze %dma_start3A_165 : memref<1x1x1x100xi32, #tpu.memory_space<hbm>> -> memref<100xi32, #tpu.memory_space<hbm>>
      tpu.enqueue_dma source(%dma_start3A_166 : memref<100xi32, #tpu.memory_space<hbm>>) target(%arg7 : memref<100xi32, #tpu.memory_space<vmem>>) target_semaphore(%arg12 : memref<!tpu.dma_semaphore, #tpu.memory_space<semaphore_mem>>)
      %dma_start3A_167 = arith.constant 0 : i32
      %dma_start3A_168 = tpu.memref_slice %arg5[%min3A_159, %dma_start3A_167] : memref<100x100xi32, #tpu.memory_space<vmem>> -> memref<1x100xi32, #tpu.memory_space<vmem>>
      %dma_start3A_169 = tpu.memref_squeeze %dma_start3A_168 : memref<1x100xi32, #tpu.memory_space<vmem>> -> memref<100xi32, #tpu.memory_space<vmem>>
      %dma_start3A_170 = arith.constant 0 : i32
      %dma_start3A_171 = arith.constant 0 : i32
      %dma_start3A_172 = tpu.memref_slice %arg2[%dma_start3A_170, %dma_start3A_171] : memref<10000x64xf32, #tpu.memory_space<hbm>> -> memref<10000x64xf32, #tpu.memory_space<hbm>>
      tpu.enqueue_indirect_dma source(%dma_start3A_172 : memref<10000x64xf32, #tpu.memory_space<hbm>>) target(%arg9 : memref<100x64xf32, #tpu.memory_space<vmem>>) offsets(%dma_start3A_169 : memref<100xi32, #tpu.memory_space<vmem>>) semaphore(%arg12 : memref<!tpu.dma_semaphore, #tpu.memory_space<semaphore_mem>>)
    }
    %scan3A_73 = arith.constant 50 : i32
    %dma_wait3A_74 = arith.constant 1 : i32
    %dma_wait3A_75 = arith.constant 0 : i32
    %dma_wait3A_76 = arith.constant 0 : i32
    %dma_wait3A_77 = tpu.memref_slice %arg3[%dma_wait3A_74, %add3A, %dma_wait3A_75, %dma_wait3A_76] : memref<2x32x100x100xi32, #tpu.memory_space<hbm>> -> memref<1x1x1x100xi32, #tpu.memory_space<hbm>>
    %dma_wait3A_78 = tpu.memref_squeeze %dma_wait3A_77 : memref<1x1x1x100xi32, #tpu.memory_space<hbm>> -> memref<100xi32, #tpu.memory_space<hbm>>
    %dma_wait3A_79 = arith.constant 0 : i32
    %dma_wait3A_80 = tpu.memref_slice %arg3[%dma_wait3A_74, %add3A, %dma_wait3A_75, %dma_wait3A_79] : memref<2x32x100x100xi32, #tpu.memory_space<hbm>> -> memref<1x1x1x100xi32, #tpu.memory_space<hbm>>
    %dma_wait3A_81 = tpu.memref_squeeze %dma_wait3A_80 : memref<1x1x1x100xi32, #tpu.memory_space<hbm>> -> memref<100xi32, #tpu.memory_space<hbm>>
    tpu.wait_dma2 semaphore(%arg11 : memref<!tpu.dma_semaphore, #tpu.memory_space<semaphore_mem>>) src(%dma_wait3A_81 : memref<100xi32, #tpu.memory_space<hbm>>) dst(%arg6 : memref<100xi32, #tpu.memory_space<vmem>>)
    %dma_wait3A_82 = arith.constant 0 : i32
    %dma_wait3A_83 = arith.constant 0 : i32
    %dma_wait3A_84 = tpu.memref_slice %arg5[%dma_wait3A_82, %dma_wait3A_83] : memref<100x100xi32, #tpu.memory_space<vmem>> -> memref<1x100xi32, #tpu.memory_space<vmem>>
    %dma_wait3A_85 = tpu.memref_squeeze %dma_wait3A_84 : memref<1x100xi32, #tpu.memory_space<vmem>> -> memref<100xi32, #tpu.memory_space<vmem>>
    %dma_wait3A_86 = arith.constant 0 : i32
    %dma_wait3A_87 = arith.constant 0 : i32
    %dma_wait3A_88 = tpu.memref_slice %arg2[%dma_wait3A_86, %dma_wait3A_87] : memref<10000x64xf32, #tpu.memory_space<hbm>> -> memref<10000x64xf32, #tpu.memory_space<hbm>>
    tpu.wait_indirect_dma semaphore(%arg11 : memref<!tpu.dma_semaphore, #tpu.memory_space<semaphore_mem>>) src(%dma_wait3A_88 : memref<10000x64xf32, #tpu.memory_space<hbm>>) dst(%arg8 : memref<100x64xf32, #tpu.memory_space<vmem>>)
    %dma_wait3A_89 = arith.constant 1 : i32
    %dma_wait3A_90 = arith.constant 1 : i32
    %dma_wait3A_91 = arith.constant 0 : i32
    %dma_wait3A_92 = tpu.memref_slice %arg3[%dma_wait3A_89, %add3A, %dma_wait3A_90, %dma_wait3A_91] : memref<2x32x100x100xi32, #tpu.memory_space<hbm>> -> memref<1x1x1x100xi32, #tpu.memory_space<hbm>>
    %dma_wait3A_93 = tpu.memref_squeeze %dma_wait3A_92 : memref<1x1x1x100xi32, #tpu.memory_space<hbm>> -> memref<100xi32, #tpu.memory_space<hbm>>
    %dma_wait3A_94 = arith.constant 0 : i32
    %dma_wait3A_95 = tpu.memref_slice %arg3[%dma_wait3A_89, %add3A, %dma_wait3A_90, %dma_wait3A_94] : memref<2x32x100x100xi32, #tpu.memory_space<hbm>> -> memref<1x1x1x100xi32, #tpu.memory_space<hbm>>
    %dma_wait3A_96 = tpu.memref_squeeze %dma_wait3A_95 : memref<1x1x1x100xi32, #tpu.memory_space<hbm>> -> memref<100xi32, #tpu.memory_space<hbm>>
    tpu.wait_dma2 semaphore(%arg12 : memref<!tpu.dma_semaphore, #tpu.memory_space<semaphore_mem>>) src(%dma_wait3A_96 : memref<100xi32, #tpu.memory_space<hbm>>) dst(%arg7 : memref<100xi32, #tpu.memory_space<vmem>>)
    %dma_wait3A_97 = arith.constant 1 : i32
    %dma_wait3A_98 = arith.constant 0 : i32
    %dma_wait3A_99 = tpu.memref_slice %arg5[%dma_wait3A_97, %dma_wait3A_98] : memref<100x100xi32, #tpu.memory_space<vmem>> -> memref<1x100xi32, #tpu.memory_space<vmem>>
    %dma_wait3A_100 = tpu.memref_squeeze %dma_wait3A_99 : memref<1x100xi32, #tpu.memory_space<vmem>> -> memref<100xi32, #tpu.memory_space<vmem>>
    %dma_wait3A_101 = arith.constant 0 : i32
    %dma_wait3A_102 = arith.constant 0 : i32
    %dma_wait3A_103 = tpu.memref_slice %arg2[%dma_wait3A_101, %dma_wait3A_102] : memref<10000x64xf32, #tpu.memory_space<hbm>> -> memref<10000x64xf32, #tpu.memory_space<hbm>>
    tpu.wait_indirect_dma semaphore(%arg12 : memref<!tpu.dma_semaphore, #tpu.memory_space<semaphore_mem>>) src(%dma_wait3A_103 : memref<10000x64xf32, #tpu.memory_space<hbm>>) dst(%arg9 : memref<100x64xf32, #tpu.memory_space<vmem>>)
    %barrier3A_104 = arith.constant 0 : index
    tpu.barrier barrier_id(%barrier3A_104)
    "tpu.region"() ({
      %run_scoped3A = tpu.sem_alloc : memref<!tpu.dma_semaphore, #tpu.memory_space<semaphore_mem>>
      %dma_start3A_105 = arith.constant 0 : i32
      %dma_start3A_106 = tpu.memref_slice %arg4[%arg0, %mul3A_15, %dma_start3A_105] : memref<2x10000x64xf32, #tpu.memory_space<hbm>> -> memref<1x625x64xf32, #tpu.memory_space<hbm>>
      %dma_start3A_107 = tpu.memref_squeeze %dma_start3A_106 : memref<1x625x64xf32, #tpu.memory_space<hbm>> -> memref<625x64xf32, #tpu.memory_space<hbm>>
      %dma_start3A_108 = arith.constant 0 : i32
      %dma_start3A_109 = tpu.memref_slice %arg10[%mul3A_15, %dma_start3A_108] : memref<10000x64xf32, #tpu.memory_space<vmem_shared>> -> memref<625x64xf32, #tpu.memory_space<vmem_shared>>
      tpu.enqueue_dma source(%dma_start3A_109 : memref<625x64xf32, #tpu.memory_space<vmem_shared>>) target(%dma_start3A_107 : memref<625x64xf32, #tpu.memory_space<hbm>>) target_semaphore(%run_scoped3A : memref<!tpu.dma_semaphore, #tpu.memory_space<semaphore_mem>>)
      %dma_wait3A_110 = arith.constant 0 : i32
      %dma_wait3A_111 = tpu.memref_slice %arg4[%arg0, %mul3A_15, %dma_wait3A_110] : memref<2x10000x64xf32, #tpu.memory_space<hbm>> -> memref<1x625x64xf32, #tpu.memory_space<hbm>>
      %dma_wait3A_112 = tpu.memref_squeeze %dma_wait3A_111 : memref<1x625x64xf32, #tpu.memory_space<hbm>> -> memref<625x64xf32, #tpu.memory_space<hbm>>
      %dma_wait3A_113 = arith.constant 0 : i32
      %dma_wait3A_114 = tpu.memref_slice %arg10[%mul3A_15, %dma_wait3A_113] : memref<10000x64xf32, #tpu.memory_space<vmem_shared>> -> memref<625x64xf32, #tpu.memory_space<vmem_shared>>
      tpu.wait_dma2 semaphore(%run_scoped3A : memref<!tpu.dma_semaphore, #tpu.memory_space<semaphore_mem>>) src(%dma_wait3A_114 : memref<625x64xf32, #tpu.memory_space<vmem_shared>>) dst(%dma_wait3A_112 : memref<625x64xf32, #tpu.memory_space<hbm>>)
      tpu.yield
    }) : () -> ()
    return
  }
}

#map = affine_map<(d0, d1) -> (0, 0)>
#map1 = affine_map<(d0, d1) -> (0, 0, 0, 0)>
#map2 = affine_map<(d0, d1) -> (0, 0, 0)>
module attributes {stable_mosaic.version = 14 : i64} {
  func.func @prop(%arg0: i32, %arg1: i32, %arg2: memref<10000x128xf32, #tpu.memory_space<hbm>>, %arg3: memref<2x32x100x100xi32, #tpu.memory_space<hbm>>, %arg4: memref<2x10000x128xf32, #tpu.memory_space<hbm>>, %arg5: memref<100x100xi32, #tpu.memory_space<vmem>>, %arg6: memref<100xi32, #tpu.memory_space<vmem>>, %arg7: memref<100xi32, #tpu.memory_space<vmem>>, %arg8: memref<100x128xf32, #tpu.memory_space<vmem>>, %arg9: memref<100x128xf32, #tpu.memory_space<vmem>>, %arg10: memref<10000x128xf32, #tpu.memory_space<vmem_shared>>, %arg11: memref<!tpu.dma_semaphore, #tpu.memory_space<semaphore_mem>>, %arg12: memref<!tpu.dma_semaphore, #tpu.memory_space<semaphore_mem>>) attributes {dimension_semantics = [#tpu.dimension_semantics<core_parallel>, #tpu.dimension_semantics<subcore_parallel>], iteration_bounds = array<i64: 2, 16>, scalar_prefetch = 0 : i64, scratch_operands = 8 : i64, tpu.core_type = #tpu.core_type<sc_vector_subcore>, window_params = [{transform_indices = #map}, {transform_indices = #map1}, {transform_indices = #map2}]} {
    %mul3A = arith.constant 2 : i32
    %mul3A_0 = arith.muli %arg1, %mul3A : i32
    %add3A = arith.addi %mul3A_0, %arg0 : i32
    %dma_start3A = arith.constant 0 : i32
    %dma_start3A_1 = arith.constant 0 : i32
    %dma_start3A_2 = arith.constant 0 : i32
    %dma_start3A_3 = tpu.memref_slice %arg3[%dma_start3A, %add3A, %dma_start3A_1, %dma_start3A_2] : memref<2x32x100x100xi32, #tpu.memory_space<hbm>> -> memref<1x1x100x100xi32, #tpu.memory_space<hbm>>
    %dma_start3A_4 = tpu.memref_squeeze %dma_start3A_3 : memref<1x1x100x100xi32, #tpu.memory_space<hbm>> -> memref<100x100xi32, #tpu.memory_space<hbm>>
    %dma_start3A_5 = arith.constant 0 : i32
    %dma_start3A_6 = arith.constant 0 : i32
    %dma_start3A_7 = tpu.memref_slice %arg3[%dma_start3A, %add3A, %dma_start3A_5, %dma_start3A_6] : memref<2x32x100x100xi32, #tpu.memory_space<hbm>> -> memref<1x1x100x100xi32, #tpu.memory_space<hbm>>
    %dma_start3A_8 = tpu.memref_squeeze %dma_start3A_7 : memref<1x1x100x100xi32, #tpu.memory_space<hbm>> -> memref<100x100xi32, #tpu.memory_space<hbm>>
    tpu.enqueue_dma source(%dma_start3A_8 : memref<100x100xi32, #tpu.memory_space<hbm>>) target(%arg5 : memref<100x100xi32, #tpu.memory_space<vmem>>) target_semaphore(%arg11 : memref<!tpu.dma_semaphore, #tpu.memory_space<semaphore_mem>>)
    %scan3A = arith.constant 0 : i32
    %scan3A_9 = arith.constant 0 : i32
    %scan3A_10 = arith.constant 100 : i32
    %scan3A_11 = arith.addi %scan3A_9, %scan3A_10 : i32
    %scan3A_12 = arith.constant 1 : i32
    scf.for %scan3A_105 = %scan3A_9 to %scan3A_11 step %scan3A_12  : i32 {
      %broadcast_in_dim3A = arith.constant 0.000000e+00 : f32
      %broadcast_in_dim3A_106 = vector.broadcast %broadcast_in_dim3A : f32 to vector<16xf32>
      %swap3A = arith.index_cast %scan3A_105 : i32 to index
      %swap3A_107 = arith.constant 0 : index
      %swap3A_108 = tpu.vector_load %arg8[%swap3A, %swap3A_107] {strides = array<i32>} : memref<100x128xf32, #tpu.memory_space<vmem>>, vector<1x16xf32>,
      %swap3A_109 = vector.shape_cast %swap3A_108 : vector<1x16xf32> to vector<16xf32>
      %swap3A_110 = vector.shape_cast %broadcast_in_dim3A_106 : vector<16xf32> to vector<1x16xf32>
      tpu.vector_store %arg8[%swap3A, %swap3A_107], %swap3A_110 {strides = array<i32>} : memref<100x128xf32, #tpu.memory_space<vmem>>, vector<1x16xf32>,
      %broadcast_in_dim3A_111 = arith.constant 0.000000e+00 : f32
      %broadcast_in_dim3A_112 = vector.broadcast %broadcast_in_dim3A_111 : f32 to vector<16xf32>
      %swap3A_113 = arith.index_cast %scan3A_105 : i32 to index
      %swap3A_114 = arith.constant 16 : index
      %swap3A_115 = tpu.vector_load %arg8[%swap3A_113, %swap3A_114] {strides = array<i32>} : memref<100x128xf32, #tpu.memory_space<vmem>>, vector<1x16xf32>,
      %swap3A_116 = vector.shape_cast %swap3A_115 : vector<1x16xf32> to vector<16xf32>
      %swap3A_117 = vector.shape_cast %broadcast_in_dim3A_112 : vector<16xf32> to vector<1x16xf32>
      tpu.vector_store %arg8[%swap3A_113, %swap3A_114], %swap3A_117 {strides = array<i32>} : memref<100x128xf32, #tpu.memory_space<vmem>>, vector<1x16xf32>,
      %broadcast_in_dim3A_118 = arith.constant 0.000000e+00 : f32
      %broadcast_in_dim3A_119 = vector.broadcast %broadcast_in_dim3A_118 : f32 to vector<16xf32>
      %swap3A_120 = arith.index_cast %scan3A_105 : i32 to index
      %swap3A_121 = arith.constant 32 : index
      %swap3A_122 = tpu.vector_load %arg8[%swap3A_120, %swap3A_121] {strides = array<i32>} : memref<100x128xf32, #tpu.memory_space<vmem>>, vector<1x16xf32>,
      %swap3A_123 = vector.shape_cast %swap3A_122 : vector<1x16xf32> to vector<16xf32>
      %swap3A_124 = vector.shape_cast %broadcast_in_dim3A_119 : vector<16xf32> to vector<1x16xf32>
      tpu.vector_store %arg8[%swap3A_120, %swap3A_121], %swap3A_124 {strides = array<i32>} : memref<100x128xf32, #tpu.memory_space<vmem>>, vector<1x16xf32>,
      %broadcast_in_dim3A_125 = arith.constant 0.000000e+00 : f32
      %broadcast_in_dim3A_126 = vector.broadcast %broadcast_in_dim3A_125 : f32 to vector<16xf32>
      %swap3A_127 = arith.index_cast %scan3A_105 : i32 to index
      %swap3A_128 = arith.constant 48 : index
      %swap3A_129 = tpu.vector_load %arg8[%swap3A_127, %swap3A_128] {strides = array<i32>} : memref<100x128xf32, #tpu.memory_space<vmem>>, vector<1x16xf32>,
      %swap3A_130 = vector.shape_cast %swap3A_129 : vector<1x16xf32> to vector<16xf32>
      %swap3A_131 = vector.shape_cast %broadcast_in_dim3A_126 : vector<16xf32> to vector<1x16xf32>
      tpu.vector_store %arg8[%swap3A_127, %swap3A_128], %swap3A_131 {strides = array<i32>} : memref<100x128xf32, #tpu.memory_space<vmem>>, vector<1x16xf32>,
      %broadcast_in_dim3A_132 = arith.constant 0.000000e+00 : f32
      %broadcast_in_dim3A_133 = vector.broadcast %broadcast_in_dim3A_132 : f32 to vector<16xf32>
      %swap3A_134 = arith.index_cast %scan3A_105 : i32 to index
      %swap3A_135 = arith.constant 64 : index
      %swap3A_136 = tpu.vector_load %arg8[%swap3A_134, %swap3A_135] {strides = array<i32>} : memref<100x128xf32, #tpu.memory_space<vmem>>, vector<1x16xf32>,
      %swap3A_137 = vector.shape_cast %swap3A_136 : vector<1x16xf32> to vector<16xf32>
      %swap3A_138 = vector.shape_cast %broadcast_in_dim3A_133 : vector<16xf32> to vector<1x16xf32>
      tpu.vector_store %arg8[%swap3A_134, %swap3A_135], %swap3A_138 {strides = array<i32>} : memref<100x128xf32, #tpu.memory_space<vmem>>, vector<1x16xf32>,
      %broadcast_in_dim3A_139 = arith.constant 0.000000e+00 : f32
      %broadcast_in_dim3A_140 = vector.broadcast %broadcast_in_dim3A_139 : f32 to vector<16xf32>
      %swap3A_141 = arith.index_cast %scan3A_105 : i32 to index
      %swap3A_142 = arith.constant 80 : index
      %swap3A_143 = tpu.vector_load %arg8[%swap3A_141, %swap3A_142] {strides = array<i32>} : memref<100x128xf32, #tpu.memory_space<vmem>>, vector<1x16xf32>,
      %swap3A_144 = vector.shape_cast %swap3A_143 : vector<1x16xf32> to vector<16xf32>
      %swap3A_145 = vector.shape_cast %broadcast_in_dim3A_140 : vector<16xf32> to vector<1x16xf32>
      tpu.vector_store %arg8[%swap3A_141, %swap3A_142], %swap3A_145 {strides = array<i32>} : memref<100x128xf32, #tpu.memory_space<vmem>>, vector<1x16xf32>,
      %broadcast_in_dim3A_146 = arith.constant 0.000000e+00 : f32
      %broadcast_in_dim3A_147 = vector.broadcast %broadcast_in_dim3A_146 : f32 to vector<16xf32>
      %swap3A_148 = arith.index_cast %scan3A_105 : i32 to index
      %swap3A_149 = arith.constant 96 : index
      %swap3A_150 = tpu.vector_load %arg8[%swap3A_148, %swap3A_149] {strides = array<i32>} : memref<100x128xf32, #tpu.memory_space<vmem>>, vector<1x16xf32>,
      %swap3A_151 = vector.shape_cast %swap3A_150 : vector<1x16xf32> to vector<16xf32>
      %swap3A_152 = vector.shape_cast %broadcast_in_dim3A_147 : vector<16xf32> to vector<1x16xf32>
      tpu.vector_store %arg8[%swap3A_148, %swap3A_149], %swap3A_152 {strides = array<i32>} : memref<100x128xf32, #tpu.memory_space<vmem>>, vector<1x16xf32>,
      %broadcast_in_dim3A_153 = arith.constant 0.000000e+00 : f32
      %broadcast_in_dim3A_154 = vector.broadcast %broadcast_in_dim3A_153 : f32 to vector<16xf32>
      %swap3A_155 = arith.index_cast %scan3A_105 : i32 to index
      %swap3A_156 = arith.constant 112 : index
      %swap3A_157 = tpu.vector_load %arg8[%swap3A_155, %swap3A_156] {strides = array<i32>} : memref<100x128xf32, #tpu.memory_space<vmem>>, vector<1x16xf32>,
      %swap3A_158 = vector.shape_cast %swap3A_157 : vector<1x16xf32> to vector<16xf32>
      %swap3A_159 = vector.shape_cast %broadcast_in_dim3A_154 : vector<16xf32> to vector<1x16xf32>
      tpu.vector_store %arg8[%swap3A_155, %swap3A_156], %swap3A_159 {strides = array<i32>} : memref<100x128xf32, #tpu.memory_space<vmem>>, vector<1x16xf32>,
    }
    %scan3A_13 = arith.constant 100 : i32
    %mul3A_14 = arith.constant 625 : i32
    %mul3A_15 = arith.muli %arg1, %mul3A_14 : i32
    %add3A_16 = arith.constant 0 : i32
    %add3A_17 = arith.addi %mul3A_15, %add3A_16 : i32
    "tpu.region"() ({
      %run_scoped3A = tpu.sem_alloc : memref<!tpu.dma_semaphore, #tpu.memory_space<semaphore_mem>>
      %dma_start3A_105 = arith.constant 0 : i32
      %dma_start3A_106 = tpu.memref_slice %arg10[%add3A_17, %dma_start3A_105] : memref<10000x128xf32, #tpu.memory_space<vmem_shared>> -> memref<100x128xf32, #tpu.memory_space<vmem_shared>>
      %dma_start3A_107 = arith.constant 0 : i32
      %dma_start3A_108 = tpu.memref_slice %arg10[%add3A_17, %dma_start3A_107] : memref<10000x128xf32, #tpu.memory_space<vmem_shared>> -> memref<100x128xf32, #tpu.memory_space<vmem_shared>>
      tpu.enqueue_dma source(%arg8 : memref<100x128xf32, #tpu.memory_space<vmem>>) target(%dma_start3A_108 : memref<100x128xf32, #tpu.memory_space<vmem_shared>>) target_semaphore(%run_scoped3A : memref<!tpu.dma_semaphore, #tpu.memory_space<semaphore_mem>>)
      %dma_wait3A_109 = arith.constant 0 : i32
      %dma_wait3A_110 = tpu.memref_slice %arg10[%add3A_17, %dma_wait3A_109] : memref<10000x128xf32, #tpu.memory_space<vmem_shared>> -> memref<100x128xf32, #tpu.memory_space<vmem_shared>>
      %dma_wait3A_111 = arith.constant 0 : i32
      %dma_wait3A_112 = tpu.memref_slice %arg10[%add3A_17, %dma_wait3A_111] : memref<10000x128xf32, #tpu.memory_space<vmem_shared>> -> memref<100x128xf32, #tpu.memory_space<vmem_shared>>
      tpu.wait_dma2 semaphore(%run_scoped3A : memref<!tpu.dma_semaphore, #tpu.memory_space<semaphore_mem>>) src(%arg8 : memref<100x128xf32, #tpu.memory_space<vmem>>) dst(%dma_wait3A_112 : memref<100x128xf32, #tpu.memory_space<vmem_shared>>)
      tpu.yield
    }) : () -> ()
    %add3A_18 = arith.constant 100 : i32
    %add3A_19 = arith.addi %mul3A_15, %add3A_18 : i32
    "tpu.region"() ({
      %run_scoped3A = tpu.sem_alloc : memref<!tpu.dma_semaphore, #tpu.memory_space<semaphore_mem>>
      %dma_start3A_105 = arith.constant 0 : i32
      %dma_start3A_106 = tpu.memref_slice %arg10[%add3A_19, %dma_start3A_105] : memref<10000x128xf32, #tpu.memory_space<vmem_shared>> -> memref<100x128xf32, #tpu.memory_space<vmem_shared>>
      %dma_start3A_107 = arith.constant 0 : i32
      %dma_start3A_108 = tpu.memref_slice %arg10[%add3A_19, %dma_start3A_107] : memref<10000x128xf32, #tpu.memory_space<vmem_shared>> -> memref<100x128xf32, #tpu.memory_space<vmem_shared>>
      tpu.enqueue_dma source(%arg8 : memref<100x128xf32, #tpu.memory_space<vmem>>) target(%dma_start3A_108 : memref<100x128xf32, #tpu.memory_space<vmem_shared>>) target_semaphore(%run_scoped3A : memref<!tpu.dma_semaphore, #tpu.memory_space<semaphore_mem>>)
      %dma_wait3A_109 = arith.constant 0 : i32
      %dma_wait3A_110 = tpu.memref_slice %arg10[%add3A_19, %dma_wait3A_109] : memref<10000x128xf32, #tpu.memory_space<vmem_shared>> -> memref<100x128xf32, #tpu.memory_space<vmem_shared>>
      %dma_wait3A_111 = arith.constant 0 : i32
      %dma_wait3A_112 = tpu.memref_slice %arg10[%add3A_19, %dma_wait3A_111] : memref<10000x128xf32, #tpu.memory_space<vmem_shared>> -> memref<100x128xf32, #tpu.memory_space<vmem_shared>>
      tpu.wait_dma2 semaphore(%run_scoped3A : memref<!tpu.dma_semaphore, #tpu.memory_space<semaphore_mem>>) src(%arg8 : memref<100x128xf32, #tpu.memory_space<vmem>>) dst(%dma_wait3A_112 : memref<100x128xf32, #tpu.memory_space<vmem_shared>>)
      tpu.yield
    }) : () -> ()
    %add3A_20 = arith.constant 200 : i32
    %add3A_21 = arith.addi %mul3A_15, %add3A_20 : i32
    "tpu.region"() ({
      %run_scoped3A = tpu.sem_alloc : memref<!tpu.dma_semaphore, #tpu.memory_space<semaphore_mem>>
      %dma_start3A_105 = arith.constant 0 : i32
      %dma_start3A_106 = tpu.memref_slice %arg10[%add3A_21, %dma_start3A_105] : memref<10000x128xf32, #tpu.memory_space<vmem_shared>> -> memref<100x128xf32, #tpu.memory_space<vmem_shared>>
      %dma_start3A_107 = arith.constant 0 : i32
      %dma_start3A_108 = tpu.memref_slice %arg10[%add3A_21, %dma_start3A_107] : memref<10000x128xf32, #tpu.memory_space<vmem_shared>> -> memref<100x128xf32, #tpu.memory_space<vmem_shared>>
      tpu.enqueue_dma source(%arg8 : memref<100x128xf32, #tpu.memory_space<vmem>>) target(%dma_start3A_108 : memref<100x128xf32, #tpu.memory_space<vmem_shared>>) target_semaphore(%run_scoped3A : memref<!tpu.dma_semaphore, #tpu.memory_space<semaphore_mem>>)
      %dma_wait3A_109 = arith.constant 0 : i32
      %dma_wait3A_110 = tpu.memref_slice %arg10[%add3A_21, %dma_wait3A_109] : memref<10000x128xf32, #tpu.memory_space<vmem_shared>> -> memref<100x128xf32, #tpu.memory_space<vmem_shared>>
      %dma_wait3A_111 = arith.constant 0 : i32
      %dma_wait3A_112 = tpu.memref_slice %arg10[%add3A_21, %dma_wait3A_111] : memref<10000x128xf32, #tpu.memory_space<vmem_shared>> -> memref<100x128xf32, #tpu.memory_space<vmem_shared>>
      tpu.wait_dma2 semaphore(%run_scoped3A : memref<!tpu.dma_semaphore, #tpu.memory_space<semaphore_mem>>) src(%arg8 : memref<100x128xf32, #tpu.memory_space<vmem>>) dst(%dma_wait3A_112 : memref<100x128xf32, #tpu.memory_space<vmem_shared>>)
      tpu.yield
    }) : () -> ()
    %add3A_22 = arith.constant 300 : i32
    %add3A_23 = arith.addi %mul3A_15, %add3A_22 : i32
    "tpu.region"() ({
      %run_scoped3A = tpu.sem_alloc : memref<!tpu.dma_semaphore, #tpu.memory_space<semaphore_mem>>
      %dma_start3A_105 = arith.constant 0 : i32
      %dma_start3A_106 = tpu.memref_slice %arg10[%add3A_23, %dma_start3A_105] : memref<10000x128xf32, #tpu.memory_space<vmem_shared>> -> memref<100x128xf32, #tpu.memory_space<vmem_shared>>
      %dma_start3A_107 = arith.constant 0 : i32
      %dma_start3A_108 = tpu.memref_slice %arg10[%add3A_23, %dma_start3A_107] : memref<10000x128xf32, #tpu.memory_space<vmem_shared>> -> memref<100x128xf32, #tpu.memory_space<vmem_shared>>
      tpu.enqueue_dma source(%arg8 : memref<100x128xf32, #tpu.memory_space<vmem>>) target(%dma_start3A_108 : memref<100x128xf32, #tpu.memory_space<vmem_shared>>) target_semaphore(%run_scoped3A : memref<!tpu.dma_semaphore, #tpu.memory_space<semaphore_mem>>)
      %dma_wait3A_109 = arith.constant 0 : i32
      %dma_wait3A_110 = tpu.memref_slice %arg10[%add3A_23, %dma_wait3A_109] : memref<10000x128xf32, #tpu.memory_space<vmem_shared>> -> memref<100x128xf32, #tpu.memory_space<vmem_shared>>
      %dma_wait3A_111 = arith.constant 0 : i32
      %dma_wait3A_112 = tpu.memref_slice %arg10[%add3A_23, %dma_wait3A_111] : memref<10000x128xf32, #tpu.memory_space<vmem_shared>> -> memref<100x128xf32, #tpu.memory_space<vmem_shared>>
      tpu.wait_dma2 semaphore(%run_scoped3A : memref<!tpu.dma_semaphore, #tpu.memory_space<semaphore_mem>>) src(%arg8 : memref<100x128xf32, #tpu.memory_space<vmem>>) dst(%dma_wait3A_112 : memref<100x128xf32, #tpu.memory_space<vmem_shared>>)
      tpu.yield
    }) : () -> ()
    %add3A_24 = arith.constant 400 : i32
    %add3A_25 = arith.addi %mul3A_15, %add3A_24 : i32
    "tpu.region"() ({
      %run_scoped3A = tpu.sem_alloc : memref<!tpu.dma_semaphore, #tpu.memory_space<semaphore_mem>>
      %dma_start3A_105 = arith.constant 0 : i32
      %dma_start3A_106 = tpu.memref_slice %arg10[%add3A_25, %dma_start3A_105] : memref<10000x128xf32, #tpu.memory_space<vmem_shared>> -> memref<100x128xf32, #tpu.memory_space<vmem_shared>>
      %dma_start3A_107 = arith.constant 0 : i32
      %dma_start3A_108 = tpu.memref_slice %arg10[%add3A_25, %dma_start3A_107] : memref<10000x128xf32, #tpu.memory_space<vmem_shared>> -> memref<100x128xf32, #tpu.memory_space<vmem_shared>>
      tpu.enqueue_dma source(%arg8 : memref<100x128xf32, #tpu.memory_space<vmem>>) target(%dma_start3A_108 : memref<100x128xf32, #tpu.memory_space<vmem_shared>>) target_semaphore(%run_scoped3A : memref<!tpu.dma_semaphore, #tpu.memory_space<semaphore_mem>>)
      %dma_wait3A_109 = arith.constant 0 : i32
      %dma_wait3A_110 = tpu.memref_slice %arg10[%add3A_25, %dma_wait3A_109] : memref<10000x128xf32, #tpu.memory_space<vmem_shared>> -> memref<100x128xf32, #tpu.memory_space<vmem_shared>>
      %dma_wait3A_111 = arith.constant 0 : i32
      %dma_wait3A_112 = tpu.memref_slice %arg10[%add3A_25, %dma_wait3A_111] : memref<10000x128xf32, #tpu.memory_space<vmem_shared>> -> memref<100x128xf32, #tpu.memory_space<vmem_shared>>
      tpu.wait_dma2 semaphore(%run_scoped3A : memref<!tpu.dma_semaphore, #tpu.memory_space<semaphore_mem>>) src(%arg8 : memref<100x128xf32, #tpu.memory_space<vmem>>) dst(%dma_wait3A_112 : memref<100x128xf32, #tpu.memory_space<vmem_shared>>)
      tpu.yield
    }) : () -> ()
    %add3A_26 = arith.constant 500 : i32
    %add3A_27 = arith.addi %mul3A_15, %add3A_26 : i32
    "tpu.region"() ({
      %run_scoped3A = tpu.sem_alloc : memref<!tpu.dma_semaphore, #tpu.memory_space<semaphore_mem>>
      %dma_start3A_105 = arith.constant 0 : i32
      %dma_start3A_106 = tpu.memref_slice %arg10[%add3A_27, %dma_start3A_105] : memref<10000x128xf32, #tpu.memory_space<vmem_shared>> -> memref<100x128xf32, #tpu.memory_space<vmem_shared>>
      %dma_start3A_107 = arith.constant 0 : i32
      %dma_start3A_108 = tpu.memref_slice %arg10[%add3A_27, %dma_start3A_107] : memref<10000x128xf32, #tpu.memory_space<vmem_shared>> -> memref<100x128xf32, #tpu.memory_space<vmem_shared>>
      tpu.enqueue_dma source(%arg8 : memref<100x128xf32, #tpu.memory_space<vmem>>) target(%dma_start3A_108 : memref<100x128xf32, #tpu.memory_space<vmem_shared>>) target_semaphore(%run_scoped3A : memref<!tpu.dma_semaphore, #tpu.memory_space<semaphore_mem>>)
      %dma_wait3A_109 = arith.constant 0 : i32
      %dma_wait3A_110 = tpu.memref_slice %arg10[%add3A_27, %dma_wait3A_109] : memref<10000x128xf32, #tpu.memory_space<vmem_shared>> -> memref<100x128xf32, #tpu.memory_space<vmem_shared>>
      %dma_wait3A_111 = arith.constant 0 : i32
      %dma_wait3A_112 = tpu.memref_slice %arg10[%add3A_27, %dma_wait3A_111] : memref<10000x128xf32, #tpu.memory_space<vmem_shared>> -> memref<100x128xf32, #tpu.memory_space<vmem_shared>>
      tpu.wait_dma2 semaphore(%run_scoped3A : memref<!tpu.dma_semaphore, #tpu.memory_space<semaphore_mem>>) src(%arg8 : memref<100x128xf32, #tpu.memory_space<vmem>>) dst(%dma_wait3A_112 : memref<100x128xf32, #tpu.memory_space<vmem_shared>>)
      tpu.yield
    }) : () -> ()
    %add3A_28 = arith.constant 600 : i32
    %add3A_29 = arith.addi %mul3A_15, %add3A_28 : i32
    "tpu.region"() ({
      %run_scoped3A = tpu.sem_alloc : memref<!tpu.dma_semaphore, #tpu.memory_space<semaphore_mem>>
      %dma_start3A_105 = arith.constant 0 : i32
      %dma_start3A_106 = arith.constant 0 : i32
      %dma_start3A_107 = tpu.memref_slice %arg8[%dma_start3A_105, %dma_start3A_106] : memref<100x128xf32, #tpu.memory_space<vmem>> -> memref<25x128xf32, #tpu.memory_space<vmem>>
      %dma_start3A_108 = arith.constant 0 : i32
      %dma_start3A_109 = tpu.memref_slice %arg10[%add3A_29, %dma_start3A_108] : memref<10000x128xf32, #tpu.memory_space<vmem_shared>> -> memref<25x128xf32, #tpu.memory_space<vmem_shared>>
      %dma_start3A_110 = arith.constant 0 : i32
      %dma_start3A_111 = tpu.memref_slice %arg10[%add3A_29, %dma_start3A_110] : memref<10000x128xf32, #tpu.memory_space<vmem_shared>> -> memref<25x128xf32, #tpu.memory_space<vmem_shared>>
      %dma_start3A_112 = arith.constant 0 : i32
      %dma_start3A_113 = arith.constant 0 : i32
      %dma_start3A_114 = tpu.memref_slice %arg8[%dma_start3A_112, %dma_start3A_113] : memref<100x128xf32, #tpu.memory_space<vmem>> -> memref<25x128xf32, #tpu.memory_space<vmem>>
      tpu.enqueue_dma source(%dma_start3A_114 : memref<25x128xf32, #tpu.memory_space<vmem>>) target(%dma_start3A_111 : memref<25x128xf32, #tpu.memory_space<vmem_shared>>) target_semaphore(%run_scoped3A : memref<!tpu.dma_semaphore, #tpu.memory_space<semaphore_mem>>)
      %dma_wait3A_115 = arith.constant 0 : i32
      %dma_wait3A_116 = arith.constant 0 : i32
      %dma_wait3A_117 = tpu.memref_slice %arg8[%dma_wait3A_115, %dma_wait3A_116] : memref<100x128xf32, #tpu.memory_space<vmem>> -> memref<25x128xf32, #tpu.memory_space<vmem>>
      %dma_wait3A_118 = arith.constant 0 : i32
      %dma_wait3A_119 = tpu.memref_slice %arg10[%add3A_29, %dma_wait3A_118] : memref<10000x128xf32, #tpu.memory_space<vmem_shared>> -> memref<25x128xf32, #tpu.memory_space<vmem_shared>>
      %dma_wait3A_120 = arith.constant 0 : i32
      %dma_wait3A_121 = tpu.memref_slice %arg10[%add3A_29, %dma_wait3A_120] : memref<10000x128xf32, #tpu.memory_space<vmem_shared>> -> memref<25x128xf32, #tpu.memory_space<vmem_shared>>
      %dma_wait3A_122 = arith.constant 0 : i32
      %dma_wait3A_123 = arith.constant 0 : i32
      %dma_wait3A_124 = tpu.memref_slice %arg8[%dma_wait3A_122, %dma_wait3A_123] : memref<100x128xf32, #tpu.memory_space<vmem>> -> memref<25x128xf32, #tpu.memory_space<vmem>>
      tpu.wait_dma2 semaphore(%run_scoped3A : memref<!tpu.dma_semaphore, #tpu.memory_space<semaphore_mem>>) src(%dma_wait3A_124 : memref<25x128xf32, #tpu.memory_space<vmem>>) dst(%dma_wait3A_121 : memref<25x128xf32, #tpu.memory_space<vmem_shared>>)
      tpu.yield
    }) : () -> ()
    %dma_wait3A = arith.constant 0 : i32
    %dma_wait3A_30 = arith.constant 0 : i32
    %dma_wait3A_31 = arith.constant 0 : i32
    %dma_wait3A_32 = tpu.memref_slice %arg3[%dma_wait3A, %add3A, %dma_wait3A_30, %dma_wait3A_31] : memref<2x32x100x100xi32, #tpu.memory_space<hbm>> -> memref<1x1x100x100xi32, #tpu.memory_space<hbm>>
    %dma_wait3A_33 = tpu.memref_squeeze %dma_wait3A_32 : memref<1x1x100x100xi32, #tpu.memory_space<hbm>> -> memref<100x100xi32, #tpu.memory_space<hbm>>
    %dma_wait3A_34 = arith.constant 0 : i32
    %dma_wait3A_35 = arith.constant 0 : i32
    %dma_wait3A_36 = tpu.memref_slice %arg3[%dma_wait3A, %add3A, %dma_wait3A_34, %dma_wait3A_35] : memref<2x32x100x100xi32, #tpu.memory_space<hbm>> -> memref<1x1x100x100xi32, #tpu.memory_space<hbm>>
    %dma_wait3A_37 = tpu.memref_squeeze %dma_wait3A_36 : memref<1x1x100x100xi32, #tpu.memory_space<hbm>> -> memref<100x100xi32, #tpu.memory_space<hbm>>
    tpu.wait_dma2 semaphore(%arg11 : memref<!tpu.dma_semaphore, #tpu.memory_space<semaphore_mem>>) src(%dma_wait3A_37 : memref<100x100xi32, #tpu.memory_space<hbm>>) dst(%arg5 : memref<100x100xi32, #tpu.memory_space<vmem>>)
    %barrier3A = arith.constant 0 : index
    tpu.barrier barrier_id(%barrier3A)
    %dma_start3A_38 = arith.constant 1 : i32
    %dma_start3A_39 = arith.constant 0 : i32
    %dma_start3A_40 = arith.constant 0 : i32
    %dma_start3A_41 = tpu.memref_slice %arg3[%dma_start3A_38, %add3A, %dma_start3A_39, %dma_start3A_40] : memref<2x32x100x100xi32, #tpu.memory_space<hbm>> -> memref<1x1x1x100xi32, #tpu.memory_space<hbm>>
    %dma_start3A_42 = tpu.memref_squeeze %dma_start3A_41 : memref<1x1x1x100xi32, #tpu.memory_space<hbm>> -> memref<100xi32, #tpu.memory_space<hbm>>
    %dma_start3A_43 = arith.constant 0 : i32
    %dma_start3A_44 = tpu.memref_slice %arg3[%dma_start3A_38, %add3A, %dma_start3A_39, %dma_start3A_43] : memref<2x32x100x100xi32, #tpu.memory_space<hbm>> -> memref<1x1x1x100xi32, #tpu.memory_space<hbm>>
    %dma_start3A_45 = tpu.memref_squeeze %dma_start3A_44 : memref<1x1x1x100xi32, #tpu.memory_space<hbm>> -> memref<100xi32, #tpu.memory_space<hbm>>
    tpu.enqueue_dma source(%dma_start3A_45 : memref<100xi32, #tpu.memory_space<hbm>>) target(%arg6 : memref<100xi32, #tpu.memory_space<vmem>>) target_semaphore(%arg11 : memref<!tpu.dma_semaphore, #tpu.memory_space<semaphore_mem>>)
    %dma_start3A_46 = arith.constant 0 : i32
    %dma_start3A_47 = arith.constant 0 : i32
    %dma_start3A_48 = tpu.memref_slice %arg5[%dma_start3A_46, %dma_start3A_47] : memref<100x100xi32, #tpu.memory_space<vmem>> -> memref<1x100xi32, #tpu.memory_space<vmem>>
    %dma_start3A_49 = tpu.memref_squeeze %dma_start3A_48 : memref<1x100xi32, #tpu.memory_space<vmem>> -> memref<100xi32, #tpu.memory_space<vmem>>
    %dma_start3A_50 = arith.constant 0 : i32
    %dma_start3A_51 = arith.constant 0 : i32
    %dma_start3A_52 = tpu.memref_slice %arg2[%dma_start3A_50, %dma_start3A_51] : memref<10000x128xf32, #tpu.memory_space<hbm>> -> memref<10000x128xf32, #tpu.memory_space<hbm>>
    tpu.enqueue_indirect_dma source(%dma_start3A_52 : memref<10000x128xf32, #tpu.memory_space<hbm>>) target(%arg8 : memref<100x128xf32, #tpu.memory_space<vmem>>) offsets(%dma_start3A_49 : memref<100xi32, #tpu.memory_space<vmem>>) semaphore(%arg11 : memref<!tpu.dma_semaphore, #tpu.memory_space<semaphore_mem>>)
    %dma_start3A_53 = arith.constant 1 : i32
    %dma_start3A_54 = arith.constant 1 : i32
    %dma_start3A_55 = arith.constant 0 : i32
    %dma_start3A_56 = tpu.memref_slice %arg3[%dma_start3A_53, %add3A, %dma_start3A_54, %dma_start3A_55] : memref<2x32x100x100xi32, #tpu.memory_space<hbm>> -> memref<1x1x1x100xi32, #tpu.memory_space<hbm>>
    %dma_start3A_57 = tpu.memref_squeeze %dma_start3A_56 : memref<1x1x1x100xi32, #tpu.memory_space<hbm>> -> memref<100xi32, #tpu.memory_space<hbm>>
    %dma_start3A_58 = arith.constant 0 : i32
    %dma_start3A_59 = tpu.memref_slice %arg3[%dma_start3A_53, %add3A, %dma_start3A_54, %dma_start3A_58] : memref<2x32x100x100xi32, #tpu.memory_space<hbm>> -> memref<1x1x1x100xi32, #tpu.memory_space<hbm>>
    %dma_start3A_60 = tpu.memref_squeeze %dma_start3A_59 : memref<1x1x1x100xi32, #tpu.memory_space<hbm>> -> memref<100xi32, #tpu.memory_space<hbm>>
    tpu.enqueue_dma source(%dma_start3A_60 : memref<100xi32, #tpu.memory_space<hbm>>) target(%arg7 : memref<100xi32, #tpu.memory_space<vmem>>) target_semaphore(%arg12 : memref<!tpu.dma_semaphore, #tpu.memory_space<semaphore_mem>>)
    %dma_start3A_61 = arith.constant 1 : i32
    %dma_start3A_62 = arith.constant 0 : i32
    %dma_start3A_63 = tpu.memref_slice %arg5[%dma_start3A_61, %dma_start3A_62] : memref<100x100xi32, #tpu.memory_space<vmem>> -> memref<1x100xi32, #tpu.memory_space<vmem>>
    %dma_start3A_64 = tpu.memref_squeeze %dma_start3A_63 : memref<1x100xi32, #tpu.memory_space<vmem>> -> memref<100xi32, #tpu.memory_space<vmem>>
    %dma_start3A_65 = arith.constant 0 : i32
    %dma_start3A_66 = arith.constant 0 : i32
    %dma_start3A_67 = tpu.memref_slice %arg2[%dma_start3A_65, %dma_start3A_66] : memref<10000x128xf32, #tpu.memory_space<hbm>> -> memref<10000x128xf32, #tpu.memory_space<hbm>>
    tpu.enqueue_indirect_dma source(%dma_start3A_67 : memref<10000x128xf32, #tpu.memory_space<hbm>>) target(%arg9 : memref<100x128xf32, #tpu.memory_space<vmem>>) offsets(%dma_start3A_64 : memref<100xi32, #tpu.memory_space<vmem>>) semaphore(%arg12 : memref<!tpu.dma_semaphore, #tpu.memory_space<semaphore_mem>>)
    %scan3A_68 = arith.constant 0 : i32
    %scan3A_69 = arith.constant 0 : i32
    %scan3A_70 = arith.constant 50 : i32
    %scan3A_71 = arith.addi %scan3A_69, %scan3A_70 : i32
    %scan3A_72 = arith.constant 1 : i32
    scf.for %scan3A_105 = %scan3A_69 to %scan3A_71 step %scan3A_72  : i32 {
      %mul3A_106 = arith.constant 2 : i32
      %mul3A_107 = arith.muli %mul3A_106, %scan3A_105 : i32
      %dma_wait3A_108 = arith.constant 1 : i32
      %dma_wait3A_109 = arith.constant 0 : i32
      %dma_wait3A_110 = arith.constant 0 : i32
      %dma_wait3A_111 = tpu.memref_slice %arg3[%dma_wait3A_108, %add3A, %dma_wait3A_109, %dma_wait3A_110] : memref<2x32x100x100xi32, #tpu.memory_space<hbm>> -> memref<1x1x1x100xi32, #tpu.memory_space<hbm>>
      %dma_wait3A_112 = tpu.memref_squeeze %dma_wait3A_111 : memref<1x1x1x100xi32, #tpu.memory_space<hbm>> -> memref<100xi32, #tpu.memory_space<hbm>>
      %dma_wait3A_113 = arith.constant 0 : i32
      %dma_wait3A_114 = tpu.memref_slice %arg3[%dma_wait3A_108, %add3A, %dma_wait3A_109, %dma_wait3A_113] : memref<2x32x100x100xi32, #tpu.memory_space<hbm>> -> memref<1x1x1x100xi32, #tpu.memory_space<hbm>>
      %dma_wait3A_115 = tpu.memref_squeeze %dma_wait3A_114 : memref<1x1x1x100xi32, #tpu.memory_space<hbm>> -> memref<100xi32, #tpu.memory_space<hbm>>
      tpu.wait_dma2 semaphore(%arg11 : memref<!tpu.dma_semaphore, #tpu.memory_space<semaphore_mem>>) src(%dma_wait3A_115 : memref<100xi32, #tpu.memory_space<hbm>>) dst(%arg6 : memref<100xi32, #tpu.memory_space<vmem>>)
      %dma_wait3A_116 = arith.constant 0 : i32
      %dma_wait3A_117 = arith.constant 0 : i32
      %dma_wait3A_118 = tpu.memref_slice %arg5[%dma_wait3A_116, %dma_wait3A_117] : memref<100x100xi32, #tpu.memory_space<vmem>> -> memref<1x100xi32, #tpu.memory_space<vmem>>
      %dma_wait3A_119 = tpu.memref_squeeze %dma_wait3A_118 : memref<1x100xi32, #tpu.memory_space<vmem>> -> memref<100xi32, #tpu.memory_space<vmem>>
      %dma_wait3A_120 = arith.constant 0 : i32
      %dma_wait3A_121 = arith.constant 0 : i32
      %dma_wait3A_122 = tpu.memref_slice %arg2[%dma_wait3A_120, %dma_wait3A_121] : memref<10000x128xf32, #tpu.memory_space<hbm>> -> memref<10000x128xf32, #tpu.memory_space<hbm>>
      tpu.wait_indirect_dma semaphore(%arg11 : memref<!tpu.dma_semaphore, #tpu.memory_space<semaphore_mem>>) src(%dma_wait3A_122 : memref<10000x128xf32, #tpu.memory_space<hbm>>) dst(%arg8 : memref<100x128xf32, #tpu.memory_space<vmem>>)
      "tpu.region"() ({
        %run_scoped3A = tpu.sem_alloc : memref<!tpu.dma_semaphore, #tpu.memory_space<semaphore_mem>>
        %dma_start3A_173 = arith.constant 0 : i32
        %dma_start3A_174 = arith.constant 0 : i32
        %dma_start3A_175 = tpu.memref_slice %arg10[%dma_start3A_173, %dma_start3A_174] : memref<10000x128xf32, #tpu.memory_space<vmem_shared>> -> memref<10000x128xf32, #tpu.memory_space<vmem_shared>>
        tpu.enqueue_indirect_dma source(%arg8 : memref<100x128xf32, #tpu.memory_space<vmem>>) target(%dma_start3A_175 : memref<10000x128xf32, #tpu.memory_space<vmem_shared>>) offsets(%arg6 : memref<100xi32, #tpu.memory_space<vmem>>) semaphore(%run_scoped3A : memref<!tpu.dma_semaphore, #tpu.memory_space<semaphore_mem>>) {add = true}
        %dma_wait3A_176 = arith.constant 0 : i32
        %dma_wait3A_177 = arith.constant 0 : i32
        %dma_wait3A_178 = tpu.memref_slice %arg10[%dma_wait3A_176, %dma_wait3A_177] : memref<10000x128xf32, #tpu.memory_space<vmem_shared>> -> memref<10000x128xf32, #tpu.memory_space<vmem_shared>>
        tpu.wait_indirect_dma semaphore(%run_scoped3A : memref<!tpu.dma_semaphore, #tpu.memory_space<semaphore_mem>>) src(%arg8 : memref<100x128xf32, #tpu.memory_space<vmem>>) dst(%dma_wait3A_178 : memref<10000x128xf32, #tpu.memory_space<vmem_shared>>)
        tpu.yield
      }) : () -> ()
      %add3A_123 = arith.constant 2 : i32
      %add3A_124 = arith.addi %mul3A_107, %add3A_123 : i32
      %min3A = arith.constant 99 : i32
      %min3A_125 = arith.minsi %add3A_124, %min3A : i32
      %dma_start3A_126 = arith.constant 1 : i32
      %dma_start3A_127 = arith.constant 0 : i32
      %dma_start3A_128 = tpu.memref_slice %arg3[%dma_start3A_126, %add3A, %min3A_125, %dma_start3A_127] : memref<2x32x100x100xi32, #tpu.memory_space<hbm>> -> memref<1x1x1x100xi32, #tpu.memory_space<hbm>>
      %dma_start3A_129 = tpu.memref_squeeze %dma_start3A_128 : memref<1x1x1x100xi32, #tpu.memory_space<hbm>> -> memref<100xi32, #tpu.memory_space<hbm>>
      %dma_start3A_130 = arith.constant 0 : i32
      %dma_start3A_131 = tpu.memref_slice %arg3[%dma_start3A_126, %add3A, %min3A_125, %dma_start3A_130] : memref<2x32x100x100xi32, #tpu.memory_space<hbm>> -> memref<1x1x1x100xi32, #tpu.memory_space<hbm>>
      %dma_start3A_132 = tpu.memref_squeeze %dma_start3A_131 : memref<1x1x1x100xi32, #tpu.memory_space<hbm>> -> memref<100xi32, #tpu.memory_space<hbm>>
      tpu.enqueue_dma source(%dma_start3A_132 : memref<100xi32, #tpu.memory_space<hbm>>) target(%arg6 : memref<100xi32, #tpu.memory_space<vmem>>) target_semaphore(%arg11 : memref<!tpu.dma_semaphore, #tpu.memory_space<semaphore_mem>>)
      %dma_start3A_133 = arith.constant 0 : i32
      %dma_start3A_134 = tpu.memref_slice %arg5[%min3A_125, %dma_start3A_133] : memref<100x100xi32, #tpu.memory_space<vmem>> -> memref<1x100xi32, #tpu.memory_space<vmem>>
      %dma_start3A_135 = tpu.memref_squeeze %dma_start3A_134 : memref<1x100xi32, #tpu.memory_space<vmem>> -> memref<100xi32, #tpu.memory_space<vmem>>
      %dma_start3A_136 = arith.constant 0 : i32
      %dma_start3A_137 = arith.constant 0 : i32
      %dma_start3A_138 = tpu.memref_slice %arg2[%dma_start3A_136, %dma_start3A_137] : memref<10000x128xf32, #tpu.memory_space<hbm>> -> memref<10000x128xf32, #tpu.memory_space<hbm>>
      tpu.enqueue_indirect_dma source(%dma_start3A_138 : memref<10000x128xf32, #tpu.memory_space<hbm>>) target(%arg8 : memref<100x128xf32, #tpu.memory_space<vmem>>) offsets(%dma_start3A_135 : memref<100xi32, #tpu.memory_space<vmem>>) semaphore(%arg11 : memref<!tpu.dma_semaphore, #tpu.memory_space<semaphore_mem>>)
      %add3A_139 = arith.constant 1 : i32
      %add3A_140 = arith.addi %mul3A_107, %add3A_139 : i32
      %dma_wait3A_141 = arith.constant 1 : i32
      %dma_wait3A_142 = arith.constant 1 : i32
      %dma_wait3A_143 = arith.constant 0 : i32
      %dma_wait3A_144 = tpu.memref_slice %arg3[%dma_wait3A_141, %add3A, %dma_wait3A_142, %dma_wait3A_143] : memref<2x32x100x100xi32, #tpu.memory_space<hbm>> -> memref<1x1x1x100xi32, #tpu.memory_space<hbm>>
      %dma_wait3A_145 = tpu.memref_squeeze %dma_wait3A_144 : memref<1x1x1x100xi32, #tpu.memory_space<hbm>> -> memref<100xi32, #tpu.memory_space<hbm>>
      %dma_wait3A_146 = arith.constant 0 : i32
      %dma_wait3A_147 = tpu.memref_slice %arg3[%dma_wait3A_141, %add3A, %dma_wait3A_142, %dma_wait3A_146] : memref<2x32x100x100xi32, #tpu.memory_space<hbm>> -> memref<1x1x1x100xi32, #tpu.memory_space<hbm>>
      %dma_wait3A_148 = tpu.memref_squeeze %dma_wait3A_147 : memref<1x1x1x100xi32, #tpu.memory_space<hbm>> -> memref<100xi32, #tpu.memory_space<hbm>>
      tpu.wait_dma2 semaphore(%arg12 : memref<!tpu.dma_semaphore, #tpu.memory_space<semaphore_mem>>) src(%dma_wait3A_148 : memref<100xi32, #tpu.memory_space<hbm>>) dst(%arg7 : memref<100xi32, #tpu.memory_space<vmem>>)
      %dma_wait3A_149 = arith.constant 1 : i32
      %dma_wait3A_150 = arith.constant 0 : i32
      %dma_wait3A_151 = tpu.memref_slice %arg5[%dma_wait3A_149, %dma_wait3A_150] : memref<100x100xi32, #tpu.memory_space<vmem>> -> memref<1x100xi32, #tpu.memory_space<vmem>>
      %dma_wait3A_152 = tpu.memref_squeeze %dma_wait3A_151 : memref<1x100xi32, #tpu.memory_space<vmem>> -> memref<100xi32, #tpu.memory_space<vmem>>
      %dma_wait3A_153 = arith.constant 0 : i32
      %dma_wait3A_154 = arith.constant 0 : i32
      %dma_wait3A_155 = tpu.memref_slice %arg2[%dma_wait3A_153, %dma_wait3A_154] : memref<10000x128xf32, #tpu.memory_space<hbm>> -> memref<10000x128xf32, #tpu.memory_space<hbm>>
      tpu.wait_indirect_dma semaphore(%arg12 : memref<!tpu.dma_semaphore, #tpu.memory_space<semaphore_mem>>) src(%dma_wait3A_155 : memref<10000x128xf32, #tpu.memory_space<hbm>>) dst(%arg9 : memref<100x128xf32, #tpu.memory_space<vmem>>)
      "tpu.region"() ({
        %run_scoped3A = tpu.sem_alloc : memref<!tpu.dma_semaphore, #tpu.memory_space<semaphore_mem>>
        %dma_start3A_173 = arith.constant 0 : i32
        %dma_start3A_174 = arith.constant 0 : i32
        %dma_start3A_175 = tpu.memref_slice %arg10[%dma_start3A_173, %dma_start3A_174] : memref<10000x128xf32, #tpu.memory_space<vmem_shared>> -> memref<10000x128xf32, #tpu.memory_space<vmem_shared>>
        tpu.enqueue_indirect_dma source(%arg9 : memref<100x128xf32, #tpu.memory_space<vmem>>) target(%dma_start3A_175 : memref<10000x128xf32, #tpu.memory_space<vmem_shared>>) offsets(%arg7 : memref<100xi32, #tpu.memory_space<vmem>>) semaphore(%run_scoped3A : memref<!tpu.dma_semaphore, #tpu.memory_space<semaphore_mem>>) {add = true}
        %dma_wait3A_176 = arith.constant 0 : i32
        %dma_wait3A_177 = arith.constant 0 : i32
        %dma_wait3A_178 = tpu.memref_slice %arg10[%dma_wait3A_176, %dma_wait3A_177] : memref<10000x128xf32, #tpu.memory_space<vmem_shared>> -> memref<10000x128xf32, #tpu.memory_space<vmem_shared>>
        tpu.wait_indirect_dma semaphore(%run_scoped3A : memref<!tpu.dma_semaphore, #tpu.memory_space<semaphore_mem>>) src(%arg9 : memref<100x128xf32, #tpu.memory_space<vmem>>) dst(%dma_wait3A_178 : memref<10000x128xf32, #tpu.memory_space<vmem_shared>>)
        tpu.yield
      }) : () -> ()
      %add3A_156 = arith.constant 2 : i32
      %add3A_157 = arith.addi %add3A_140, %add3A_156 : i32
      %min3A_158 = arith.constant 99 : i32
      %min3A_159 = arith.minsi %add3A_157, %min3A_158 : i32
      %dma_start3A_160 = arith.constant 1 : i32
      %dma_start3A_161 = arith.constant 0 : i32
      %dma_start3A_162 = tpu.memref_slice %arg3[%dma_start3A_160, %add3A, %min3A_159, %dma_start3A_161] : memref<2x32x100x100xi32, #tpu.memory_space<hbm>> -> memref<1x1x1x100xi32, #tpu.memory_space<hbm>>
      %dma_start3A_163 = tpu.memref_squeeze %dma_start3A_162 : memref<1x1x1x100xi32, #tpu.memory_space<hbm>> -> memref<100xi32, #tpu.memory_space<hbm>>
      %dma_start3A_164 = arith.constant 0 : i32
      %dma_start3A_165 = tpu.memref_slice %arg3[%dma_start3A_160, %add3A, %min3A_159, %dma_start3A_164] : memref<2x32x100x100xi32, #tpu.memory_space<hbm>> -> memref<1x1x1x100xi32, #tpu.memory_space<hbm>>
      %dma_start3A_166 = tpu.memref_squeeze %dma_start3A_165 : memref<1x1x1x100xi32, #tpu.memory_space<hbm>> -> memref<100xi32, #tpu.memory_space<hbm>>
      tpu.enqueue_dma source(%dma_start3A_166 : memref<100xi32, #tpu.memory_space<hbm>>) target(%arg7 : memref<100xi32, #tpu.memory_space<vmem>>) target_semaphore(%arg12 : memref<!tpu.dma_semaphore, #tpu.memory_space<semaphore_mem>>)
      %dma_start3A_167 = arith.constant 0 : i32
      %dma_start3A_168 = tpu.memref_slice %arg5[%min3A_159, %dma_start3A_167] : memref<100x100xi32, #tpu.memory_space<vmem>> -> memref<1x100xi32, #tpu.memory_space<vmem>>
      %dma_start3A_169 = tpu.memref_squeeze %dma_start3A_168 : memref<1x100xi32, #tpu.memory_space<vmem>> -> memref<100xi32, #tpu.memory_space<vmem>>
      %dma_start3A_170 = arith.constant 0 : i32
      %dma_start3A_171 = arith.constant 0 : i32
      %dma_start3A_172 = tpu.memref_slice %arg2[%dma_start3A_170, %dma_start3A_171] : memref<10000x128xf32, #tpu.memory_space<hbm>> -> memref<10000x128xf32, #tpu.memory_space<hbm>>
      tpu.enqueue_indirect_dma source(%dma_start3A_172 : memref<10000x128xf32, #tpu.memory_space<hbm>>) target(%arg9 : memref<100x128xf32, #tpu.memory_space<vmem>>) offsets(%dma_start3A_169 : memref<100xi32, #tpu.memory_space<vmem>>) semaphore(%arg12 : memref<!tpu.dma_semaphore, #tpu.memory_space<semaphore_mem>>)
    }
    %scan3A_73 = arith.constant 50 : i32
    %dma_wait3A_74 = arith.constant 1 : i32
    %dma_wait3A_75 = arith.constant 0 : i32
    %dma_wait3A_76 = arith.constant 0 : i32
    %dma_wait3A_77 = tpu.memref_slice %arg3[%dma_wait3A_74, %add3A, %dma_wait3A_75, %dma_wait3A_76] : memref<2x32x100x100xi32, #tpu.memory_space<hbm>> -> memref<1x1x1x100xi32, #tpu.memory_space<hbm>>
    %dma_wait3A_78 = tpu.memref_squeeze %dma_wait3A_77 : memref<1x1x1x100xi32, #tpu.memory_space<hbm>> -> memref<100xi32, #tpu.memory_space<hbm>>
    %dma_wait3A_79 = arith.constant 0 : i32
    %dma_wait3A_80 = tpu.memref_slice %arg3[%dma_wait3A_74, %add3A, %dma_wait3A_75, %dma_wait3A_79] : memref<2x32x100x100xi32, #tpu.memory_space<hbm>> -> memref<1x1x1x100xi32, #tpu.memory_space<hbm>>
    %dma_wait3A_81 = tpu.memref_squeeze %dma_wait3A_80 : memref<1x1x1x100xi32, #tpu.memory_space<hbm>> -> memref<100xi32, #tpu.memory_space<hbm>>
    tpu.wait_dma2 semaphore(%arg11 : memref<!tpu.dma_semaphore, #tpu.memory_space<semaphore_mem>>) src(%dma_wait3A_81 : memref<100xi32, #tpu.memory_space<hbm>>) dst(%arg6 : memref<100xi32, #tpu.memory_space<vmem>>)
    %dma_wait3A_82 = arith.constant 0 : i32
    %dma_wait3A_83 = arith.constant 0 : i32
    %dma_wait3A_84 = tpu.memref_slice %arg5[%dma_wait3A_82, %dma_wait3A_83] : memref<100x100xi32, #tpu.memory_space<vmem>> -> memref<1x100xi32, #tpu.memory_space<vmem>>
    %dma_wait3A_85 = tpu.memref_squeeze %dma_wait3A_84 : memref<1x100xi32, #tpu.memory_space<vmem>> -> memref<100xi32, #tpu.memory_space<vmem>>
    %dma_wait3A_86 = arith.constant 0 : i32
    %dma_wait3A_87 = arith.constant 0 : i32
    %dma_wait3A_88 = tpu.memref_slice %arg2[%dma_wait3A_86, %dma_wait3A_87] : memref<10000x128xf32, #tpu.memory_space<hbm>> -> memref<10000x128xf32, #tpu.memory_space<hbm>>
    tpu.wait_indirect_dma semaphore(%arg11 : memref<!tpu.dma_semaphore, #tpu.memory_space<semaphore_mem>>) src(%dma_wait3A_88 : memref<10000x128xf32, #tpu.memory_space<hbm>>) dst(%arg8 : memref<100x128xf32, #tpu.memory_space<vmem>>)
    %dma_wait3A_89 = arith.constant 1 : i32
    %dma_wait3A_90 = arith.constant 1 : i32
    %dma_wait3A_91 = arith.constant 0 : i32
    %dma_wait3A_92 = tpu.memref_slice %arg3[%dma_wait3A_89, %add3A, %dma_wait3A_90, %dma_wait3A_91] : memref<2x32x100x100xi32, #tpu.memory_space<hbm>> -> memref<1x1x1x100xi32, #tpu.memory_space<hbm>>
    %dma_wait3A_93 = tpu.memref_squeeze %dma_wait3A_92 : memref<1x1x1x100xi32, #tpu.memory_space<hbm>> -> memref<100xi32, #tpu.memory_space<hbm>>
    %dma_wait3A_94 = arith.constant 0 : i32
    %dma_wait3A_95 = tpu.memref_slice %arg3[%dma_wait3A_89, %add3A, %dma_wait3A_90, %dma_wait3A_94] : memref<2x32x100x100xi32, #tpu.memory_space<hbm>> -> memref<1x1x1x100xi32, #tpu.memory_space<hbm>>
    %dma_wait3A_96 = tpu.memref_squeeze %dma_wait3A_95 : memref<1x1x1x100xi32, #tpu.memory_space<hbm>> -> memref<100xi32, #tpu.memory_space<hbm>>
    tpu.wait_dma2 semaphore(%arg12 : memref<!tpu.dma_semaphore, #tpu.memory_space<semaphore_mem>>) src(%dma_wait3A_96 : memref<100xi32, #tpu.memory_space<hbm>>) dst(%arg7 : memref<100xi32, #tpu.memory_space<vmem>>)
    %dma_wait3A_97 = arith.constant 1 : i32
    %dma_wait3A_98 = arith.constant 0 : i32
    %dma_wait3A_99 = tpu.memref_slice %arg5[%dma_wait3A_97, %dma_wait3A_98] : memref<100x100xi32, #tpu.memory_space<vmem>> -> memref<1x100xi32, #tpu.memory_space<vmem>>
    %dma_wait3A_100 = tpu.memref_squeeze %dma_wait3A_99 : memref<1x100xi32, #tpu.memory_space<vmem>> -> memref<100xi32, #tpu.memory_space<vmem>>
    %dma_wait3A_101 = arith.constant 0 : i32
    %dma_wait3A_102 = arith.constant 0 : i32
    %dma_wait3A_103 = tpu.memref_slice %arg2[%dma_wait3A_101, %dma_wait3A_102] : memref<10000x128xf32, #tpu.memory_space<hbm>> -> memref<10000x128xf32, #tpu.memory_space<hbm>>
    tpu.wait_indirect_dma semaphore(%arg12 : memref<!tpu.dma_semaphore, #tpu.memory_space<semaphore_mem>>) src(%dma_wait3A_103 : memref<10000x128xf32, #tpu.memory_space<hbm>>) dst(%arg9 : memref<100x128xf32, #tpu.memory_space<vmem>>)
    %barrier3A_104 = arith.constant 0 : index
    tpu.barrier barrier_id(%barrier3A_104)
    "tpu.region"() ({
      %run_scoped3A = tpu.sem_alloc : memref<!tpu.dma_semaphore, #tpu.memory_space<semaphore_mem>>
      %dma_start3A_105 = arith.constant 0 : i32
      %dma_start3A_106 = tpu.memref_slice %arg4[%arg0, %mul3A_15, %dma_start3A_105] : memref<2x10000x128xf32, #tpu.memory_space<hbm>> -> memref<1x625x128xf32, #tpu.memory_space<hbm>>
      %dma_start3A_107 = tpu.memref_squeeze %dma_start3A_106 : memref<1x625x128xf32, #tpu.memory_space<hbm>> -> memref<625x128xf32, #tpu.memory_space<hbm>>
      %dma_start3A_108 = arith.constant 0 : i32
      %dma_start3A_109 = tpu.memref_slice %arg10[%mul3A_15, %dma_start3A_108] : memref<10000x128xf32, #tpu.memory_space<vmem_shared>> -> memref<625x128xf32, #tpu.memory_space<vmem_shared>>
      tpu.enqueue_dma source(%dma_start3A_109 : memref<625x128xf32, #tpu.memory_space<vmem_shared>>) target(%dma_start3A_107 : memref<625x128xf32, #tpu.memory_space<hbm>>) target_semaphore(%run_scoped3A : memref<!tpu.dma_semaphore, #tpu.memory_space<semaphore_mem>>)
      %dma_wait3A_110 = arith.constant 0 : i32
      %dma_wait3A_111 = tpu.memref_slice %arg4[%arg0, %mul3A_15, %dma_wait3A_110] : memref<2x10000x128xf32, #tpu.memory_space<hbm>> -> memref<1x625x128xf32, #tpu.memory_space<hbm>>
      %dma_wait3A_112 = tpu.memref_squeeze %dma_wait3A_111 : memref<1x625x128xf32, #tpu.memory_space<hbm>> -> memref<625x128xf32, #tpu.memory_space<hbm>>
      %dma_wait3A_113 = arith.constant 0 : i32
      %dma_wait3A_114 = tpu.memref_slice %arg10[%mul3A_15, %dma_wait3A_113] : memref<10000x128xf32, #tpu.memory_space<vmem_shared>> -> memref<625x128xf32, #tpu.memory_space<vmem_shared>>
      tpu.wait_dma2 semaphore(%run_scoped3A : memref<!tpu.dma_semaphore, #tpu.memory_space<semaphore_mem>>) src(%dma_wait3A_114 : memref<625x128xf32, #tpu.memory_space<vmem_shared>>) dst(%dma_wait3A_112 : memref<625x128xf32, #tpu.memory_space<hbm>>)
      tpu.yield
    }) : () -> ()
    return
  }
}

module attributes {stable_mosaic.version = 14 : i64} {
  func.func @_stage_a(%arg0: memref<10000x128xf32, #tpu.memory_space<vmem>>, %arg1: memref<128x128xf32, #tpu.memory_space<vmem>>, %arg2: memref<10000x128xf32, #tpu.memory_space<vmem>>) attributes {dimension_semantics = [], scalar_prefetch = 0 : i64, scratch_operands = 0 : i64, tpu.core_type = #tpu.core_type<tc>} {
    %get3A = arith.constant 0 : index
    %get3A_0 = arith.constant 0 : index
    %get3A_1 = vector.load %arg0[%get3A, %get3A_0] : memref<10000x128xf32, #tpu.memory_space<vmem>>, vector<10000x128xf32>
    %get3A_2 = arith.constant 0 : index
    %get3A_3 = arith.constant 0 : index
    %get3A_4 = vector.load %arg1[%get3A_2, %get3A_3] : memref<128x128xf32, #tpu.memory_space<vmem>>, vector<128x128xf32>
    %dot_general3A = arith.constant dense<0.000000e+00> : vector<10000x128xf32>
    %dot_general3A_5 = tpu.matmul %get3A_1, %get3A_4, %dot_general3A {dimension_numbers = #tpu.dot_dimension_numbers<[1], [0], [0], [1], [0, 0, 1, 1], [], []>, transpose_lhs_hint = false} : vector<10000x128xf32>, vector<128x128xf32>, vector<10000x128xf32> -> vector<10000x128xf32>
    %swap3A = arith.constant 0 : index
    %swap3A_6 = arith.constant 0 : index
    %swap3A_7 = vector.load %arg2[%swap3A, %swap3A_6] : memref<10000x128xf32, #tpu.memory_space<vmem>>, vector<10000x128xf32>
    tpu.vector_store %arg2[%swap3A, %swap3A_6], %dot_general3A_5 {strides = array<i32>} : memref<10000x128xf32, #tpu.memory_space<vmem>>, vector<10000x128xf32>,
    return
  }
}

module attributes {stable_mosaic.version = 14 : i64} {
  func.func @_stage_b(%arg0: memref<2x10000x128xf32, #tpu.memory_space<vmem>>, %arg1: memref<2x10000x8xf32, #tpu.memory_space<vmem>>, %arg2: memref<1x128xf32, #tpu.memory_space<vmem>>, %arg3: memref<1x128xf32, #tpu.memory_space<vmem>>, %arg4: memref<1x128xf32, #tpu.memory_space<vmem>>, %arg5: memref<128x128xf32, #tpu.memory_space<vmem>>, %arg6: memref<10000x128xf32, #tpu.memory_space<vmem>>, %arg7: memref<10000x128xf32, #tpu.memory_space<vmem>>, %arg8: memref<10000x1xf32, #tpu.memory_space<vmem>>, %arg9: memref<10000x1xf32, #tpu.memory_space<vmem>>) attributes {dimension_semantics = [], scalar_prefetch = 0 : i64, scratch_operands = 0 : i64, tpu.core_type = #tpu.core_type<tc>} {
    %get3A = arith.constant 0 : index
    %get3A_0 = arith.constant 0 : index
    %get3A_1 = arith.constant 0 : index
    %get3A_2 = vector.load %arg0[%get3A, %get3A_0, %get3A_1] : memref<2x10000x128xf32, #tpu.memory_space<vmem>>, vector<1x10000x128xf32>
    %get3A_3 = vector.shape_cast %get3A_2 : vector<1x10000x128xf32> to vector<10000x128xf32>
    %get3A_4 = arith.constant 1 : index
    %get3A_5 = arith.constant 0 : index
    %get3A_6 = arith.constant 0 : index
    %get3A_7 = vector.load %arg0[%get3A_4, %get3A_5, %get3A_6] : memref<2x10000x128xf32, #tpu.memory_space<vmem>>, vector<1x10000x128xf32>
    %get3A_8 = vector.shape_cast %get3A_7 : vector<1x10000x128xf32> to vector<10000x128xf32>
    %add3A = arith.addf %get3A_3, %get3A_8 : vector<10000x128xf32>
    %get3A_9 = arith.constant 0 : index
    %get3A_10 = arith.constant 0 : index
    %get3A_11 = arith.constant 0 : index
    %get3A_12 = vector.load %arg1[%get3A_9, %get3A_10, %get3A_11] : memref<2x10000x8xf32, #tpu.memory_space<vmem>>, vector<1x10000x1xf32>
    %get3A_13 = vector.shape_cast %get3A_12 : vector<1x10000x1xf32> to vector<10000x1xf32>
    %get3A_14 = arith.constant 1 : index
    %get3A_15 = arith.constant 0 : index
    %get3A_16 = arith.constant 0 : index
    %get3A_17 = vector.load %arg1[%get3A_14, %get3A_15, %get3A_16] : memref<2x10000x8xf32, #tpu.memory_space<vmem>>, vector<1x10000x1xf32>
    %get3A_18 = vector.shape_cast %get3A_17 : vector<1x10000x1xf32> to vector<10000x1xf32>
    %add3A_19 = arith.addf %get3A_13, %get3A_18 : vector<10000x1xf32>
    %get3A_20 = arith.constant 0 : index
    %get3A_21 = arith.constant 0 : index
    %get3A_22 = vector.load %arg2[%get3A_20, %get3A_21] : memref<1x128xf32, #tpu.memory_space<vmem>>, vector<1x128xf32>
    %add3A_23 = vector.broadcast %get3A_22 : vector<1x128xf32> to vector<10000x128xf32>
    %add3A_24 = arith.addf %add3A, %add3A_23 : vector<10000x128xf32>
    %mul3A = arith.mulf %add3A_24, %add3A_24 : vector<10000x128xf32>
    %reduce_sum3A = arith.constant dense<0.000000e+00> : vector<10000xf32>
    %reduce_sum3A_25 = vector.multi_reduction <add>, %mul3A, %reduce_sum3A [1] : vector<10000x128xf32> to vector<10000xf32>
    %broadcast_in_dim3A = vector.shape_cast %reduce_sum3A_25 : vector<10000xf32> to vector<10000x1xf32>
    %sqrt3A = math.sqrt %broadcast_in_dim3A : vector<10000x1xf32>
    %max3A = arith.constant 9.99999996E-13 : f32
    %max3A_26 = vector.broadcast %max3A : f32 to vector<10000x1xf32>
    %max3A_27 = arith.maximumf %sqrt3A, %max3A_26 : vector<10000x1xf32>
    %div3A = vector.broadcast %max3A_27 : vector<10000x1xf32> to vector<10000x128xf32>
    %div3A_28 = arith.divf %add3A_24, %div3A : vector<10000x128xf32>
    %reduce_sum3A_29 = arith.constant dense<0.000000e+00> : vector<128xf32>
    %reduce_sum3A_30 = vector.multi_reduction <add>, %div3A_28, %reduce_sum3A_29 [0] : vector<10000x128xf32> to vector<128xf32>
    %broadcast_in_dim3A_31 = vector.shape_cast %reduce_sum3A_30 : vector<128xf32> to vector<1x128xf32>
    %div3A_32 = arith.constant 1.000000e+04 : f32
    %div3A_33 = vector.broadcast %div3A_32 : f32 to vector<1x128xf32>
    %div3A_34 = arith.divf %broadcast_in_dim3A_31, %div3A_33 : vector<1x128xf32>
    %sub3A = vector.broadcast %div3A_34 : vector<1x128xf32> to vector<10000x128xf32>
    %sub3A_35 = arith.subf %div3A_28, %sub3A : vector<10000x128xf32>
    %integer_pow3A = arith.mulf %sub3A_35, %sub3A_35 : vector<10000x128xf32>
    %reduce_sum3A_36 = arith.constant dense<0.000000e+00> : vector<128xf32>
    %reduce_sum3A_37 = vector.multi_reduction <add>, %integer_pow3A, %reduce_sum3A_36 [0] : vector<10000x128xf32> to vector<128xf32>
    %broadcast_in_dim3A_38 = vector.shape_cast %reduce_sum3A_37 : vector<128xf32> to vector<1x128xf32>
    %div3A_39 = arith.constant 1.000000e+04 : f32
    %div3A_40 = vector.broadcast %div3A_39 : f32 to vector<1x128xf32>
    %div3A_41 = arith.divf %broadcast_in_dim3A_38, %div3A_40 : vector<1x128xf32>
    %get3A_42 = arith.constant 0 : index
    %get3A_43 = arith.constant 0 : index
    %get3A_44 = vector.load %arg3[%get3A_42, %get3A_43] : memref<1x128xf32, #tpu.memory_space<vmem>>, vector<1x128xf32>
    %sub3A_45 = vector.broadcast %div3A_34 : vector<1x128xf32> to vector<10000x128xf32>
    %sub3A_46 = arith.subf %div3A_28, %sub3A_45 : vector<10000x128xf32>
    %mul3A_47 = vector.broadcast %get3A_44 : vector<1x128xf32> to vector<10000x128xf32>
    %mul3A_48 = arith.mulf %mul3A_47, %sub3A_46 : vector<10000x128xf32>
    %add3A_49 = arith.constant 9.99999974E-6 : f32
    %add3A_50 = vector.broadcast %add3A_49 : f32 to vector<1x128xf32>
    %add3A_51 = arith.addf %div3A_41, %add3A_50 : vector<1x128xf32>
    %sqrt3A_52 = math.sqrt %add3A_51 : vector<1x128xf32>
    %div3A_53 = vector.broadcast %sqrt3A_52 : vector<1x128xf32> to vector<10000x128xf32>
    %div3A_54 = arith.divf %mul3A_48, %div3A_53 : vector<10000x128xf32>
    %get3A_55 = arith.constant 0 : index
    %get3A_56 = arith.constant 0 : index
    %get3A_57 = vector.load %arg4[%get3A_55, %get3A_56] : memref<1x128xf32, #tpu.memory_space<vmem>>, vector<1x128xf32>
    %add3A_58 = vector.broadcast %get3A_57 : vector<1x128xf32> to vector<10000x128xf32>
    %add3A_59 = arith.addf %div3A_54, %add3A_58 : vector<10000x128xf32>
    %max3A_60 = arith.constant 0.000000e+00 : f32
    %max3A_61 = vector.broadcast %max3A_60 : f32 to vector<10000x128xf32>
    %max3A_62 = arith.maximumf %add3A_59, %max3A_61 : vector<10000x128xf32>
    %swap3A = arith.constant 0 : index
    %swap3A_63 = arith.constant 0 : index
    %swap3A_64 = vector.load %arg6[%swap3A, %swap3A_63] : memref<10000x128xf32, #tpu.memory_space<vmem>>, vector<10000x128xf32>
    tpu.vector_store %arg6[%swap3A, %swap3A_63], %max3A_62 {strides = array<i32>} : memref<10000x128xf32, #tpu.memory_space<vmem>>, vector<10000x128xf32>,
    %get3A_65 = arith.constant 0 : index
    %get3A_66 = arith.constant 0 : index
    %get3A_67 = vector.load %arg5[%get3A_65, %get3A_66] : memref<128x128xf32, #tpu.memory_space<vmem>>, vector<128x128xf32>
    %dot_general3A = arith.constant dense<0.000000e+00> : vector<10000x128xf32>
    %dot_general3A_68 = tpu.matmul %max3A_62, %get3A_67, %dot_general3A {dimension_numbers = #tpu.dot_dimension_numbers<[1], [0], [0], [1], [0, 0, 1, 1], [], []>, transpose_lhs_hint = false} : vector<10000x128xf32>, vector<128x128xf32>, vector<10000x128xf32> -> vector<10000x128xf32>
    %swap3A_69 = arith.constant 0 : index
    %swap3A_70 = arith.constant 0 : index
    %swap3A_71 = vector.load %arg7[%swap3A_69, %swap3A_70] : memref<10000x128xf32, #tpu.memory_space<vmem>>, vector<10000x128xf32>
    tpu.vector_store %arg7[%swap3A_69, %swap3A_70], %dot_general3A_68 {strides = array<i32>} : memref<10000x128xf32, #tpu.memory_space<vmem>>, vector<10000x128xf32>,
    %max3A_72 = arith.constant 1.000000e+00 : f32
    %max3A_73 = vector.broadcast %max3A_72 : f32 to vector<10000x1xf32>
    %max3A_74 = arith.maximumf %add3A_19, %max3A_73 : vector<10000x1xf32>
    %div3A_75 = arith.constant 1.000000e+00 : f32
    %div3A_76 = vector.broadcast %div3A_75 : f32 to vector<10000x1xf32>
    %div3A_77 = arith.divf %div3A_76, %max3A_74 : vector<10000x1xf32>
    %swap3A_78 = arith.constant 0 : index
    %swap3A_79 = arith.constant 0 : index
    %swap3A_80 = vector.load %arg8[%swap3A_78, %swap3A_79] : memref<10000x1xf32, #tpu.memory_space<vmem>>, vector<10000x1xf32>
    tpu.vector_store %arg8[%swap3A_78, %swap3A_79], %div3A_77 {strides = array<i32>} : memref<10000x1xf32, #tpu.memory_space<vmem>>, vector<10000x1xf32>,
    %add3A_81 = arith.constant 1.000000e+00 : f32
    %add3A_82 = vector.broadcast %add3A_81 : f32 to vector<10000x1xf32>
    %add3A_83 = arith.addf %add3A_19, %add3A_82 : vector<10000x1xf32>
    %rsqrt3A = math.rsqrt %add3A_83 : vector<10000x1xf32>
    %swap3A_84 = arith.constant 0 : index
    %swap3A_85 = arith.constant 0 : index
    %swap3A_86 = vector.load %arg9[%swap3A_84, %swap3A_85] : memref<10000x1xf32, #tpu.memory_space<vmem>>, vector<10000x1xf32>
    tpu.vector_store %arg9[%swap3A_84, %swap3A_85], %rsqrt3A {strides = array<i32>} : memref<10000x1xf32, #tpu.memory_space<vmem>>, vector<10000x1xf32>,
    return
  }
}

module attributes {stable_mosaic.version = 14 : i64} {
  func.func @_stage_c0(%arg0: memref<10000x128xf32, #tpu.memory_space<vmem>>, %arg1: memref<128x128xf32, #tpu.memory_space<vmem>>, %arg2: memref<10000x128xf32, #tpu.memory_space<vmem>>) attributes {dimension_semantics = [], scalar_prefetch = 0 : i64, scratch_operands = 0 : i64, tpu.core_type = #tpu.core_type<tc>} {
    %get3A = arith.constant 0 : index
    %get3A_0 = arith.constant 0 : index
    %get3A_1 = vector.load %arg0[%get3A, %get3A_0] : memref<10000x128xf32, #tpu.memory_space<vmem>>, vector<10000x128xf32>
    %get3A_2 = arith.constant 0 : index
    %get3A_3 = arith.constant 0 : index
    %get3A_4 = vector.load %arg1[%get3A_2, %get3A_3] : memref<128x128xf32, #tpu.memory_space<vmem>>, vector<128x128xf32>
    %dot_general3A = arith.constant dense<0.000000e+00> : vector<10000x128xf32>
    %dot_general3A_5 = tpu.matmul %get3A_1, %get3A_4, %dot_general3A {dimension_numbers = #tpu.dot_dimension_numbers<[1], [0], [0], [1], [0, 0, 1, 1], [], []>, transpose_lhs_hint = false} : vector<10000x128xf32>, vector<128x128xf32>, vector<10000x128xf32> -> vector<10000x128xf32>
    %swap3A = arith.constant 0 : index
    %swap3A_6 = arith.constant 0 : index
    %swap3A_7 = vector.load %arg2[%swap3A, %swap3A_6] : memref<10000x128xf32, #tpu.memory_space<vmem>>, vector<10000x128xf32>
    tpu.vector_store %arg2[%swap3A, %swap3A_6], %dot_general3A_5 {strides = array<i32>} : memref<10000x128xf32, #tpu.memory_space<vmem>>, vector<10000x128xf32>,
    return
  }
}

module attributes {stable_mosaic.version = 14 : i64} {
  func.func @_stage_c(%arg0: memref<2x10000x128xf32, #tpu.memory_space<vmem>>, %arg1: memref<10000x1xf32, #tpu.memory_space<vmem>>, %arg2: memref<10000x128xf32, #tpu.memory_space<vmem>>, %arg3: memref<1x128xf32, #tpu.memory_space<vmem>>, %arg4: memref<1x128xf32, #tpu.memory_space<vmem>>, %arg5: memref<1x128xf32, #tpu.memory_space<vmem>>, %arg6: memref<128x64xf32, #tpu.memory_space<vmem>>, %arg7: memref<10000x1xf32, #tpu.memory_space<vmem>>, %arg8: memref<10000x64xf32, #tpu.memory_space<vmem>>, %arg9: memref<10000x64xf32, #tpu.memory_space<vmem>>) attributes {dimension_semantics = [], scalar_prefetch = 0 : i64, scratch_operands = 0 : i64, tpu.core_type = #tpu.core_type<tc>} {
    %get3A = arith.constant 0 : index
    %get3A_0 = arith.constant 0 : index
    %get3A_1 = arith.constant 0 : index
    %get3A_2 = vector.load %arg0[%get3A, %get3A_0, %get3A_1] : memref<2x10000x128xf32, #tpu.memory_space<vmem>>, vector<1x10000x128xf32>
    %get3A_3 = vector.shape_cast %get3A_2 : vector<1x10000x128xf32> to vector<10000x128xf32>
    %get3A_4 = arith.constant 1 : index
    %get3A_5 = arith.constant 0 : index
    %get3A_6 = arith.constant 0 : index
    %get3A_7 = vector.load %arg0[%get3A_4, %get3A_5, %get3A_6] : memref<2x10000x128xf32, #tpu.memory_space<vmem>>, vector<1x10000x128xf32>
    %get3A_8 = vector.shape_cast %get3A_7 : vector<1x10000x128xf32> to vector<10000x128xf32>
    %add3A = arith.addf %get3A_3, %get3A_8 : vector<10000x128xf32>
    %get3A_9 = arith.constant 0 : index
    %get3A_10 = arith.constant 0 : index
    %get3A_11 = vector.load %arg1[%get3A_9, %get3A_10] : memref<10000x1xf32, #tpu.memory_space<vmem>>, vector<10000x1xf32>
    %mul3A = vector.broadcast %get3A_11 : vector<10000x1xf32> to vector<10000x128xf32>
    %mul3A_12 = arith.mulf %add3A, %mul3A : vector<10000x128xf32>
    %get3A_13 = arith.constant 0 : index
    %get3A_14 = arith.constant 0 : index
    %get3A_15 = vector.load %arg3[%get3A_13, %get3A_14] : memref<1x128xf32, #tpu.memory_space<vmem>>, vector<1x128xf32>
    %add3A_16 = vector.broadcast %get3A_15 : vector<1x128xf32> to vector<10000x128xf32>
    %add3A_17 = arith.addf %mul3A_12, %add3A_16 : vector<10000x128xf32>
    %get3A_18 = arith.constant 0 : index
    %get3A_19 = arith.constant 0 : index
    %get3A_20 = vector.load %arg2[%get3A_18, %get3A_19] : memref<10000x128xf32, #tpu.memory_space<vmem>>, vector<10000x128xf32>
    %add3A_21 = arith.addf %add3A_17, %get3A_20 : vector<10000x128xf32>
    %reduce_sum3A = arith.constant dense<0.000000e+00> : vector<128xf32>
    %reduce_sum3A_22 = vector.multi_reduction <add>, %add3A_21, %reduce_sum3A [0] : vector<10000x128xf32> to vector<128xf32>
    %broadcast_in_dim3A = vector.shape_cast %reduce_sum3A_22 : vector<128xf32> to vector<1x128xf32>
    %div3A = arith.constant 1.000000e+04 : f32
    %div3A_23 = vector.broadcast %div3A : f32 to vector<1x128xf32>
    %div3A_24 = arith.divf %broadcast_in_dim3A, %div3A_23 : vector<1x128xf32>
    %sub3A = vector.broadcast %div3A_24 : vector<1x128xf32> to vector<10000x128xf32>
    %sub3A_25 = arith.subf %add3A_21, %sub3A : vector<10000x128xf32>
    %integer_pow3A = arith.mulf %sub3A_25, %sub3A_25 : vector<10000x128xf32>
    %reduce_sum3A_26 = arith.constant dense<0.000000e+00> : vector<128xf32>
    %reduce_sum3A_27 = vector.multi_reduction <add>, %integer_pow3A, %reduce_sum3A_26 [0] : vector<10000x128xf32> to vector<128xf32>
    %broadcast_in_dim3A_28 = vector.shape_cast %reduce_sum3A_27 : vector<128xf32> to vector<1x128xf32>
    %div3A_29 = arith.constant 1.000000e+04 : f32
    %div3A_30 = vector.broadcast %div3A_29 : f32 to vector<1x128xf32>
    %div3A_31 = arith.divf %broadcast_in_dim3A_28, %div3A_30 : vector<1x128xf32>
    %get3A_32 = arith.constant 0 : index
    %get3A_33 = arith.constant 0 : index
    %get3A_34 = vector.load %arg4[%get3A_32, %get3A_33] : memref<1x128xf32, #tpu.memory_space<vmem>>, vector<1x128xf32>
    %sub3A_35 = vector.broadcast %div3A_24 : vector<1x128xf32> to vector<10000x128xf32>
    %sub3A_36 = arith.subf %add3A_21, %sub3A_35 : vector<10000x128xf32>
    %mul3A_37 = vector.broadcast %get3A_34 : vector<1x128xf32> to vector<10000x128xf32>
    %mul3A_38 = arith.mulf %mul3A_37, %sub3A_36 : vector<10000x128xf32>
    %add3A_39 = arith.constant 9.99999974E-6 : f32
    %add3A_40 = vector.broadcast %add3A_39 : f32 to vector<1x128xf32>
    %add3A_41 = arith.addf %div3A_31, %add3A_40 : vector<1x128xf32>
    %sqrt3A = math.sqrt %add3A_41 : vector<1x128xf32>
    %div3A_42 = vector.broadcast %sqrt3A : vector<1x128xf32> to vector<10000x128xf32>
    %div3A_43 = arith.divf %mul3A_38, %div3A_42 : vector<10000x128xf32>
    %get3A_44 = arith.constant 0 : index
    %get3A_45 = arith.constant 0 : index
    %get3A_46 = vector.load %arg5[%get3A_44, %get3A_45] : memref<1x128xf32, #tpu.memory_space<vmem>>, vector<1x128xf32>
    %add3A_47 = vector.broadcast %get3A_46 : vector<1x128xf32> to vector<10000x128xf32>
    %add3A_48 = arith.addf %div3A_43, %add3A_47 : vector<10000x128xf32>
    %max3A = arith.constant 0.000000e+00 : f32
    %max3A_49 = vector.broadcast %max3A : f32 to vector<10000x128xf32>
    %max3A_50 = arith.maximumf %add3A_48, %max3A_49 : vector<10000x128xf32>
    %get3A_51 = arith.constant 0 : index
    %get3A_52 = arith.constant 0 : index
    %get3A_53 = vector.load %arg6[%get3A_51, %get3A_52] : memref<128x64xf32, #tpu.memory_space<vmem>>, vector<128x64xf32>
    %dot_general3A = arith.constant dense<0.000000e+00> : vector<10000x64xf32>
    %dot_general3A_54 = tpu.matmul %max3A_50, %get3A_53, %dot_general3A {dimension_numbers = #tpu.dot_dimension_numbers<[1], [0], [0], [1], [0, 0, 1, 1], [], []>, transpose_lhs_hint = false} : vector<10000x128xf32>, vector<128x64xf32>, vector<10000x64xf32> -> vector<10000x64xf32>
    %swap3A = arith.constant 0 : index
    %swap3A_55 = arith.constant 0 : index
    %swap3A_56 = vector.load %arg8[%swap3A, %swap3A_55] : memref<10000x64xf32, #tpu.memory_space<vmem>>, vector<10000x64xf32>
    tpu.vector_store %arg8[%swap3A, %swap3A_55], %dot_general3A_54 {strides = array<i32>} : memref<10000x64xf32, #tpu.memory_space<vmem>>, vector<10000x64xf32>,
    %get3A_57 = arith.constant 0 : index
    %get3A_58 = arith.constant 0 : index
    %get3A_59 = vector.load %arg7[%get3A_57, %get3A_58] : memref<10000x1xf32, #tpu.memory_space<vmem>>, vector<10000x1xf32>
    %mul3A_60 = vector.broadcast %get3A_59 : vector<10000x1xf32> to vector<10000x64xf32>
    %mul3A_61 = arith.mulf %dot_general3A_54, %mul3A_60 : vector<10000x64xf32>
    %swap3A_62 = arith.constant 0 : index
    %swap3A_63 = arith.constant 0 : index
    %swap3A_64 = vector.load %arg9[%swap3A_62, %swap3A_63] : memref<10000x64xf32, #tpu.memory_space<vmem>>, vector<10000x64xf32>
    tpu.vector_store %arg9[%swap3A_62, %swap3A_63], %mul3A_61 {strides = array<i32>} : memref<10000x64xf32, #tpu.memory_space<vmem>>, vector<10000x64xf32>,
    return
  }
}

module attributes {stable_mosaic.version = 14 : i64} {
  func.func @_stage_d(%arg0: memref<2x10000x64xf32, #tpu.memory_space<vmem>>, %arg1: memref<10000x1xf32, #tpu.memory_space<vmem>>, %arg2: memref<10000x64xf32, #tpu.memory_space<vmem>>, %arg3: memref<1x64xf32, #tpu.memory_space<vmem>>, %arg4: memref<10000x64xf32, #tpu.memory_space<vmem>>) attributes {dimension_semantics = [], scalar_prefetch = 0 : i64, scratch_operands = 0 : i64, tpu.core_type = #tpu.core_type<tc>} {
    %get3A = arith.constant 0 : index
    %get3A_0 = arith.constant 0 : index
    %get3A_1 = arith.constant 0 : index
    %get3A_2 = vector.load %arg0[%get3A, %get3A_0, %get3A_1] : memref<2x10000x64xf32, #tpu.memory_space<vmem>>, vector<1x10000x64xf32>
    %get3A_3 = vector.shape_cast %get3A_2 : vector<1x10000x64xf32> to vector<10000x64xf32>
    %get3A_4 = arith.constant 1 : index
    %get3A_5 = arith.constant 0 : index
    %get3A_6 = arith.constant 0 : index
    %get3A_7 = vector.load %arg0[%get3A_4, %get3A_5, %get3A_6] : memref<2x10000x64xf32, #tpu.memory_space<vmem>>, vector<1x10000x64xf32>
    %get3A_8 = vector.shape_cast %get3A_7 : vector<1x10000x64xf32> to vector<10000x64xf32>
    %add3A = arith.addf %get3A_3, %get3A_8 : vector<10000x64xf32>
    %get3A_9 = arith.constant 0 : index
    %get3A_10 = arith.constant 0 : index
    %get3A_11 = vector.load %arg1[%get3A_9, %get3A_10] : memref<10000x1xf32, #tpu.memory_space<vmem>>, vector<10000x1xf32>
    %mul3A = vector.broadcast %get3A_11 : vector<10000x1xf32> to vector<10000x64xf32>
    %mul3A_12 = arith.mulf %mul3A, %add3A : vector<10000x64xf32>
    %mul3A_13 = arith.mulf %get3A_11, %get3A_11 : vector<10000x1xf32>
    %get3A_14 = arith.constant 0 : index
    %get3A_15 = arith.constant 0 : index
    %get3A_16 = vector.load %arg2[%get3A_14, %get3A_15] : memref<10000x64xf32, #tpu.memory_space<vmem>>, vector<10000x64xf32>
    %mul3A_17 = vector.broadcast %mul3A_13 : vector<10000x1xf32> to vector<10000x64xf32>
    %mul3A_18 = arith.mulf %mul3A_17, %get3A_16 : vector<10000x64xf32>
    %add3A_19 = arith.addf %mul3A_12, %mul3A_18 : vector<10000x64xf32>
    %get3A_20 = arith.constant 0 : index
    %get3A_21 = arith.constant 0 : index
    %get3A_22 = vector.load %arg3[%get3A_20, %get3A_21] : memref<1x64xf32, #tpu.memory_space<vmem>>, vector<1x64xf32>
    %add3A_23 = vector.broadcast %get3A_22 : vector<1x64xf32> to vector<10000x64xf32>
    %add3A_24 = arith.addf %add3A_19, %add3A_23 : vector<10000x64xf32>
    %reduce_max3A = arith.constant dense<0xFF800000> : vector<10000xf32>
    %reduce_max3A_25 = vector.multi_reduction <maximumf>, %add3A_24, %reduce_max3A [1] : vector<10000x64xf32> to vector<10000xf32>
    %broadcast_in_dim3A = vector.shape_cast %reduce_max3A_25 : vector<10000xf32> to vector<10000x1xf32>
    %sub3A = vector.broadcast %broadcast_in_dim3A : vector<10000x1xf32> to vector<10000x64xf32>
    %sub3A_26 = arith.subf %add3A_24, %sub3A : vector<10000x64xf32>
    %exp3A = math.exp %sub3A_26 : vector<10000x64xf32>
    %reduce_sum3A = arith.constant dense<0.000000e+00> : vector<10000xf32>
    %reduce_sum3A_27 = vector.multi_reduction <add>, %exp3A, %reduce_sum3A [1] : vector<10000x64xf32> to vector<10000xf32>
    %broadcast_in_dim3A_28 = vector.shape_cast %reduce_sum3A_27 : vector<10000xf32> to vector<10000x1xf32>
    %log3A = math.log %broadcast_in_dim3A_28 : vector<10000x1xf32>
    %sub3A_29 = vector.broadcast %log3A : vector<10000x1xf32> to vector<10000x64xf32>
    %sub3A_30 = arith.subf %sub3A_26, %sub3A_29 : vector<10000x64xf32>
    %swap3A = arith.constant 0 : index
    %swap3A_31 = arith.constant 0 : index
    %swap3A_32 = vector.load %arg4[%swap3A, %swap3A_31] : memref<10000x64xf32, #tpu.memory_space<vmem>>, vector<10000x64xf32>
    tpu.vector_store %arg4[%swap3A, %swap3A_31], %sub3A_30 {strides = array<i32>} : memref<10000x64xf32, #tpu.memory_space<vmem>>, vector<10000x64xf32>,
    return
  }
}

</mosaic_0001>

<sc_bundles>
// kernel: kernel.10.cloned.1.call-start
scs
__scs_entry_jumppad:
0x0: {  	(pc) =	sbr.rel $0x88, $3  }
0x1: {  	(tag) =	ssettag $0x0;
	lr =	simm.s32 $0x1  }
0x2: {  	[smem:$0x3F94] =	sst lr;
	_ =	strace $0xD0000000  }
0x3: {  	_ = 	snop  }
0x4: {  	_ = 	snop  }
0x5: {  	_ = 	snop  }
0x6: {  	_ = 	snop  }
0x7: {  	_ = 	snop  }
__scs_overlays_trampoline_lowered:
0x8: {  	[smem:$0x3FA3] =	sst s0  }
0x9: {  	[smem:$0x3FA4] =	sst s1  }
0xa: {  	[smem:$0x3FA5] =	sst s2  }
0xb: {  	[smem:$0x3FA6] =	sst s3  }
0xc: {  	[smem:$0x3FA7] =	sst s4  }
0xd: {  	[smem:$0x3FA8] =	sst s5  }
0xe: {  	[smem:$0x3FA9] =	sst s6  }
0xf: {  	[smem:$0x3FAA] =	sst s7  }
0x10: {  	[smem:$0x3FAB] =	sst s8  }
0x11: {  	[smem:$0x3FAC] =	sst s9;
	s0 =	simm.s32 @!p0 $0x0  }
0x12: {  	s1 =	sld [smem:$0x3F92];
	s0 =	simm.s32 @p0 $0x1  }
0x13: {  	[smem:$0x3FAD] =	sst s0;
	s0 =	simm.s32 @!p1 $0x0  }
0x14: {  	s2 =	sld [smem:$0x3F91];
	s0 =	simm.s32 @p1 $0x1  }
0x15: {  	[smem:$0x3FAE] =	sst s0;
	s0 =	simm.s32 @!p2 $0x0  }
0x16: {  	s3 =	sld [smem:$0x3FDB];
	s0 =	simm.s32 @p2 $0x1  }
0x17: {  	s4 =	simm.s32 $0x1BF5;
	[smem:$0x3FB0] =	sst s0  }
0x18: {  	s0 =	sld [smem:$0x3F93];
	_ =	swait.ge [sflag:s4], $0x0  }
0x19: {  	s7 =	sld [smem:$0x3F94]  }
0x1a: {  	s8 =	sadd.s32 $0xFFFFE003, lr  }
0x1b: {  	s9 =	sadd.s32 $0xFFFFFEF7, lr;
	s5 =	simm.s32 $0xFFFFFFFF;
	p2 =	slt.u32 s8, $0xFFFFF086  }
0x1c: {  	p1 =	slt.u32 s9, $0xF7A;
	s5 =	simm.s32 @!p2 $0x0  }
0x1d: {  	s5 =	simm.s32 @p1 $0x1;
	p0 =	seq.s32 s7, s2  }
0x1e: {  	s7 =	smul.u32 @!p0 $0xF7A, s2;
	p2 =	seq.s32 @!p0 s5, $0x0  }
0x1f: {  	s9 =	smul.u32 $0xF7A, s1;
	s8 =	simm.s32 @!p0 $0x1BF5;
	p2 =	por !p2, p0  }
0x20: {  	[sflag:s8] =	ssyncset.s32 @!p0 $0xFFFFF086;
	s6 =	sadd.s32 @!p0 s3, s7;
	s7 =	simm.s32 @!p0 $0x108  }
0x21: {  	s3 =	sadd.s32 s3, s9;
	s6 =	sadd.s32 @!p0 $0x88, s6;
	s7 =	simm.s32 @p2 $0x1082  }
0x22: {  	[simem:s7], [sflag:s8] =	dma.local @!p0 [hbm:s6], $0xF7A  }
0x23: {  	s9 =	sor.u32 $0xD0000000, s2;
	s6 =	simm.s32 $0x108;
	_ =	swait.ge @!p0 [sflag:s8], $0x0  }
0x24: {  	s3 =	sadd.s32 $0x88, s3;
	s6 =	simm.s32 @!p1 $0x1082;
	[sflag:s4] =	ssyncset.s32 $0xFFFFF086  }
0x25: {  	[simem:s6], [sflag:s4] =	dma.local [hbm:s3], $0xF7A  }
0x26: {  	[smem:$0x3F94] =	sst s1;
	(tag) =	ssettag s2;
	_ =	strace s9  }
0x27: {  	s1 =	sld [smem:$0x3FA4]  }
0x28: {  	s2 =	sld [smem:$0x3FA5]  }
0x29: {  	s4 =	sld [smem:$0x3FA7]  }
0x2a: {  	p0 =	seq.s32 s5, $0x0;
	s5 =	sld [smem:$0x3FA8]  }
0x2b: {  	s6 =	sld [smem:$0x3FA9]  }
0x2c: {  	s7 =	sld [smem:$0x3FAA]  }
0x2d: {  	s3 =	simm.s32 $0x108;
	s8 =	sld [smem:$0x3FAB]  }
0x2e: {  	s3 =	simm.s32 @!p0 $0x1082;
	s9 =	sld [smem:$0x3FAC]  }
0x2f: {  	lr =	sadd.s32 s0, s3;
	s0 =	sld [smem:$0x3FA3]  }
0x30: {  	s3 =	sld [smem:$0x3FA6]  }
0x31: {  	[smem:$0x3FAF] =	sst s10  }
0x32: {  	s10 =	sld [smem:$0x3FAD];
	_ =	sdelay $0x3  }
0x33: {  	p0 =	seq.s32 s10, $0x1;
	s10 =	sld [smem:$0x3FAF];
	_ =	sdelay $0x3  }
0x34: {  	[smem:$0x3FAF] =	sst s10  }
0x35: {  	s10 =	sld [smem:$0x3FAE];
	_ =	sdelay $0x3  }
0x36: {  	p1 =	seq.s32 s10, $0x1;
	s10 =	sld [smem:$0x3FAF];
	_ =	sdelay $0x3  }
0x37: {  	[smem:$0x3FAF] =	sst s10  }
0x38: {  	s10 =	sld [smem:$0x3FB0]  }
0x39: {  	_ = 	snop;
	(pc) =	sbr.ind lr, $3  }
0x3a: {  	_ = 	snop  }
0x3b: {  	_ = 	snop  }
0x3c: {  	p2 =	seq.s32 s10, $0x1;
	s10 =	sld [smem:$0x3FAF]  }
0x3d: {  	_ =	shalt  }
0x3e: {  	_ =	shalt  }
0x3f: {  	_ =	shalt  }
0x40: {  	_ =	shalt  }
0x41: {  	_ =	shalt  }
0x42: {  	_ =	shalt  }
0x43: {  	_ =	shalt  }
0x44: {  	_ =	shalt  }
0x45: {  	_ =	shalt  }
0x46: {  	_ =	shalt  }
0x47: {  	_ =	shalt  }
0x48: {  	_ =	shalt  }
0x49: {  	_ =	shalt  }
0x4a: {  	_ =	shalt  }
0x4b: {  	_ =	shalt  }
0x4c: {  	_ =	shalt  }
0x4d: {  	_ =	shalt  }
0x4e: {  	_ =	shalt  }
0x4f: {  	_ =	shalt  }
0x50: {  	_ =	shalt  }
0x51: {  	_ =	shalt  }
0x52: {  	_ =	shalt  }
0x53: {  	_ =	shalt  }
0x54: {  	_ =	shalt  }
0x55: {  	_ =	shalt  }
0x56: {  	_ =	shalt  }
0x57: {  	_ =	shalt  }
0x58: {  	_ =	shalt  }
0x59: {  	_ =	shalt  }
0x5a: {  	_ =	shalt  }
0x5b: {  	_ =	shalt  }
0x5c: {  	_ =	shalt  }
0x5d: {  	_ =	shalt  }
0x5e: {  	_ =	shalt  }
0x5f: {  	_ =	shalt  }
0x60: {  	_ =	shalt  }
0x61: {  	_ =	shalt  }
0x62: {  	_ =	shalt  }
0x63: {  	_ =	shalt  }
0x64: {  	_ =	shalt  }
0x65: {  	_ =	shalt  }
0x66: {  	_ =	shalt  }
0x67: {  	_ =	shalt  }
0x68: {  	_ =	shalt  }
0x69: {  	_ =	shalt  }
0x6a: {  	_ =	shalt  }
0x6b: {  	_ =	shalt  }
0x6c: {  	_ =	shalt  }
0x6d: {  	_ =	shalt  }
0x6e: {  	_ =	shalt  }
0x6f: {  	_ =	shalt  }
0x70: {  	_ =	shalt  }
0x71: {  	_ =	shalt  }
0x72: {  	_ =	shalt  }
0x73: {  	_ =	shalt  }
0x74: {  	_ =	shalt  }
0x75: {  	_ =	shalt  }
0x76: {  	_ =	shalt  }
0x77: {  	_ =	shalt  }
0x78: {  	_ =	shalt  }
0x79: {  	_ =	shalt  }
0x7a: {  	_ =	shalt  }
0x7b: {  	_ =	shalt  }
0x7c: {  	_ =	shalt  }
0x7d: {  	_ =	shalt  }
0x7e: {  	_ =	shalt  }
0x7f: {  	_ =	shalt  }
0x80: {  	_ =	shalt  }
0x81: {  	_ =	shalt  }
0x82: {  	_ =	shalt  }
0x83: {  	_ =	shalt  }
0x84: {  	_ =	shalt  }
0x85: {  	_ =	shalt  }
0x86: {  	_ =	shalt  }
0x87: {  	_ =	shalt  }
.Lfunc_end0:
.L_simem_size_0:
called_computation_lowered:
.L_overlay_start_0:
0x88: {  	s2 =	sld [smem:$0x3FD9]  }
0x89: {  	s3 =	sld [smem:$0x3FFE];
	_ =	sdelay $0x1  }
0x8a: {  	s1 =	srdreg.scid  }
0x8b: {  	s0 =	sand.u32 $0x1, s1  }
0x8c: {  	s17 =	sshll.u32 s0, $0xA;
	s2 =	sadd.s32 s3, s2  }
0x8d: {  	s2 =	sadd.s32 s2, s17  }
0x8e: {  	[smem:$0x3FBB] =	sst s2  }
0x8f: {  	_ = 	snop  }
0x90: {  	s2 =	sld [smem:$0x3FD0];
	(tm) =	ssettm $0x1  }
0x91: {  	s18 =	sld [smem:$0x3FFB];
	_ =	sdelay $0x3  }
0x92: {  	_ =	strace s18  }
0x93: {  	s3 =	sld [smem:$0x3FFC];
	_ =	sdelay $0x3  }
0x94: {  	_ =	strace s3  }
0x95: {  	s3 =	sld [smem:$0x3FFD];
	_ =	sdelay $0x3  }
0x96: {  	_ =	strace s3  }
0x97: {  	_ =	strace $0x8FFFFFFF  }
0x98: {  	s19 =	sld [smem:$0x3FDB];
	_ =	sdelay $0x1  }
0x99: {  	s4 =	simm.s32 $_scs_section_size  }
0x9a: {  	s5 =	simm.s32 $_size__tile_overlayer_lowered;
	s6 =	simm.s32 $_tile_overlayer_lowered  }
0x9b: {  	s22 =	simm.s32 $0x1BFF;
	s21 =	sshll.u32 s6, $0x1;
	s3 =	sadd.s32 s4, s19  }
0x9c: {  	s7 =	simm.s32 $0x0;
	s20 =	sshll.u32 s5, $0x1;
	s5 =	sadd.s32 s21, s3  }
0x9d: {  	[timem:s7], [sflag:s22] =	dma.local [hbm:s5], s20  }
0x9e: {  	_ =	swait.ge [sflag:s22], s20  }
0x9f: {  	s4 =	ssub.s32 $0x0, s20;
	[sflag:s22] =	ssyncset.done $0x0  }
0xa0: {  	[sflag:s22] =	ssyncadd.s32 s4;
	_ =	sdelay $0x1  }
0xa1: {  	s23 =	simm.s32 $0x1B8B  }
0xa2: {  	_ =	swait.ge [sflag:s23], $0x1  }
0xa3: {  	[sflag:s23] =	ssyncset.done $0x0  }
0xa4: {  	s25 =	simm.s32 $0x1B8E;
	s24 =	sld [smem:$0x3FFE];
	[sflag:s23] =	ssyncadd.s32 $0xFFFFFFFF  }
0xa5: {  	s26 =	simm.s32 $execute0_lowered;
	[smem:$0x3FD2] =	sst s25  }
0xa6: {  	s5 =	sshll.u32 s26, $0x1;
	_ =	strace $0x80000046;
	[dreg:$0x1] =	wrdreg $0xFFFFFFFF  }
0xa7: {  	s28 =	simm.s32 $_size_execute0_lowered;
	s3 =	sadd.s32 s3, s5;
	[dreg:$0x0] =	wrdreg $0x0  }
0xa8: {  	s5 =	sshll.u32 s28, $0x1;
	[dreg:$0x2] =	wrdreg s3  }
0xa9: {  	[dreg:$0x3] =	wrdreg s5  }
0xaa: {  	[dreg:$0x4] =	wrdreg $0xC0  }
0xab: {  	_ =	task [dreg:s7], $0x5FFFF  }
0xac: {  	[dreg:$0x1] =	wrdreg $0xFFFFFFFF  }
0xad: {  	[dreg:$0x0] =	wrdreg $0x60  }
0xae: {  	[dreg:$0x2] =	wrdreg s24  }
0xaf: {  	[dreg:$0x3] =	wrdreg s2  }
0xb0: {  	[dreg:$0x4] =	wrdreg $0x8D700  }
0xb1: {  	[dreg:$0x5] =	wrdreg $0x1C9100  }
0xb2: {  	[dreg:$0x6] =	wrdreg $0x9  }
0xb3: {  	_ =	task.clear_ibuf [dreg:s7], $0x7FFFF;
	_ =	strace $0x90000046  }
0xb4: {  	s29 =	simm.s32 $0x9;
	_ =	strace $0x80000048  }
0xb5: {  	_ =	swait.ge [sflag:s29], $0x1  }
0xb6: {  	[sflag:s29] =	ssyncadd.s32 $0xFFFFFFFF  }
0xb7: {  	_ =	strace $0x90000048  }
0xb8: {  	_ =	sfence  }
0xb9: {  	s30 =	sld [smem:$0x0];
	_ =	sdelay $0x2  }
0xba: {  	s31 =	sshll.u32 s1, $0xD;
	s1 =	sshrl.u32 s1, $0x2  }
0xbb: {  	s3 =	sand.u32 $0x4000, s31;
	s1 =	sadd.s32 s1, s30  }
0xbc: {  	s0 =	sor.u32 s3, s0;
	s1 =	sshll.u32 s1, $0x11  }
0xbd: {  	s0 =	sor.u32 s1, s0  }
0xbe: {  	s0 =	sadd.s32 $0x8F2B, s0  }
0xbf: {  	[sflag:s0] =	ssyncadd.remote.s32 $0x1  }
0xc0: {  	_ =	sfence.sel $0xFFFF  }
0xc1: {  	[dreg:$0x0] =	wrdreg $0xFFFFFFFF;
	(pc) =	sbr.abs _section_cstart, $3  }
0xc2: {  	[dreg:$0x1] =	wrdreg $0xFFFFFFFF  }
0xc3: {  	_ =	task.clear_ibuf [dreg:s7], $0x2FFFF;
	_ =	strace $0x9FFFFFFF  }
0xc4: {  	(tm) =	ssettm $0x7FFFFFFF  }
0xc5: {  	_ =	shalt  }
tec
execute0_lowered:
.L_overlay_start_1:
0x0: {  	(tag) =	ssettag $0x1  }
0x1: {  	s0 =	rddreg [dreg:$0x0]  }
0x2: {  	s1 =	rddreg [dreg:$0x1]  }
0x3: {  	s2 =	rddreg [dreg:$0x2];
	s18 =	stileid.u32  }
0x4: {  	s3 =	rddreg [dreg:$0x3];
	s7 =	smul.u32 $0x13880, s18  }
0x5: {  	s5 =	srdreg.scid;
	s12 =	smul.u32 $0x271, s18  }
0x6: {  	s4 =	simm.s32 $0x0;
	s6 =	sand.u32 $0x1, s5;
	s13 =	smul.u32 $0x1388, s18  }
0x7: {  	s31 =	simm.s32 $0x2970;
	[smem:$0x7FF] =	sst s4;
	s8 =	smul.u32 $0x138800, s6  }
0x8: {  	s5 =	sadd.s32 $0x18600, s0;
	s9 =	sshll.u32 s18, $0x1;
	s17 =	smul.u32 $0x13880, s6  }
0x9: {  	s9 =	sor.u32 s6, s9;
	s11 =	ssub.s32 $0x2, s6;
	s6 =	smul.u32 $0x28A0, s6  }
0xa: {  	s10 =	sadd.s32 $0x4000, s0;
	_ =	strace $0x80000047;
	s9 =	smul.u32 $0x28A0, s9  }
0xb: {  	s20 =	sshrl.u32 s11, $0x1;
	s14 =	sadd.s32 $0x64, s12;
	s16 =	sadd.s32 $0xC8, s12  }
0xc: {  	s24 =	sadd.s32 $0x12C, s12;
	s8 =	sadd.s32 s7, s8;
	s11 =	ssub.s32 s11, s20  }
0xd: {  	s7 =	sadd.s32 s7, s2;
	s15 =	sshll.u32 s14, $0x7;
	s14 =	sshll.u32 s14, $0x3  }
0xe: {  	s22 =	sshll.u32 s16, $0x7;
	s25 =	sshll.u32 s16, $0x3;
	s26 =	sshll.u32 s24, $0x7  }
0xf: {  	s20 =	sadd.s32 $0x190, s12;
	s16 =	sadd.s32 $0x1F4, s12;
	s8 =	sshrl.u32 s8, $0x3  }
0x10: {  	s21 =	sshrl.u32 s9, $0x3;
	s15 =	sadd.s32 s15, s2;
	s14 =	sadd.s32 s14, s3  }
0x11: {  	s23 =	sadd.s32 s22, s2;
	s19 =	sadd.s32 s26, s2;
	s22 =	sshll.u32 s20, $0x7  }
0x12: {  	s26 =	sshll.u32 s20, $0x3;
	s28 =	smax.u32 s11, $0x1;
	[dreg:$0x5] =	wrdreg s15  }
0x13: {  	s11 =	simm.s32 $0x64;
	s0 =	sadd.s32 s8, s0;
	[dreg:$0x6] =	wrdreg s14  }
0x14: {  	s21 =	sadd.s32 s10, s21;
	s8 =	sadd.s32 s13, s3;
	[dreg:$0x7] =	wrdreg s23  }
0x15: {  	s15 =	sadd.s32 s25, s3;
	[dreg:$0x9] =	wrdreg s19;
	s14 =	sshll.u32 s24, $0x3  }
0x16: {  	s13 =	sadd.s32 s13, s17;
	s23 =	smul.u32 $0x5140, s18;
	s24 =	sadd.s32 $0x51468, s9  }
0x17: {  	s25 =	sadd.s32 s22, s2;
	s9 =	sadd.s32 $0x53C38, s9;
	s17 =	sadd.s32 s26, s3  }
0x18: {  	s22 =	sadd.s32 $0x258, s12;
	s12 =	simm.s32 $0x2908;
	[dreg:$0x8] =	wrdreg s15  }
0x19: {  	s14 =	sadd.s32 s14, s3;
	s13 =	sshrl.u32 s13, $0x3;
	[dreg:$0xc] =	wrdreg s25  }
0x1a: {  	[dreg:$0xe] =	wrdreg s17;
	s26 =	sshll.u32 s22, $0x3;
	s29 =	sadd.s32 $0xA280, s21  }
0x1b: {  	s30 =	sadd.s32 $0xA77A, s21;
	[dreg:$0xa] =	wrdreg s14;
	s1 =	sadd.s32 s1, s13  }
0x1c: {  	s6 =	sadd.s32 s6, s23;
	s23 =	sshll.u32 s16, $0x7;
	s13 =	simm.s32 $0x5B70  }
0x1d: {  	[dreg:$0xb] =	wrdreg s1;
	s1 =	sshrl.u32 s24, $0x3;
	s14 =	sadd.s32 $0x51538, s6  }
0x1e: {  	s6 =	sadd.s32 $0x514D0, s6;
	s24 =	sshll.u32 s22, $0x7;
	s1 =	sadd.s32 s10, s1  }
0x1f: {  	s15 =	sshrl.u32 s14, $0x3;
	s6 =	sshrl.u32 s6, $0x3;
	s25 =	sadd.s32 s24, s2  }
0x20: {  	s24 =	smov.u32 s21;
	s14 =	simm.s32 $0x2;
	[dreg:$0xd] =	wrdreg s1  }
0x21: {  	s1 =	sshrl.u32 s9, $0x3;
	s19 =	sadd.s32 s15, s10;
	s20 =	sadd.s32 s6, s10  }
0x22: {  	s9 =	sadd.s32 s23, s2;
	[dreg:$0x11] =	wrdreg s25;
	s25 =	sadd.s32 s26, s3  }
0x23: {  	s26 =	sadd.s32 $0x3F800, s0;
	s0 =	simm.s32 $0x3;
	s15 =	simm.s32 $0x2838  }
0x24: {  	s6 =	simm.s32 $0x0;
	s18 =	sadd.s32 s10, s1;
	s1 =	sshll.u32 s16, $0x3  }
0x25: {  	[dreg:$0xf] =	wrdreg s9;
	s9 =	simm.s32 $0x1;
	s1 =	sadd.s32 s1, s3  }
0x26: {  	v0 =	vimm.f32 $0.0e+00;
	v1 =	vimm.f32 $1.000000000e+00;
	s10 =	simm.s32 $0x28A0;
	[dreg:$0x10] =	wrdreg s1;
	s1 =	simm.s32 $0x1C5F0  }
.LBB2_1:
0x27: {  	[tilespmem:s4], [sflag:$0x1] =	stream.linear.gather [hbm4b:s24+s4], $0x28A0, $0x38;
	[tilespmem:$0x1DC98] =	vst v63  }
0x28: {  	s16 =	simm.s32 $0x29B0  }
0x29: {  	[tilespmem:s16+$0xFFFFFFD0] =	vst v0  }
0x2a: {  	[tilespmem:s16+$0xFFFFFFE0] =	vst v0  }
0x2b: {  	[tilespmem:s16+$0xFFFFFFF0] =	vst v0  }
0x2c: {  	[tilespmem:s16+$0x0] =	vst v0  }
0x2d: {  	[tilespmem:s16+$0x10] =	vst v0  }
0x2e: {  	[tilespmem:s16+$0x20] =	vst v0  }
0x2f: {  	[tilespmem:s16+$0x30] =	vst v0  }
0x30: {  	s21 =	simm.s32 $0x0;
	s17 =	simm.s32 $0x20;
	[tilespmem:s16+$0xFFFFFFC0] =	vst v0  }
.LBB2_2:
0x31: {  	p0 =	sne.s32 s17, $0xC60;
	[tilespmem:s21+$0x1C5F0] =	vst.msk $0xff, v0;
	s16 =	sadd.s32 $0x80, s16  }
0x32: {  	[tilespmem:s16+$0xFFFFFFD0] =	vst v0  }
0x33: {  	[tilespmem:s16+$0xFFFFFFE0] =	vst v0  }
0x34: {  	[tilespmem:s16+$0xFFFFFFF0] =	vst v0  }
.Ltmp0:
0x35: {  	[tilespmem:s16+$0x0] =	vst v0;
	(pc) =	sbr.rel @p0 .LBB2_2-.Ltmp0, $4  }
0x36: {  	[tilespmem:s16+$0x10] =	vst v0  }
0x37: {  	[tilespmem:s16+$0x20] =	vst v0  }
0x38: {  	[tilespmem:s16+$0x30] =	vst v0  }
0x39: {  	s21 =	sshra.s32 s17, $0x2;
	s17 =	sadd.s32 $0x20, s17;
	[tilespmem:s16+$0xFFFFFFC0] =	vst v0  }
0x3a: {  	[tilespmem:s21+$0x1C5F0] =	vst.msk $0xff, v0  }
0x3b: {  	[spmem:s7] =	stream.linear.scatter [tilespmem:s31], [sflag:$0x3], $0x3200, $0x38;
	[tilespmem:$0x1DC98] =	vst v63  }
0x3c: {  	_ =	swait.ge [sflag:s0], $0x3200  }
0x3d: {  	[sflag:s0] =	ssyncset.done $0x0  }
0x3e: {  	[sflag:s0] =	ssyncadd.s32 $0xFFFFCE00  }
0x3f: {  	[spmem:s8] =	stream.linear.scatter [tilespmem:s1], [sflag:$0x3], $0x320, $0x38;
	[tilespmem:$0x1DC98] =	vst v63  }
0x40: {  	_ =	swait.ge [sflag:s0], $0x320  }
0x41: {  	[sflag:s0] =	ssyncset.done $0x0  }
0x42: {  	s16 =	rddreg [dreg:$0x5];
	[sflag:s0] =	ssyncadd.s32 $0xFFFFFCE0  }
0x43: {  	[spmem:s16] =	stream.linear.scatter [tilespmem:s31], [sflag:$0x3], $0x3200, $0x38;
	[tilespmem:$0x1DC98] =	vst v63  }
0x44: {  	_ =	swait.ge [sflag:s0], $0x3200  }
0x45: {  	[sflag:s0] =	ssyncset.done $0x0  }
0x46: {  	s22 =	rddreg [dreg:$0x6];
	[sflag:s0] =	ssyncadd.s32 $0xFFFFCE00  }
0x47: {  	[spmem:s22] =	stream.linear.scatter [tilespmem:s1], [sflag:$0x3], $0x320, $0x38;
	[tilespmem:$0x1DC98] =	vst v63  }
0x48: {  	_ =	swait.ge [sflag:s0], $0x320  }
0x49: {  	[sflag:s0] =	ssyncset.done $0x0  }
0x4a: {  	s23 =	rddreg [dreg:$0x7];
	[sflag:s0] =	ssyncadd.s32 $0xFFFFFCE0  }
0x4b: {  	[spmem:s23] =	stream.linear.scatter [tilespmem:s31], [sflag:$0x3], $0x3200, $0x38;
	[tilespmem:$0x1DC98] =	vst v63  }
0x4c: {  	_ =	swait.ge [sflag:s0], $0x3200  }
0x4d: {  	[sflag:s0] =	ssyncset.done $0x0  }
0x4e: {  	s17 =	rddreg [dreg:$0x8];
	[sflag:s0] =	ssyncadd.s32 $0xFFFFCE00  }
0x4f: {  	[spmem:s17] =	stream.linear.scatter [tilespmem:s1], [sflag:$0x3], $0x320, $0x38;
	[tilespmem:$0x1DC98] =	vst v63  }
0x50: {  	_ =	swait.ge [sflag:s0], $0x320  }
0x51: {  	[sflag:s0] =	ssyncset.done $0x0  }
0x52: {  	s21 =	rddreg [dreg:$0x9];
	[sflag:s0] =	ssyncadd.s32 $0xFFFFFCE0  }
0x53: {  	[spmem:s21] =	stream.linear.scatter [tilespmem:s31], [sflag:$0x3], $0x3200, $0x38;
	[tilespmem:$0x1DC98] =	vst v63  }
0x54: {  	_ =	swait.ge [sflag:s0], $0x3200  }
0x55: {  	[sflag:s0] =	ssyncset.done $0x0  }
0x56: {  	s22 =	rddreg [dreg:$0xa];
	[sflag:s0] =	ssyncadd.s32 $0xFFFFCE00  }
0x57: {  	[spmem:s22] =	stream.linear.scatter [tilespmem:s1], [sflag:$0x3], $0x320, $0x38;
	[tilespmem:$0x1DC98] =	vst v63  }
0x58: {  	_ =	swait.ge [sflag:s0], $0x320  }
0x59: {  	[sflag:s0] =	ssyncset.done $0x0  }
0x5a: {  	s23 =	rddreg [dreg:$0xc];
	[sflag:s0] =	ssyncadd.s32 $0xFFFFFCE0  }
0x5b: {  	[spmem:s23] =	stream.linear.scatter [tilespmem:s31], [sflag:$0x3], $0x3200, $0x38;
	[tilespmem:$0x1DC98] =	vst v63  }
0x5c: {  	_ =	swait.ge [sflag:s0], $0x3200  }
0x5d: {  	[sflag:s0] =	ssyncset.done $0x0  }
0x5e: {  	s17 =	rddreg [dreg:$0xe];
	[sflag:s0] =	ssyncadd.s32 $0xFFFFCE00  }
0x5f: {  	[spmem:s17] =	stream.linear.scatter [tilespmem:s1], [sflag:$0x3], $0x320, $0x38;
	[tilespmem:$0x1DC98] =	vst v63  }
0x60: {  	_ =	swait.ge [sflag:s0], $0x320  }
0x61: {  	[sflag:s0] =	ssyncset.done $0x0  }
0x62: {  	s21 =	rddreg [dreg:$0xf];
	[sflag:s0] =	ssyncadd.s32 $0xFFFFFCE0  }
0x63: {  	[spmem:s21] =	stream.linear.scatter [tilespmem:s31], [sflag:$0x3], $0x3200, $0x38;
	[tilespmem:$0x1DC98] =	vst v63  }
0x64: {  	_ =	swait.ge [sflag:s0], $0x3200  }
0x65: {  	[sflag:s0] =	ssyncset.done $0x0  }
0x66: {  	s22 =	rddreg [dreg:$0x10];
	[sflag:s0] =	ssyncadd.s32 $0xFFFFCE00  }
0x67: {  	[spmem:s22] =	stream.linear.scatter [tilespmem:s1], [sflag:$0x3], $0x320, $0x38;
	[tilespmem:$0x1DC98] =	vst v63  }
0x68: {  	_ =	swait.ge [sflag:s0], $0x320  }
0x69: {  	[sflag:s0] =	ssyncset.done $0x0  }
0x6a: {  	s23 =	rddreg [dreg:$0x11];
	[sflag:s0] =	ssyncadd.s32 $0xFFFFFCE0  }
0x6b: {  	[spmem:s23] =	stream.linear.scatter [tilespmem:s31], [sflag:$0x3], $0xC80, $0x38;
	[tilespmem:$0x1DC98] =	vst v63  }
0x6c: {  	_ =	swait.ge [sflag:s0], $0xC80  }
0x6d: {  	[sflag:s0] =	ssyncset.done $0x0  }
0x6e: {  	[sflag:s0] =	ssyncadd.s32 $0xFFFFF380  }
0x6f: {  	[spmem:s25] =	stream.linear.scatter [tilespmem:s1], [sflag:$0x3], $0xC8, $0x38;
	[tilespmem:$0x1DC98] =	vst v63  }
0x70: {  	_ =	swait.ge [sflag:s0], $0xC8  }
0x71: {  	[sflag:s0] =	ssyncset.done $0x0  }
0x72: {  	s16 =	simm.s32 $0x20;
	s17 =	simm.s32 $0x0;
	[sflag:s0] =	ssyncadd.s32 $0xFFFFFF38  }
.LBB2_4:
0x73: {  	p0 =	sne.s32 s16, $0xC60;
	[tilespmem:s17+$0x1C5F0] =	vst.msk $0xff, v1;
	s17 =	smov.u32 s16;
	s16 =	sadd.s32 $0x20, s16  }
.Ltmp1:
0x74: {  	(pc) =	sbr.rel @p0 .LBB2_4-.Ltmp1, $2  }
0x75: {  	_ =	sdelay $0x2  }
0x76: {  	s17 =	sshra.s32 s17, $0x2  }
0x77: {  	[tilespmem:s17+$0x1C5F0] =	vst.msk $0xff, v1  }
0x78: {  	_ =	swait.ge [sflag:s9], $0x28A0  }
0x79: {  	[sflag:s9] =	ssyncset.done $0x0  }
0x7a: {  	[sflag:s9] =	ssyncadd.s32 $0xFFFFD760  }
0x7b: {  	s16 =	simm.s32 $0x0;
	[bflag:$0x0] =	sbarrier.arrive $0xFFFF  }
0x7c: {  	[tilespmem:s10], [sflag:$0x1] =	stream.linear.gather [hbm4b:s29+s16], $0x68, $0x38;
	[tilespmem:$0x1DC98] =	vst v63  }
0x7d: {  	_ = 	snop  }
0x7e: {  	[tilespmem:s31], [sflag:$0x1] =	stream.indirect.gather [hbm4b:s5+s11], $0x80, s16, s11, $0xb8;
	[tilespmem:$0x1DC98] =	vst v63  }
0x7f: {  	s23 =	rddreg [dreg:$0xd]  }
0x80: {  	[tilespmem:s12], [sflag:$0x2] =	stream.linear.gather [hbm4b:s23+s16], $0x68, $0x38;
	[tilespmem:$0x1DC98] =	vst v63  }
0x81: {  	s17 =	simm.s32 $0x68  }
0x82: {  	[tilespmem:s13], [sflag:$0x2] =	stream.indirect.gather [hbm4b:s5+s11], $0x80, s17, s11, $0xb8;
	[tilespmem:$0x1DC98] =	vst v63  }
0x83: {  	_ =	swait.ge [sflag:s9], $0x68  }
0x84: {  	[sflag:s9] =	ssyncset.done $0x0  }
0x85: {  	[sflag:s9] =	ssyncadd.s32 $0xFFFFFF98  }
0x86: {  	_ =	swait.ge [sflag:s9], $0x3200  }
0x87: {  	[sflag:s9] =	ssyncset.done $0x0  }
0x88: {  	[sflag:s9] =	ssyncadd.s32 $0xFFFFCE00  }
0x89: {  	[spmem:s2] =	stream.indirect.scatter.add.f32 [tilespmem:s31], [sflag:$0x3], $0x80, s10, s11, $0xb8;
	[tilespmem:$0x1DC98] =	vst v63  }
0x8a: {  	_ =	swait.ge [sflag:s0], $0x3200  }
0x8b: {  	[sflag:s0] =	ssyncset.done $0x0  }
0x8c: {  	[sflag:s0] =	ssyncadd.s32 $0xFFFFCE00  }
0x8d: {  	[spmem:s3] =	stream.indirect.scatter.add.f32 [tilespmem:s1], [sflag:$0x3], $0x8, s10, s11, $0xb8;
	[tilespmem:$0x1DC98] =	vst v63  }
0x8e: {  	_ =	swait.ge [sflag:s0], $0x320  }
0x8f: {  	[sflag:s0] =	ssyncset.done $0x0  }
0x90: {  	s21 =	sadd.s32 $0x0, s20;
	[sflag:s0] =	ssyncadd.s32 $0xFFFFFCE0  }
0x91: {  	[tilespmem:s10], [sflag:$0x1] =	stream.linear.gather [hbm4b:s21+s4], $0x68, $0x38;
	[tilespmem:$0x1DC98] =	vst v63  }
0x92: {  	s22 =	simm.s32 $0xD0  }
0x93: {  	[tilespmem:s31], [sflag:$0x1] =	stream.indirect.gather [hbm4b:s5+s11], $0x80, s22, s11, $0xb8;
	[tilespmem:$0x1DC98] =	vst v63  }
0x94: {  	_ =	swait.ge [sflag:s14], $0x68  }
0x95: {  	[sflag:s14] =	ssyncset.done $0x0  }
0x96: {  	[sflag:s14] =	ssyncadd.s32 $0xFFFFFF98  }
0x97: {  	_ =	swait.ge [sflag:s14], $0x3200  }
0x98: {  	[sflag:s14] =	ssyncset.done $0x0  }
0x99: {  	[sflag:s14] =	ssyncadd.s32 $0xFFFFCE00  }
0x9a: {  	[spmem:s2] =	stream.indirect.scatter.add.f32 [tilespmem:s13], [sflag:$0x3], $0x80, s12, s11, $0xb8;
	[tilespmem:$0x1DC98] =	vst v63  }
0x9b: {  	_ =	swait.ge [sflag:s0], $0x3200  }
0x9c: {  	[sflag:s0] =	ssyncset.done $0x0  }
0x9d: {  	[sflag:s0] =	ssyncadd.s32 $0xFFFFCE00  }
0x9e: {  	[spmem:s3] =	stream.indirect.scatter.add.f32 [tilespmem:s1], [sflag:$0x3], $0x8, s12, s11, $0xb8;
	[tilespmem:$0x1DC98] =	vst v63  }
0x9f: {  	_ =	swait.ge [sflag:s0], $0x320  }
0xa0: {  	s23 =	sadd.s32 $0x0, s19;
	s16 =	simm.s32 $0x138;
	[sflag:s0] =	ssyncset.done $0x0  }
0xa1: {  	s17 =	simm.s32 $0x1A;
	s21 =	simm.s32 $0x208;
	[sflag:s0] =	ssyncadd.s32 $0xFFFFFCE0  }
0xa2: {  	[tilespmem:s12], [sflag:$0x2] =	stream.linear.gather [hbm4b:s23+s4], $0x68, $0x38;
	[tilespmem:$0x1DC98] =	vst v63  }
.LBB2_6:
0xa3: {  	[tilespmem:s13], [sflag:$0x2] =	stream.indirect.gather [hbm4b:s5+s11], $0x80, s16, s11, $0xb8;
	[tilespmem:$0x1DC98] =	vst v63  }
0xa4: {  	s22 =	smov.u32 s17;
	s16 =	smov.u32 s21  }
0xa5: {  	p0 =	sne.s32 s17, $0x4C6;
	s17 =	sadd.s32 $0x1A, s17;
	_ =	swait.ge [sflag:s9], $0x68  }
0xa6: {  	[sflag:s9] =	ssyncset.done $0x0  }
0xa7: {  	[sflag:s9] =	ssyncadd.s32 $0xFFFFFF98  }
0xa8: {  	_ =	swait.ge [sflag:s9], $0x3200  }
0xa9: {  	[sflag:s9] =	ssyncset.done $0x0  }
0xaa: {  	[sflag:s9] =	ssyncadd.s32 $0xFFFFCE00  }
0xab: {  	[spmem:s2] =	stream.indirect.scatter.add.f32 [tilespmem:s31], [sflag:$0x3], $0x80, s10, s11, $0xb8;
	[tilespmem:$0x1DC98] =	vst v63  }
0xac: {  	_ =	swait.ge [sflag:s0], $0x3200  }
0xad: {  	[sflag:s0] =	ssyncset.done $0x0  }
0xae: {  	[sflag:s0] =	ssyncadd.s32 $0xFFFFCE00  }
0xaf: {  	[spmem:s3] =	stream.indirect.scatter.add.f32 [tilespmem:s1], [sflag:$0x3], $0x8, s10, s11, $0xb8;
	[tilespmem:$0x1DC98] =	vst v63  }
0xb0: {  	_ =	swait.ge [sflag:s0], $0x320  }
0xb1: {  	[sflag:s0] =	ssyncset.done $0x0  }
0xb2: {  	s23 =	sadd.s32 s22, s20;
	[sflag:s0] =	ssyncadd.s32 $0xFFFFFCE0  }
0xb3: {  	[tilespmem:s10], [sflag:$0x1] =	stream.linear.gather [hbm4b:s23+s4], $0x68, $0x38;
	[tilespmem:$0x1DC98] =	vst v63  }
0xb4: {  	s23 =	sadd.s32 $0xFFFFFF98, s21  }
0xb5: {  	[tilespmem:s31], [sflag:$0x1] =	stream.indirect.gather [hbm4b:s5+s11], $0x80, s23, s11, $0xb8;
	[tilespmem:$0x1DC98] =	vst v63  }
0xb6: {  	_ =	swait.ge [sflag:s14], $0x68  }
0xb7: {  	[sflag:s14] =	ssyncset.done $0x0  }
0xb8: {  	[sflag:s14] =	ssyncadd.s32 $0xFFFFFF98  }
0xb9: {  	_ =	swait.ge [sflag:s14], $0x3200  }
0xba: {  	[sflag:s14] =	ssyncset.done $0x0  }
0xbb: {  	[sflag:s14] =	ssyncadd.s32 $0xFFFFCE00  }
0xbc: {  	[spmem:s2] =	stream.indirect.scatter.add.f32 [tilespmem:s13], [sflag:$0x3], $0x80, s12, s11, $0xb8;
	[tilespmem:$0x1DC98] =	vst v63  }
0xbd: {  	_ =	swait.ge [sflag:s0], $0x3200  }
0xbe: {  	[sflag:s0] =	ssyncset.done $0x0  }
0xbf: {  	[sflag:s0] =	ssyncadd.s32 $0xFFFFCE00  }
0xc0: {  	[spmem:s3] =	stream.indirect.scatter.add.f32 [tilespmem:s1], [sflag:$0x3], $0x8, s12, s11, $0xb8;
	[tilespmem:$0x1DC98] =	vst v63  }
.Ltmp2:
0xc1: {  	_ =	swait.ge [sflag:s0], $0x320;
	(pc) =	sbr.rel @p0 .LBB2_6-.Ltmp2, $4  }
0xc2: {  	[sflag:s0] =	ssyncset.done $0x0  }
0xc3: {  	s22 =	sadd.s32 s22, s19;
	[sflag:s0] =	ssyncadd.s32 $0xFFFFFCE0  }
0xc4: {  	[tilespmem:s12], [sflag:$0x2] =	stream.linear.gather [hbm4b:s22+s4], $0x68, $0x38;
	[tilespmem:$0x1DC98] =	vst v63  }
0xc5: {  	s21 =	sadd.s32 $0xD0, s21  }
0xc6: {  	[tilespmem:s13], [sflag:$0x2] =	stream.indirect.gather [hbm4b:s5+s11], $0x80, s16, s11, $0xb8;
	[tilespmem:$0x1DC98] =	vst v63  }
0xc7: {  	_ =	swait.ge [sflag:s9], $0x68  }
0xc8: {  	[sflag:s9] =	ssyncset.done $0x0  }
0xc9: {  	[sflag:s9] =	ssyncadd.s32 $0xFFFFFF98  }
0xca: {  	_ =	swait.ge [sflag:s9], $0x3200  }
0xcb: {  	[sflag:s9] =	ssyncset.done $0x0  }
0xcc: {  	[sflag:s9] =	ssyncadd.s32 $0xFFFFCE00  }
0xcd: {  	[spmem:s2] =	stream.indirect.scatter.add.f32 [tilespmem:s31], [sflag:$0x3], $0x80, s10, s11, $0xb8;
	[tilespmem:$0x1DC98] =	vst v63  }
0xce: {  	_ =	swait.ge [sflag:s0], $0x3200  }
0xcf: {  	[sflag:s0] =	ssyncset.done $0x0  }
0xd0: {  	[sflag:s0] =	ssyncadd.s32 $0xFFFFCE00  }
0xd1: {  	[spmem:s3] =	stream.indirect.scatter.add.f32 [tilespmem:s1], [sflag:$0x3], $0x8, s10, s11, $0xb8;
	[tilespmem:$0x1DC98] =	vst v63  }
0xd2: {  	_ =	swait.ge [sflag:s0], $0x320  }
0xd3: {  	[sflag:s0] =	ssyncset.done $0x0  }
0xd4: {  	[sflag:s0] =	ssyncadd.s32 $0xFFFFFCE0  }
0xd5: {  	[tilespmem:s10], [sflag:$0x1] =	stream.linear.gather [hbm4b:s30+s4], $0x68, $0x38;
	[tilespmem:$0x1DC98] =	vst v63  }
0xd6: {  	s21 =	simm.s32 $0x27D0  }
0xd7: {  	[tilespmem:s31], [sflag:$0x1] =	stream.indirect.gather [hbm4b:s5+s11], $0x80, s21, s11, $0xb8;
	[tilespmem:$0x1DC98] =	vst v63  }
0xd8: {  	_ =	swait.ge [sflag:s14], $0x68  }
0xd9: {  	[sflag:s14] =	ssyncset.done $0x0  }
0xda: {  	[sflag:s14] =	ssyncadd.s32 $0xFFFFFF98  }
0xdb: {  	_ =	swait.ge [sflag:s14], $0x3200  }
0xdc: {  	[sflag:s14] =	ssyncset.done $0x0  }
0xdd: {  	[sflag:s14] =	ssyncadd.s32 $0xFFFFCE00  }
0xde: {  	[spmem:s2] =	stream.indirect.scatter.add.f32 [tilespmem:s13], [sflag:$0x3], $0x80, s12, s11, $0xb8;
	[tilespmem:$0x1DC98] =	vst v63  }
0xdf: {  	_ =	swait.ge [sflag:s0], $0x3200  }
0xe0: {  	[sflag:s0] =	ssyncset.done $0x0  }
0xe1: {  	[sflag:s0] =	ssyncadd.s32 $0xFFFFCE00  }
0xe2: {  	[spmem:s3] =	stream.indirect.scatter.add.f32 [tilespmem:s1], [sflag:$0x3], $0x8, s12, s11, $0xb8;
	[tilespmem:$0x1DC98] =	vst v63  }
0xe3: {  	_ =	swait.ge [sflag:s0], $0x320  }
0xe4: {  	[sflag:s0] =	ssyncset.done $0x0  }
0xe5: {  	[sflag:s0] =	ssyncadd.s32 $0xFFFFFCE0  }
0xe6: {  	[tilespmem:s12], [sflag:$0x2] =	stream.linear.gather [hbm4b:s18+s4], $0x68, $0x38;
	[tilespmem:$0x1DC98] =	vst v63  }
0xe7: {  	_ = 	snop  }
0xe8: {  	[tilespmem:s13], [sflag:$0x2] =	stream.indirect.gather [hbm4b:s5+s11], $0x80, s15, s11, $0xb8;
	[tilespmem:$0x1DC98] =	vst v63  }
0xe9: {  	_ =	swait.ge [sflag:s9], $0x68  }
0xea: {  	[sflag:s9] =	ssyncset.done $0x0  }
0xeb: {  	[sflag:s9] =	ssyncadd.s32 $0xFFFFFF98  }
0xec: {  	_ =	swait.ge [sflag:s9], $0x3200  }
0xed: {  	[sflag:s9] =	ssyncset.done $0x0  }
0xee: {  	[sflag:s9] =	ssyncadd.s32 $0xFFFFCE00  }
0xef: {  	[spmem:s2] =	stream.indirect.scatter.add.f32 [tilespmem:s31], [sflag:$0x3], $0x80, s10, s11, $0xb8;
	[tilespmem:$0x1DC98] =	vst v63  }
0xf0: {  	_ =	swait.ge [sflag:s0], $0x3200  }
0xf1: {  	[sflag:s0] =	ssyncset.done $0x0  }
0xf2: {  	[sflag:s0] =	ssyncadd.s32 $0xFFFFCE00  }
0xf3: {  	[spmem:s3] =	stream.indirect.scatter.add.f32 [tilespmem:s1], [sflag:$0x3], $0x8, s10, s11, $0xb8;
	[tilespmem:$0x1DC98] =	vst v63  }
0xf4: {  	_ =	swait.ge [sflag:s0], $0x320  }
0xf5: {  	[sflag:s0] =	ssyncset.done $0x0  }
0xf6: {  	[sflag:s0] =	ssyncadd.s32 $0xFFFFFCE0  }
0xf7: {  	[tilespmem:s10], [sflag:$0x1] =	stream.linear.gather [hbm4b:s18+s4], $0x68, $0x38;
	[tilespmem:$0x1DC98] =	vst v63  }
0xf8: {  	_ = 	snop  }
0xf9: {  	[tilespmem:s31], [sflag:$0x1] =	stream.indirect.gather [hbm4b:s5+s11], $0x80, s15, s11, $0xb8;
	[tilespmem:$0x1DC98] =	vst v63  }
0xfa: {  	_ =	swait.ge [sflag:s14], $0x68  }
0xfb: {  	[sflag:s14] =	ssyncset.done $0x0  }
0xfc: {  	[sflag:s14] =	ssyncadd.s32 $0xFFFFFF98  }
0xfd: {  	_ =	swait.ge [sflag:s14], $0x3200  }
0xfe: {  	[sflag:s14] =	ssyncset.done $0x0  }
0xff: {  	[sflag:s14] =	ssyncadd.s32 $0xFFFFCE00  }
0x100: {  	[spmem:s2] =	stream.indirect.scatter.add.f32 [tilespmem:s13], [sflag:$0x3], $0x80, s12, s11, $0xb8;
	[tilespmem:$0x1DC98] =	vst v63  }
0x101: {  	_ =	swait.ge [sflag:s0], $0x3200  }
0x102: {  	[sflag:s0] =	ssyncset.done $0x0  }
0x103: {  	[sflag:s0] =	ssyncadd.s32 $0xFFFFCE00  }
0x104: {  	[spmem:s3] =	stream.indirect.scatter.add.f32 [tilespmem:s1], [sflag:$0x3], $0x8, s12, s11, $0xb8;
	[tilespmem:$0x1DC98] =	vst v63  }
0x105: {  	_ =	swait.ge [sflag:s0], $0x320  }
0x106: {  	[sflag:s0] =	ssyncset.done $0x0  }
0x107: {  	[sflag:s0] =	ssyncadd.s32 $0xFFFFFCE0  }
0x108: {  	[tilespmem:s12], [sflag:$0x2] =	stream.linear.gather [hbm4b:s18+s4], $0x68, $0x38;
	[tilespmem:$0x1DC98] =	vst v63  }
0x109: {  	_ = 	snop  }
0x10a: {  	[tilespmem:s13], [sflag:$0x2] =	stream.indirect.gather [hbm4b:s5+s11], $0x80, s15, s11, $0xb8;
	[tilespmem:$0x1DC98] =	vst v63  }
0x10b: {  	_ =	swait.ge [sflag:s9], $0x68  }
0x10c: {  	[sflag:s9] =	ssyncset.done $0x0  }
0x10d: {  	[sflag:s9] =	ssyncadd.s32 $0xFFFFFF98  }
0x10e: {  	_ =	swait.ge [sflag:s9], $0x3200  }
0x10f: {  	[sflag:s9] =	ssyncset.done $0x0  }
0x110: {  	[sflag:s9] =	ssyncadd.s32 $0xFFFFCE00  }
0x111: {  	_ =	swait.ge [sflag:s14], $0x68  }
0x112: {  	[sflag:s14] =	ssyncset.done $0x0  }
0x113: {  	[sflag:s14] =	ssyncadd.s32 $0xFFFFFF98  }
0x114: {  	_ =	swait.ge [sflag:s14], $0x3200  }
0x115: {  	s22 =	stileid.u32;
	[sflag:s14] =	ssyncset.done $0x0  }
0x116: {  	s16 =	sshll.u32 s22, $0x6;
	[sflag:s14] =	ssyncadd.s32 $0xFFFFCE00  }
0x117: {  	s17 =	sshrl.u32 s7, $0x3;
	s16 =	sor.u32 $0x1C03, s16;
	[bflag:$0x0] =	sbarrier.arrive $0xFFFF  }
0x118: {  	[hbm:s26], [sflag:s16] =	dma.local [spmem:s17], $0x2710  }
0x119: {  	s6 =	sadd.s32 $0x1, s6;
	_ =	swait.ge [sflag:s0], $0x2710  }
0x11a: {  	s23 =	sshrl.u32 s8, $0x3;
	p0 =	sne.s32 s6, s28;
	[sflag:s0] =	ssyncset.done $0x0  }
.Ltmp3:
0x11b: {  	s21 =	rddreg [dreg:$0xb];
	[sflag:s0] =	ssyncadd.s32 $0xFFFFD8F0;
	(pc) =	sbr.rel @p0 .LBB2_1-.Ltmp3, $4  }
0x11c: {  	[hbm:s21], [sflag:s16] =	dma.local [spmem:s23], $0x271  }
0x11d: {  	_ =	swait.ge [sflag:s0], $0x271  }
0x11e: {  	[sflag:s0] =	ssyncset.done $0x0  }
0x11f: {  	[sflag:s0] =	ssyncadd.s32 $0xFFFFFD8F  }
0x120: {  	_ =	sfence.sel $0x180000  }
0x121: {  	[bflag:$0x0] =	sbarrier.arrive $0xFFFF  }
0x122: {  	_ =	strace $0x90000047  }
0x123: {  	s0 =	stileid.u32;
	[bflag:$0x2] =	sbarrier.arrive $0xFFFF  }
0x124: {  	p0 =	sne.s32 s0, $0x0;
	s0 =	rddreg [dreg:$0x4]  }
0x125: {  	s0 =	sadd.s32 @!p0 $0x100000, s0  }
0x126: {  	[sflag:s0] =	ssyncadd.tile.s32 @!p0 $0x1;
	_ =	shalt  }
.Lfunc_end2:
_tile_overlayer_lowered:
.L_overlay_start_2:
0x127: {  	(tag) =	ssettag $0x2  }
0x128: {  	s0 =	rddreg [dreg:$0x0];
	s2 =	stileid.u32  }
0x129: {  	s1 =	rddreg [dreg:$0x1];
	p0 =	sne.s32 s2, $0x0  }
0x12a: {  	s3 =	rddreg [dreg:$0x2];
	[bflag:$0x3] =	sbarrier.arrive $0xFFFF;
	s2 =	simm.s32 @!p0 $0x1C03  }
0x12b: {  	[timem:s3], [sflag:s2] =	dma.local @!p0 [hbm:s0], s1  }
0x12c: {  	s0 =	simm.s32 @!p0 $0x3  }
0x12d: {  	_ =	swait.ge @!p0 [sflag:s0], s1  }
0x12e: {  	s1 =	ssub.s32 @!p0 $0x0, s1;
	[sflag:s0] =	ssyncset.done @!p0 $0x0  }
0x12f: {  	[sflag:s0] =	ssyncadd.s32 @!p0 s1  }
0x130: {  	[bflag:$0x3] =	sbarrier.arrive $0xFFFF  }
0x131: {  	_ =	shalt  }

// kernel: kernel.13.cloned.1.call-start
scs
__scs_entry_jumppad:
0x0: {  	(pc) =	sbr.rel $0x88, $3  }
0x1: {  	(tag) =	ssettag $0x0;
	lr =	simm.s32 $0x1  }
0x2: {  	[smem:$0x3F94] =	sst lr;
	_ =	strace $0xD0000000  }
0x3: {  	_ = 	snop  }
0x4: {  	_ = 	snop  }
0x5: {  	_ = 	snop  }
0x6: {  	_ = 	snop  }
0x7: {  	_ = 	snop  }
__scs_overlays_trampoline_lowered:
0x8: {  	[smem:$0x3FA3] =	sst s0  }
0x9: {  	[smem:$0x3FA4] =	sst s1  }
0xa: {  	[smem:$0x3FA5] =	sst s2  }
0xb: {  	[smem:$0x3FA6] =	sst s3  }
0xc: {  	[smem:$0x3FA7] =	sst s4  }
0xd: {  	[smem:$0x3FA8] =	sst s5  }
0xe: {  	[smem:$0x3FA9] =	sst s6  }
0xf: {  	[smem:$0x3FAA] =	sst s7  }
0x10: {  	[smem:$0x3FAB] =	sst s8  }
0x11: {  	[smem:$0x3FAC] =	sst s9;
	s0 =	simm.s32 @!p0 $0x0  }
0x12: {  	s1 =	sld [smem:$0x3F92];
	s0 =	simm.s32 @p0 $0x1  }
0x13: {  	[smem:$0x3FAD] =	sst s0;
	s0 =	simm.s32 @!p1 $0x0  }
0x14: {  	s2 =	sld [smem:$0x3F91];
	s0 =	simm.s32 @p1 $0x1  }
0x15: {  	[smem:$0x3FAE] =	sst s0;
	s0 =	simm.s32 @!p2 $0x0  }
0x16: {  	s3 =	sld [smem:$0x3FDB];
	s0 =	simm.s32 @p2 $0x1  }
0x17: {  	s4 =	simm.s32 $0x1BF5;
	[smem:$0x3FB0] =	sst s0  }
0x18: {  	s0 =	sld [smem:$0x3F93];
	_ =	swait.ge [sflag:s4], $0x0  }
0x19: {  	s7 =	sld [smem:$0x3F94]  }
0x1a: {  	s8 =	sadd.s32 $0xFFFFE003, lr  }
0x1b: {  	s9 =	sadd.s32 $0xFFFFFEF7, lr;
	s5 =	simm.s32 $0xFFFFFFFF;
	p2 =	slt.u32 s8, $0xFFFFF086  }
0x1c: {  	p1 =	slt.u32 s9, $0xF7A;
	s5 =	simm.s32 @!p2 $0x0  }
0x1d: {  	s5 =	simm.s32 @p1 $0x1;
	p0 =	seq.s32 s7, s2  }
0x1e: {  	s7 =	smul.u32 @!p0 $0xF7A, s2;
	p2 =	seq.s32 @!p0 s5, $0x0  }
0x1f: {  	s9 =	smul.u32 $0xF7A, s1;
	s8 =	simm.s32 @!p0 $0x1BF5;
	p2 =	por !p2, p0  }
0x20: {  	[sflag:s8] =	ssyncset.s32 @!p0 $0xFFFFF086;
	s6 =	sadd.s32 @!p0 s3, s7;
	s7 =	simm.s32 @!p0 $0x108  }
0x21: {  	s3 =	sadd.s32 s3, s9;
	s6 =	sadd.s32 @!p0 $0x88, s6;
	s7 =	simm.s32 @p2 $0x1082  }
0x22: {  	[simem:s7], [sflag:s8] =	dma.local @!p0 [hbm:s6], $0xF7A  }
0x23: {  	s9 =	sor.u32 $0xD0000000, s2;
	s6 =	simm.s32 $0x108;
	_ =	swait.ge @!p0 [sflag:s8], $0x0  }
0x24: {  	s3 =	sadd.s32 $0x88, s3;
	s6 =	simm.s32 @!p1 $0x1082;
	[sflag:s4] =	ssyncset.s32 $0xFFFFF086  }
0x25: {  	[simem:s6], [sflag:s4] =	dma.local [hbm:s3], $0xF7A  }
0x26: {  	[smem:$0x3F94] =	sst s1;
	(tag) =	ssettag s2;
	_ =	strace s9  }
0x27: {  	s1 =	sld [smem:$0x3FA4]  }
0x28: {  	s2 =	sld [smem:$0x3FA5]  }
0x29: {  	s4 =	sld [smem:$0x3FA7]  }
0x2a: {  	p0 =	seq.s32 s5, $0x0;
	s5 =	sld [smem:$0x3FA8]  }
0x2b: {  	s6 =	sld [smem:$0x3FA9]  }
0x2c: {  	s7 =	sld [smem:$0x3FAA]  }
0x2d: {  	s3 =	simm.s32 $0x108;
	s8 =	sld [smem:$0x3FAB]  }
0x2e: {  	s3 =	simm.s32 @!p0 $0x1082;
	s9 =	sld [smem:$0x3FAC]  }
0x2f: {  	lr =	sadd.s32 s0, s3;
	s0 =	sld [smem:$0x3FA3]  }
0x30: {  	s3 =	sld [smem:$0x3FA6]  }
0x31: {  	[smem:$0x3FAF] =	sst s10  }
0x32: {  	s10 =	sld [smem:$0x3FAD];
	_ =	sdelay $0x3  }
0x33: {  	p0 =	seq.s32 s10, $0x1;
	s10 =	sld [smem:$0x3FAF];
	_ =	sdelay $0x3  }
0x34: {  	[smem:$0x3FAF] =	sst s10  }
0x35: {  	s10 =	sld [smem:$0x3FAE];
	_ =	sdelay $0x3  }
0x36: {  	p1 =	seq.s32 s10, $0x1;
	s10 =	sld [smem:$0x3FAF];
	_ =	sdelay $0x3  }
0x37: {  	[smem:$0x3FAF] =	sst s10  }
0x38: {  	s10 =	sld [smem:$0x3FB0]  }
0x39: {  	_ = 	snop;
	(pc) =	sbr.ind lr, $3  }
0x3a: {  	_ = 	snop  }
0x3b: {  	_ = 	snop  }
0x3c: {  	p2 =	seq.s32 s10, $0x1;
	s10 =	sld [smem:$0x3FAF]  }
0x3d: {  	_ =	shalt  }
0x3e: {  	_ =	shalt  }
0x3f: {  	_ =	shalt  }
0x40: {  	_ =	shalt  }
0x41: {  	_ =	shalt  }
0x42: {  	_ =	shalt  }
0x43: {  	_ =	shalt  }
0x44: {  	_ =	shalt  }
0x45: {  	_ =	shalt  }
0x46: {  	_ =	shalt  }
0x47: {  	_ =	shalt  }
0x48: {  	_ =	shalt  }
0x49: {  	_ =	shalt  }
0x4a: {  	_ =	shalt  }
0x4b: {  	_ =	shalt  }
0x4c: {  	_ =	shalt  }
0x4d: {  	_ =	shalt  }
0x4e: {  	_ =	shalt  }
0x4f: {  	_ =	shalt  }
0x50: {  	_ =	shalt  }
0x51: {  	_ =	shalt  }
0x52: {  	_ =	shalt  }
0x53: {  	_ =	shalt  }
0x54: {  	_ =	shalt  }
0x55: {  	_ =	shalt  }
0x56: {  	_ =	shalt  }
0x57: {  	_ =	shalt  }
0x58: {  	_ =	shalt  }
0x59: {  	_ =	shalt  }
0x5a: {  	_ =	shalt  }
0x5b: {  	_ =	shalt  }
0x5c: {  	_ =	shalt  }
0x5d: {  	_ =	shalt  }
0x5e: {  	_ =	shalt  }
0x5f: {  	_ =	shalt  }
0x60: {  	_ =	shalt  }
0x61: {  	_ =	shalt  }
0x62: {  	_ =	shalt  }
0x63: {  	_ =	shalt  }
0x64: {  	_ =	shalt  }
0x65: {  	_ =	shalt  }
0x66: {  	_ =	shalt  }
0x67: {  	_ =	shalt  }
0x68: {  	_ =	shalt  }
0x69: {  	_ =	shalt  }
0x6a: {  	_ =	shalt  }
0x6b: {  	_ =	shalt  }
0x6c: {  	_ =	shalt  }
0x6d: {  	_ =	shalt  }
0x6e: {  	_ =	shalt  }
0x6f: {  	_ =	shalt  }
0x70: {  	_ =	shalt  }
0x71: {  	_ =	shalt  }
0x72: {  	_ =	shalt  }
0x73: {  	_ =	shalt  }
0x74: {  	_ =	shalt  }
0x75: {  	_ =	shalt  }
0x76: {  	_ =	shalt  }
0x77: {  	_ =	shalt  }
0x78: {  	_ =	shalt  }
0x79: {  	_ =	shalt  }
0x7a: {  	_ =	shalt  }
0x7b: {  	_ =	shalt  }
0x7c: {  	_ =	shalt  }
0x7d: {  	_ =	shalt  }
0x7e: {  	_ =	shalt  }
0x7f: {  	_ =	shalt  }
0x80: {  	_ =	shalt  }
0x81: {  	_ =	shalt  }
0x82: {  	_ =	shalt  }
0x83: {  	_ =	shalt  }
0x84: {  	_ =	shalt  }
0x85: {  	_ =	shalt  }
0x86: {  	_ =	shalt  }
0x87: {  	_ =	shalt  }
.Lfunc_end0:
.L_simem_size_0:
called_computation.1_lowered:
.L_overlay_start_0:
0x88: {  	s2 =	sld [smem:$0x3FD9]  }
0x89: {  	s3 =	sld [smem:$0x3FFE];
	_ =	sdelay $0x1  }
0x8a: {  	s1 =	srdreg.scid  }
0x8b: {  	s0 =	sand.u32 $0x1, s1  }
0x8c: {  	s16 =	sshll.u32 s0, $0xA;
	s2 =	sadd.s32 s3, s2  }
0x8d: {  	s2 =	sadd.s32 s2, s16  }
0x8e: {  	[smem:$0x3FBB] =	sst s2  }
0x8f: {  	_ = 	snop  }
0x90: {  	(tm) =	ssettm $0x1  }
0x91: {  	s17 =	sld [smem:$0x3FFB];
	_ =	sdelay $0x3  }
0x92: {  	_ =	strace s17  }
0x93: {  	s2 =	sld [smem:$0x3FFC];
	_ =	sdelay $0x3  }
0x94: {  	_ =	strace s2  }
0x95: {  	s2 =	sld [smem:$0x3FFD];
	_ =	sdelay $0x3  }
0x96: {  	_ =	strace s2  }
0x97: {  	_ =	strace $0x8FFFFFFF  }
0x98: {  	s18 =	sld [smem:$0x3FDB];
	_ =	sdelay $0x1  }
0x99: {  	s19 =	simm.s32 $_scs_section_size  }
0x9a: {  	s4 =	simm.s32 $_size__tile_overlayer_lowered;
	s5 =	simm.s32 $_tile_overlayer_lowered  }
0x9b: {  	s22 =	simm.s32 $0x1BFF;
	s21 =	sshll.u32 s5, $0x1;
	s2 =	sadd.s32 s19, s18  }
0x9c: {  	s6 =	simm.s32 $0x0;
	s20 =	sshll.u32 s4, $0x1;
	s4 =	sadd.s32 s21, s2  }
0x9d: {  	[timem:s6], [sflag:s22] =	dma.local [hbm:s4], s20  }
0x9e: {  	_ =	swait.ge [sflag:s22], s20  }
0x9f: {  	s3 =	ssub.s32 $0x0, s20;
	[sflag:s22] =	ssyncset.done $0x0  }
0xa0: {  	[sflag:s22] =	ssyncadd.s32 s3;
	_ =	sdelay $0x1  }
0xa1: {  	s23 =	simm.s32 $0x1B8B  }
0xa2: {  	_ =	swait.ge [sflag:s23], $0x1  }
0xa3: {  	[sflag:s23] =	ssyncset.done $0x0  }
0xa4: {  	s25 =	simm.s32 $0x1B8E;
	s24 =	sld [smem:$0x3FFE];
	[sflag:s23] =	ssyncadd.s32 $0xFFFFFFFF  }
0xa5: {  	s26 =	simm.s32 $execute0_lowered;
	[smem:$0x3FD2] =	sst s25  }
0xa6: {  	s4 =	sshll.u32 s26, $0x1;
	_ =	strace $0x80000049;
	[dreg:$0x1] =	wrdreg $0xFFFFFFFF  }
0xa7: {  	s28 =	simm.s32 $_size_execute0_lowered;
	s2 =	sadd.s32 s2, s4;
	[dreg:$0x0] =	wrdreg $0x0  }
0xa8: {  	s4 =	sshll.u32 s28, $0x1;
	[dreg:$0x2] =	wrdreg s2  }
0xa9: {  	[dreg:$0x3] =	wrdreg s4  }
0xaa: {  	[dreg:$0x4] =	wrdreg $0xC0  }
0xab: {  	_ =	task [dreg:s6], $0x5FFFF  }
0xac: {  	[dreg:$0x1] =	wrdreg $0xFFFFFFFF  }
0xad: {  	[dreg:$0x0] =	wrdreg $0x60  }
0xae: {  	[dreg:$0x2] =	wrdreg s24  }
0xaf: {  	[dreg:$0x3] =	wrdreg $0x8D700  }
0xb0: {  	[dreg:$0x4] =	wrdreg $0x9  }
0xb1: {  	_ =	task.clear_ibuf [dreg:s6], $0x5FFFF;
	_ =	strace $0x90000049  }
0xb2: {  	s29 =	simm.s32 $0x9;
	_ =	strace $0x8000004B  }
0xb3: {  	_ =	swait.ge [sflag:s29], $0x1  }
0xb4: {  	[sflag:s29] =	ssyncadd.s32 $0xFFFFFFFF  }
0xb5: {  	_ =	strace $0x9000004B  }
0xb6: {  	_ =	sfence  }
0xb7: {  	s30 =	sld [smem:$0x0];
	_ =	sdelay $0x2  }
0xb8: {  	s31 =	sshll.u32 s1, $0xD;
	s1 =	sshrl.u32 s1, $0x2  }
0xb9: {  	s3 =	sand.u32 $0x4000, s31;
	s1 =	sadd.s32 s1, s30  }
0xba: {  	s0 =	sor.u32 s3, s0;
	s1 =	sshll.u32 s1, $0x11  }
0xbb: {  	s0 =	sor.u32 s1, s0  }
0xbc: {  	s0 =	sadd.s32 $0x8F2B, s0  }
0xbd: {  	[sflag:s0] =	ssyncadd.remote.s32 $0x1  }
0xbe: {  	_ =	sfence.sel $0xFFFF  }
0xbf: {  	[dreg:$0x0] =	wrdreg $0xFFFFFFFF;
	(pc) =	sbr.abs _section_cstart, $3  }
0xc0: {  	[dreg:$0x1] =	wrdreg $0xFFFFFFFF  }
0xc1: {  	_ =	task.clear_ibuf [dreg:s6], $0x2FFFF;
	_ =	strace $0x9FFFFFFF  }
0xc2: {  	(tm) =	ssettm $0x7FFFFFFF  }
0xc3: {  	_ =	shalt  }
tec
execute0_lowered:
.L_overlay_start_1:
0x0: {  	(tag) =	ssettag $0x1  }
0x1: {  	s0 =	rddreg [dreg:$0x0]  }
0x2: {  	s2 =	rddreg [dreg:$0x1]  }
0x3: {  	s3 =	simm.s32 $0x0;
	s1 =	srdreg.scid;
	s14 =	stileid.u32  }
0x4: {  	s29 =	simm.s32 $0x5B70;
	s30 =	simm.s32 $0x2;
	s6 =	smul.u32 $0x13880, s14  }
0x5: {  	[smem:$0x7FF] =	sst s3;
	s1 =	sand.u32 $0x1, s1;
	s9 =	smul.u32 $0x4E200, s14  }
0x6: {  	s4 =	sadd.s32 $0x18600, s0;
	s7 =	sadd.s32 $0x4000, s0;
	s18 =	smul.u32 $0x5140, s14  }
0x7: {  	s8 =	sshll.u32 s14, $0x1;
	_ =	strace $0x8000004A;
	s5 =	smul.u32 $0x138800, s1  }
0x8: {  	s8 =	sor.u32 s1, s8;
	s10 =	ssub.s32 $0x2, s1;
	s1 =	smul.u32 $0x28A0, s1  }
0x9: {  	s17 =	smul.u32 $0x28A0, s8;
	s21 =	sshrl.u32 s10, $0x1;
	s22 =	sshrl.u32 s9, $0x2  }
0xa: {  	s5 =	sadd.s32 s6, s5;
	s16 =	ssub.s32 s10, s21;
	s12 =	sadd.s32 s22, s2  }
0xb: {  	s6 =	sadd.s32 s6, s2;
	s1 =	sadd.s32 s1, s18;
	s21 =	simm.s32 $0x2970  }
0xc: {  	s22 =	simm.s32 $0x3;
	s5 =	sshrl.u32 s5, $0x3;
	s23 =	sshrl.u32 s17, $0x3  }
0xd: {  	s8 =	sadd.s32 $0x3200, s12;
	s24 =	sadd.s32 $0x6400, s12;
	s25 =	sadd.s32 $0x9600, s12  }
0xe: {  	s10 =	sadd.s32 $0xC800, s12;
	s11 =	sadd.s32 $0xFA00, s12;
	s13 =	sadd.s32 $0x51468, s17  }
0xf: {  	s12 =	sadd.s32 $0x12C00, s12;
	s16 =	smax.u32 s16, $0x1;
	s28 =	sadd.s32 $0x53C38, s17  }
0x10: {  	s18 =	sadd.s32 $0x51538, s1;
	s1 =	sadd.s32 $0x514D0, s1;
	[dreg:$0x3] =	wrdreg s8  }
0x11: {  	s0 =	sadd.s32 s5, s0;
	s5 =	sadd.s32 s7, s23;
	[dreg:$0x4] =	wrdreg s24  }
0x12: {  	[dreg:$0x5] =	wrdreg s25;
	s26 =	sshrl.u32 s13, $0x3;
	s31 =	sshrl.u32 s18, $0x3  }
0x13: {  	s1 =	sshrl.u32 s1, $0x3;
	s23 =	simm.s32 $0x1;
	s24 =	simm.s32 $0x28A0  }
0x14: {  	s25 =	simm.s32 $0x64;
	s13 =	sadd.s32 $0xA280, s5;
	s14 =	sadd.s32 s7, s26  }
0x15: {  	s15 =	sadd.s32 $0x66A00, s0;
	s0 =	sshrl.u32 s28, $0x3;
	s18 =	sadd.s32 $0xA77A, s5  }
0x16: {  	s19 =	sadd.s32 s31, s7;
	s20 =	sadd.s32 s1, s7;
	s26 =	simm.s32 $0x2908  }
0x17: {  	v0 =	vimm.f32 $0.0e+00;
	s1 =	simm.s32 $0x0;
	s17 =	sadd.s32 s7, s0;
	s0 =	simm.s32 $0x2838  }
.LBB2_1:
0x18: {  	[tilespmem:s3], [sflag:$0x1] =	stream.linear.gather [hbm4b:s5+s3], $0x28A0, $0x38;
	[tilespmem:$0x1C5F0] =	vst v63  }
0x19: {  	s7 =	simm.s32 $0x0;
	s28 =	simm.s32 $0x200  }
.LBB2_2:
0x1a: {  	p0 =	sne.s32 s28, $0xC600;
	[tilespmem:s7+$0x29E0] =	vst v0  }
0x1b: {  	[tilespmem:s7+$0x2970] =	vst v0  }
0x1c: {  	[tilespmem:s7+$0x2980] =	vst v0  }
.Ltmp0:
0x1d: {  	[tilespmem:s7+$0x2990] =	vst v0;
	(pc) =	sbr.rel @p0 .LBB2_2-.Ltmp0, $4  }
0x1e: {  	[tilespmem:s7+$0x29A0] =	vst v0  }
0x1f: {  	[tilespmem:s7+$0x29B0] =	vst v0  }
0x20: {  	[tilespmem:s7+$0x29C0] =	vst v0  }
0x21: {  	[tilespmem:s7+$0x29D0] =	vst v0;
	s7 =	sshra.s32 s28, $0x2;
	s28 =	sadd.s32 $0x200, s28  }
0x22: {  	[tilespmem:s7+$0x29E0] =	vst v0  }
0x23: {  	[tilespmem:s7+$0x2970] =	vst v0  }
0x24: {  	[tilespmem:s7+$0x2980] =	vst v0  }
0x25: {  	[tilespmem:s7+$0x2990] =	vst v0  }
0x26: {  	[tilespmem:s7+$0x29A0] =	vst v0  }
0x27: {  	[tilespmem:s7+$0x29B0] =	vst v0  }
0x28: {  	[tilespmem:s7+$0x29C0] =	vst v0  }
0x29: {  	[tilespmem:s7+$0x29D0] =	vst v0  }
0x2a: {  	[spmem:s6] =	stream.linear.scatter [tilespmem:s21], [sflag:$0x3], $0x3200, $0x38;
	[tilespmem:$0x1C5F0] =	vst v63  }
0x2b: {  	_ =	swait.ge [sflag:s22], $0x3200  }
0x2c: {  	[sflag:s22] =	ssyncset.done $0x0  }
0x2d: {  	s8 =	rddreg [dreg:$0x3];
	[sflag:s22] =	ssyncadd.s32 $0xFFFFCE00  }
0x2e: {  	[spmem:s8] =	stream.linear.scatter [tilespmem:s21], [sflag:$0x3], $0x3200, $0x38;
	[tilespmem:$0x1C5F0] =	vst v63  }
0x2f: {  	_ =	swait.ge [sflag:s22], $0x3200  }
0x30: {  	[sflag:s22] =	ssyncset.done $0x0  }
0x31: {  	s9 =	rddreg [dreg:$0x4];
	[sflag:s22] =	ssyncadd.s32 $0xFFFFCE00  }
0x32: {  	[spmem:s9] =	stream.linear.scatter [tilespmem:s21], [sflag:$0x3], $0x3200, $0x38;
	[tilespmem:$0x1C5F0] =	vst v63  }
0x33: {  	_ =	swait.ge [sflag:s22], $0x3200  }
0x34: {  	[sflag:s22] =	ssyncset.done $0x0  }
0x35: {  	s8 =	rddreg [dreg:$0x5];
	[sflag:s22] =	ssyncadd.s32 $0xFFFFCE00  }
0x36: {  	[spmem:s8] =	stream.linear.scatter [tilespmem:s21], [sflag:$0x3], $0x3200, $0x38;
	[tilespmem:$0x1C5F0] =	vst v63  }
0x37: {  	_ =	swait.ge [sflag:s22], $0x3200  }
0x38: {  	[sflag:s22] =	ssyncset.done $0x0  }
0x39: {  	[sflag:s22] =	ssyncadd.s32 $0xFFFFCE00  }
0x3a: {  	[spmem:s10] =	stream.linear.scatter [tilespmem:s21], [sflag:$0x3], $0x3200, $0x38;
	[tilespmem:$0x1C5F0] =	vst v63  }
0x3b: {  	_ =	swait.ge [sflag:s22], $0x3200  }
0x3c: {  	[sflag:s22] =	ssyncset.done $0x0  }
0x3d: {  	[sflag:s22] =	ssyncadd.s32 $0xFFFFCE00  }
0x3e: {  	[spmem:s11] =	stream.linear.scatter [tilespmem:s21], [sflag:$0x3], $0x3200, $0x38;
	[tilespmem:$0x1C5F0] =	vst v63  }
0x3f: {  	_ =	swait.ge [sflag:s22], $0x3200  }
0x40: {  	[sflag:s22] =	ssyncset.done $0x0  }
0x41: {  	[sflag:s22] =	ssyncadd.s32 $0xFFFFCE00  }
0x42: {  	[spmem:s12] =	stream.linear.scatter [tilespmem:s21], [sflag:$0x3], $0xC80, $0x38;
	[tilespmem:$0x1C5F0] =	vst v63  }
0x43: {  	_ =	swait.ge [sflag:s22], $0xC80  }
0x44: {  	[sflag:s22] =	ssyncset.done $0x0  }
0x45: {  	[sflag:s22] =	ssyncadd.s32 $0xFFFFF380  }
0x46: {  	_ =	swait.ge [sflag:s23], $0x28A0  }
0x47: {  	[sflag:s23] =	ssyncset.done $0x0  }
0x48: {  	[sflag:s23] =	ssyncadd.s32 $0xFFFFD760  }
0x49: {  	s9 =	simm.s32 $0x0;
	[bflag:$0x0] =	sbarrier.arrive $0xFFFF  }
0x4a: {  	[tilespmem:s24], [sflag:$0x1] =	stream.linear.gather [hbm4b:s13+s9], $0x68, $0x38;
	[tilespmem:$0x1C5F0] =	vst v63  }
0x4b: {  	_ = 	snop  }
0x4c: {  	[tilespmem:s21], [sflag:$0x1] =	stream.indirect.gather [hbm4b:s4+s25], $0x80, s9, s25, $0xb8;
	[tilespmem:$0x1C5F0] =	vst v63  }
0x4d: {  	_ = 	snop  }
0x4e: {  	[tilespmem:s26], [sflag:$0x2] =	stream.linear.gather [hbm4b:s14+s9], $0x68, $0x38;
	[tilespmem:$0x1C5F0] =	vst v63  }
0x4f: {  	s8 =	simm.s32 $0x68  }
0x50: {  	[tilespmem:s29], [sflag:$0x2] =	stream.indirect.gather [hbm4b:s4+s25], $0x80, s8, s25, $0xb8;
	[tilespmem:$0x1C5F0] =	vst v63  }
0x51: {  	_ =	swait.ge [sflag:s23], $0x68  }
0x52: {  	[sflag:s23] =	ssyncset.done $0x0  }
0x53: {  	[sflag:s23] =	ssyncadd.s32 $0xFFFFFF98  }
0x54: {  	_ =	swait.ge [sflag:s23], $0x3200  }
0x55: {  	[sflag:s23] =	ssyncset.done $0x0  }
0x56: {  	[sflag:s23] =	ssyncadd.s32 $0xFFFFCE00  }
0x57: {  	[spmem:s2] =	stream.indirect.scatter.add.f32 [tilespmem:s21], [sflag:$0x3], $0x80, s24, s25, $0xb8;
	[tilespmem:$0x1C5F0] =	vst v63  }
0x58: {  	_ =	swait.ge [sflag:s22], $0x3200  }
0x59: {  	[sflag:s22] =	ssyncset.done $0x0  }
0x5a: {  	s9 =	sadd.s32 $0x0, s20;
	[sflag:s22] =	ssyncadd.s32 $0xFFFFCE00  }
0x5b: {  	[tilespmem:s24], [sflag:$0x1] =	stream.linear.gather [hbm4b:s9+s3], $0x68, $0x38;
	[tilespmem:$0x1C5F0] =	vst v63  }
0x5c: {  	s8 =	simm.s32 $0xD0  }
0x5d: {  	[tilespmem:s21], [sflag:$0x1] =	stream.indirect.gather [hbm4b:s4+s25], $0x80, s8, s25, $0xb8;
	[tilespmem:$0x1C5F0] =	vst v63  }
0x5e: {  	_ =	swait.ge [sflag:s30], $0x68  }
0x5f: {  	[sflag:s30] =	ssyncset.done $0x0  }
0x60: {  	[sflag:s30] =	ssyncadd.s32 $0xFFFFFF98  }
0x61: {  	_ =	swait.ge [sflag:s30], $0x3200  }
0x62: {  	[sflag:s30] =	ssyncset.done $0x0  }
0x63: {  	[sflag:s30] =	ssyncadd.s32 $0xFFFFCE00  }
0x64: {  	[spmem:s2] =	stream.indirect.scatter.add.f32 [tilespmem:s29], [sflag:$0x3], $0x80, s26, s25, $0xb8;
	[tilespmem:$0x1C5F0] =	vst v63  }
0x65: {  	_ =	swait.ge [sflag:s22], $0x3200  }
0x66: {  	s28 =	simm.s32 $0x138;
	s31 =	simm.s32 $0x1A;
	[sflag:s22] =	ssyncset.done $0x0  }
0x67: {  	s7 =	simm.s32 $0x208;
	s9 =	sadd.s32 $0x0, s19;
	[sflag:s22] =	ssyncadd.s32 $0xFFFFCE00  }
0x68: {  	[tilespmem:s26], [sflag:$0x2] =	stream.linear.gather [hbm4b:s9+s3], $0x68, $0x38;
	[tilespmem:$0x1C5F0] =	vst v63  }
.LBB2_4:
0x69: {  	[tilespmem:s29], [sflag:$0x2] =	stream.indirect.gather [hbm4b:s4+s25], $0x80, s28, s25, $0xb8;
	[tilespmem:$0x1C5F0] =	vst v63  }
0x6a: {  	s8 =	smov.u32 s31;
	s28 =	smov.u32 s7  }
0x6b: {  	p0 =	sne.s32 s31, $0x4C6;
	s31 =	sadd.s32 $0x1A, s31;
	_ =	swait.ge [sflag:s23], $0x68  }
0x6c: {  	[sflag:s23] =	ssyncset.done $0x0  }
0x6d: {  	[sflag:s23] =	ssyncadd.s32 $0xFFFFFF98  }
0x6e: {  	_ =	swait.ge [sflag:s23], $0x3200  }
0x6f: {  	[sflag:s23] =	ssyncset.done $0x0  }
0x70: {  	[sflag:s23] =	ssyncadd.s32 $0xFFFFCE00  }
0x71: {  	[spmem:s2] =	stream.indirect.scatter.add.f32 [tilespmem:s21], [sflag:$0x3], $0x80, s24, s25, $0xb8;
	[tilespmem:$0x1C5F0] =	vst v63  }
0x72: {  	_ =	swait.ge [sflag:s22], $0x3200  }
0x73: {  	[sflag:s22] =	ssyncset.done $0x0  }
0x74: {  	s9 =	sadd.s32 s8, s20;
	[sflag:s22] =	ssyncadd.s32 $0xFFFFCE00  }
0x75: {  	[tilespmem:s24], [sflag:$0x1] =	stream.linear.gather [hbm4b:s9+s3], $0x68, $0x38;
	[tilespmem:$0x1C5F0] =	vst v63  }
0x76: {  	s9 =	sadd.s32 $0xFFFFFF98, s7  }
0x77: {  	[tilespmem:s21], [sflag:$0x1] =	stream.indirect.gather [hbm4b:s4+s25], $0x80, s9, s25, $0xb8;
	[tilespmem:$0x1C5F0] =	vst v63  }
0x78: {  	_ =	swait.ge [sflag:s30], $0x68  }
0x79: {  	[sflag:s30] =	ssyncset.done $0x0  }
0x7a: {  	[sflag:s30] =	ssyncadd.s32 $0xFFFFFF98  }
0x7b: {  	_ =	swait.ge [sflag:s30], $0x3200  }
0x7c: {  	[sflag:s30] =	ssyncset.done $0x0  }
0x7d: {  	[sflag:s30] =	ssyncadd.s32 $0xFFFFCE00  }
0x7e: {  	[spmem:s2] =	stream.indirect.scatter.add.f32 [tilespmem:s29], [sflag:$0x3], $0x80, s26, s25, $0xb8;
	[tilespmem:$0x1C5F0] =	vst v63  }
.Ltmp1:
0x7f: {  	_ =	swait.ge [sflag:s22], $0x3200;
	(pc) =	sbr.rel @p0 .LBB2_4-.Ltmp1, $4  }
0x80: {  	[sflag:s22] =	ssyncset.done $0x0  }
0x81: {  	s8 =	sadd.s32 s8, s19;
	[sflag:s22] =	ssyncadd.s32 $0xFFFFCE00  }
0x82: {  	[tilespmem:s26], [sflag:$0x2] =	stream.linear.gather [hbm4b:s8+s3], $0x68, $0x38;
	[tilespmem:$0x1C5F0] =	vst v63  }
0x83: {  	s7 =	sadd.s32 $0xD0, s7  }
0x84: {  	[tilespmem:s29], [sflag:$0x2] =	stream.indirect.gather [hbm4b:s4+s25], $0x80, s28, s25, $0xb8;
	[tilespmem:$0x1C5F0] =	vst v63  }
0x85: {  	_ =	swait.ge [sflag:s23], $0x68  }
0x86: {  	[sflag:s23] =	ssyncset.done $0x0  }
0x87: {  	[sflag:s23] =	ssyncadd.s32 $0xFFFFFF98  }
0x88: {  	_ =	swait.ge [sflag:s23], $0x3200  }
0x89: {  	[sflag:s23] =	ssyncset.done $0x0  }
0x8a: {  	[sflag:s23] =	ssyncadd.s32 $0xFFFFCE00  }
0x8b: {  	[spmem:s2] =	stream.indirect.scatter.add.f32 [tilespmem:s21], [sflag:$0x3], $0x80, s24, s25, $0xb8;
	[tilespmem:$0x1C5F0] =	vst v63  }
0x8c: {  	_ =	swait.ge [sflag:s22], $0x3200  }
0x8d: {  	[sflag:s22] =	ssyncset.done $0x0  }
0x8e: {  	[sflag:s22] =	ssyncadd.s32 $0xFFFFCE00  }
0x8f: {  	[tilespmem:s24], [sflag:$0x1] =	stream.linear.gather [hbm4b:s18+s3], $0x68, $0x38;
	[tilespmem:$0x1C5F0] =	vst v63  }
0x90: {  	s7 =	simm.s32 $0x27D0  }
0x91: {  	[tilespmem:s21], [sflag:$0x1] =	stream.indirect.gather [hbm4b:s4+s25], $0x80, s7, s25, $0xb8;
	[tilespmem:$0x1C5F0] =	vst v63  }
0x92: {  	_ =	swait.ge [sflag:s30], $0x68  }
0x93: {  	[sflag:s30] =	ssyncset.done $0x0  }
0x94: {  	[sflag:s30] =	ssyncadd.s32 $0xFFFFFF98  }
0x95: {  	_ =	swait.ge [sflag:s30], $0x3200  }
0x96: {  	[sflag:s30] =	ssyncset.done $0x0  }
0x97: {  	[sflag:s30] =	ssyncadd.s32 $0xFFFFCE00  }
0x98: {  	[spmem:s2] =	stream.indirect.scatter.add.f32 [tilespmem:s29], [sflag:$0x3], $0x80, s26, s25, $0xb8;
	[tilespmem:$0x1C5F0] =	vst v63  }
0x99: {  	_ =	swait.ge [sflag:s22], $0x3200  }
0x9a: {  	[sflag:s22] =	ssyncset.done $0x0  }
0x9b: {  	[sflag:s22] =	ssyncadd.s32 $0xFFFFCE00  }
0x9c: {  	[tilespmem:s26], [sflag:$0x2] =	stream.linear.gather [hbm4b:s17+s3], $0x68, $0x38;
	[tilespmem:$0x1C5F0] =	vst v63  }
0x9d: {  	_ = 	snop  }
0x9e: {  	[tilespmem:s29], [sflag:$0x2] =	stream.indirect.gather [hbm4b:s4+s25], $0x80, s0, s25, $0xb8;
	[tilespmem:$0x1C5F0] =	vst v63  }
0x9f: {  	_ =	swait.ge [sflag:s23], $0x68  }
0xa0: {  	[sflag:s23] =	ssyncset.done $0x0  }
0xa1: {  	[sflag:s23] =	ssyncadd.s32 $0xFFFFFF98  }
0xa2: {  	_ =	swait.ge [sflag:s23], $0x3200  }
0xa3: {  	[sflag:s23] =	ssyncset.done $0x0  }
0xa4: {  	[sflag:s23] =	ssyncadd.s32 $0xFFFFCE00  }
0xa5: {  	[spmem:s2] =	stream.indirect.scatter.add.f32 [tilespmem:s21], [sflag:$0x3], $0x80, s24, s25, $0xb8;
	[tilespmem:$0x1C5F0] =	vst v63  }
0xa6: {  	_ =	swait.ge [sflag:s22], $0x3200  }
0xa7: {  	[sflag:s22] =	ssyncset.done $0x0  }
0xa8: {  	[sflag:s22] =	ssyncadd.s32 $0xFFFFCE00  }
0xa9: {  	[tilespmem:s24], [sflag:$0x1] =	stream.linear.gather [hbm4b:s17+s3], $0x68, $0x38;
	[tilespmem:$0x1C5F0] =	vst v63  }
0xaa: {  	_ = 	snop  }
0xab: {  	[tilespmem:s21], [sflag:$0x1] =	stream.indirect.gather [hbm4b:s4+s25], $0x80, s0, s25, $0xb8;
	[tilespmem:$0x1C5F0] =	vst v63  }
0xac: {  	_ =	swait.ge [sflag:s30], $0x68  }
0xad: {  	[sflag:s30] =	ssyncset.done $0x0  }
0xae: {  	[sflag:s30] =	ssyncadd.s32 $0xFFFFFF98  }
0xaf: {  	_ =	swait.ge [sflag:s30], $0x3200  }
0xb0: {  	[sflag:s30] =	ssyncset.done $0x0  }
0xb1: {  	[sflag:s30] =	ssyncadd.s32 $0xFFFFCE00  }
0xb2: {  	[spmem:s2] =	stream.indirect.scatter.add.f32 [tilespmem:s29], [sflag:$0x3], $0x80, s26, s25, $0xb8;
	[tilespmem:$0x1C5F0] =	vst v63  }
0xb3: {  	_ =	swait.ge [sflag:s22], $0x3200  }
0xb4: {  	[sflag:s22] =	ssyncset.done $0x0  }
0xb5: {  	[sflag:s22] =	ssyncadd.s32 $0xFFFFCE00  }
0xb6: {  	[tilespmem:s26], [sflag:$0x2] =	stream.linear.gather [hbm4b:s17+s3], $0x68, $0x38;
	[tilespmem:$0x1C5F0] =	vst v63  }
0xb7: {  	_ = 	snop  }
0xb8: {  	[tilespmem:s29], [sflag:$0x2] =	stream.indirect.gather [hbm4b:s4+s25], $0x80, s0, s25, $0xb8;
	[tilespmem:$0x1C5F0] =	vst v63  }
0xb9: {  	_ =	swait.ge [sflag:s23], $0x68  }
0xba: {  	[sflag:s23] =	ssyncset.done $0x0  }
0xbb: {  	[sflag:s23] =	ssyncadd.s32 $0xFFFFFF98  }
0xbc: {  	_ =	swait.ge [sflag:s23], $0x3200  }
0xbd: {  	[sflag:s23] =	ssyncset.done $0x0  }
0xbe: {  	[sflag:s23] =	ssyncadd.s32 $0xFFFFCE00  }
0xbf: {  	_ =	swait.ge [sflag:s30], $0x68  }
0xc0: {  	[sflag:s30] =	ssyncset.done $0x0  }
0xc1: {  	[sflag:s30] =	ssyncadd.s32 $0xFFFFFF98  }
0xc2: {  	s31 =	stileid.u32;
	_ =	swait.ge [sflag:s30], $0x3200  }
0xc3: {  	s8 =	sshrl.u32 s6, $0x3;
	s1 =	sadd.s32 $0x1, s1;
	[sflag:s30] =	ssyncset.done $0x0  }
0xc4: {  	p0 =	sne.s32 s1, s16;
	s7 =	sshll.u32 s31, $0x6;
	[sflag:s30] =	ssyncadd.s32 $0xFFFFCE00  }
.Ltmp2:
0xc5: {  	s7 =	sor.u32 $0x1C03, s7;
	[bflag:$0x0] =	sbarrier.arrive $0xFFFF;
	(pc) =	sbr.rel @p0 .LBB2_1-.Ltmp2, $4  }
0xc6: {  	[hbm:s15], [sflag:s7] =	dma.local [spmem:s8], $0x2710  }
0xc7: {  	_ =	swait.ge [sflag:s22], $0x2710  }
0xc8: {  	[sflag:s22] =	ssyncset.done $0x0  }
0xc9: {  	[sflag:s22] =	ssyncadd.s32 $0xFFFFD8F0  }
0xca: {  	_ =	sfence.sel $0x180000  }
0xcb: {  	[bflag:$0x0] =	sbarrier.arrive $0xFFFF  }
0xcc: {  	_ =	strace $0x9000004A  }
0xcd: {  	s0 =	stileid.u32;
	[bflag:$0x2] =	sbarrier.arrive $0xFFFF  }
0xce: {  	p0 =	sne.s32 s0, $0x0;
	s0 =	rddreg [dreg:$0x2]  }
0xcf: {  	s0 =	sadd.s32 @!p0 $0x100000, s0  }
0xd0: {  	[sflag:s0] =	ssyncadd.tile.s32 @!p0 $0x1;
	_ =	shalt  }
.Lfunc_end2:
_tile_overlayer_lowered:
.L_overlay_start_2:
0xd1: {  	(tag) =	ssettag $0x2  }
0xd2: {  	s0 =	rddreg [dreg:$0x0];
	s2 =	stileid.u32  }
0xd3: {  	s1 =	rddreg [dreg:$0x1];
	p0 =	sne.s32 s2, $0x0  }
0xd4: {  	s3 =	rddreg [dreg:$0x2];
	[bflag:$0x3] =	sbarrier.arrive $0xFFFF;
	s2 =	simm.s32 @!p0 $0x1C03  }
0xd5: {  	[timem:s3], [sflag:s2] =	dma.local @!p0 [hbm:s0], s1  }
0xd6: {  	s0 =	simm.s32 @!p0 $0x3  }
0xd7: {  	_ =	swait.ge @!p0 [sflag:s0], s1  }
0xd8: {  	s1 =	ssub.s32 @!p0 $0x0, s1;
	[sflag:s0] =	ssyncset.done @!p0 $0x0  }
0xd9: {  	[sflag:s0] =	ssyncadd.s32 @!p0 s1  }
0xda: {  	[bflag:$0x3] =	sbarrier.arrive $0xFFFF  }
0xdb: {  	_ =	shalt  }

// kernel: kernel.16.cloned.1.call-start
scs
__scs_entry_jumppad:
0x0: {  	(pc) =	sbr.rel $0x88, $3  }
0x1: {  	(tag) =	ssettag $0x0;
	lr =	simm.s32 $0x1  }
0x2: {  	[smem:$0x3F94] =	sst lr;
	_ =	strace $0xD0000000  }
0x3: {  	_ = 	snop  }
0x4: {  	_ = 	snop  }
0x5: {  	_ = 	snop  }
0x6: {  	_ = 	snop  }
0x7: {  	_ = 	snop  }
__scs_overlays_trampoline_lowered:
0x8: {  	[smem:$0x3FA3] =	sst s0  }
0x9: {  	[smem:$0x3FA4] =	sst s1  }
0xa: {  	[smem:$0x3FA5] =	sst s2  }
0xb: {  	[smem:$0x3FA6] =	sst s3  }
0xc: {  	[smem:$0x3FA7] =	sst s4  }
0xd: {  	[smem:$0x3FA8] =	sst s5  }
0xe: {  	[smem:$0x3FA9] =	sst s6  }
0xf: {  	[smem:$0x3FAA] =	sst s7  }
0x10: {  	[smem:$0x3FAB] =	sst s8  }
0x11: {  	[smem:$0x3FAC] =	sst s9;
	s0 =	simm.s32 @!p0 $0x0  }
0x12: {  	s1 =	sld [smem:$0x3F92];
	s0 =	simm.s32 @p0 $0x1  }
0x13: {  	[smem:$0x3FAD] =	sst s0;
	s0 =	simm.s32 @!p1 $0x0  }
0x14: {  	s2 =	sld [smem:$0x3F91];
	s0 =	simm.s32 @p1 $0x1  }
0x15: {  	[smem:$0x3FAE] =	sst s0;
	s0 =	simm.s32 @!p2 $0x0  }
0x16: {  	s3 =	sld [smem:$0x3FDB];
	s0 =	simm.s32 @p2 $0x1  }
0x17: {  	s4 =	simm.s32 $0x1BF5;
	[smem:$0x3FB0] =	sst s0  }
0x18: {  	s0 =	sld [smem:$0x3F93];
	_ =	swait.ge [sflag:s4], $0x0  }
0x19: {  	s7 =	sld [smem:$0x3F94]  }
0x1a: {  	s8 =	sadd.s32 $0xFFFFE003, lr  }
0x1b: {  	s9 =	sadd.s32 $0xFFFFFEF7, lr;
	s5 =	simm.s32 $0xFFFFFFFF;
	p2 =	slt.u32 s8, $0xFFFFF086  }
0x1c: {  	p1 =	slt.u32 s9, $0xF7A;
	s5 =	simm.s32 @!p2 $0x0  }
0x1d: {  	s5 =	simm.s32 @p1 $0x1;
	p0 =	seq.s32 s7, s2  }
0x1e: {  	s7 =	smul.u32 @!p0 $0xF7A, s2;
	p2 =	seq.s32 @!p0 s5, $0x0  }
0x1f: {  	s9 =	smul.u32 $0xF7A, s1;
	s8 =	simm.s32 @!p0 $0x1BF5;
	p2 =	por !p2, p0  }
0x20: {  	[sflag:s8] =	ssyncset.s32 @!p0 $0xFFFFF086;
	s6 =	sadd.s32 @!p0 s3, s7;
	s7 =	simm.s32 @!p0 $0x108  }
0x21: {  	s3 =	sadd.s32 s3, s9;
	s6 =	sadd.s32 @!p0 $0x88, s6;
	s7 =	simm.s32 @p2 $0x1082  }
0x22: {  	[simem:s7], [sflag:s8] =	dma.local @!p0 [hbm:s6], $0xF7A  }
0x23: {  	s9 =	sor.u32 $0xD0000000, s2;
	s6 =	simm.s32 $0x108;
	_ =	swait.ge @!p0 [sflag:s8], $0x0  }
0x24: {  	s3 =	sadd.s32 $0x88, s3;
	s6 =	simm.s32 @!p1 $0x1082;
	[sflag:s4] =	ssyncset.s32 $0xFFFFF086  }
0x25: {  	[simem:s6], [sflag:s4] =	dma.local [hbm:s3], $0xF7A  }
0x26: {  	[smem:$0x3F94] =	sst s1;
	(tag) =	ssettag s2;
	_ =	strace s9  }
0x27: {  	s1 =	sld [smem:$0x3FA4]  }
0x28: {  	s2 =	sld [smem:$0x3FA5]  }
0x29: {  	s4 =	sld [smem:$0x3FA7]  }
0x2a: {  	p0 =	seq.s32 s5, $0x0;
	s5 =	sld [smem:$0x3FA8]  }
0x2b: {  	s6 =	sld [smem:$0x3FA9]  }
0x2c: {  	s7 =	sld [smem:$0x3FAA]  }
0x2d: {  	s3 =	simm.s32 $0x108;
	s8 =	sld [smem:$0x3FAB]  }
0x2e: {  	s3 =	simm.s32 @!p0 $0x1082;
	s9 =	sld [smem:$0x3FAC]  }
0x2f: {  	lr =	sadd.s32 s0, s3;
	s0 =	sld [smem:$0x3FA3]  }
0x30: {  	s3 =	sld [smem:$0x3FA6]  }
0x31: {  	[smem:$0x3FAF] =	sst s10  }
0x32: {  	s10 =	sld [smem:$0x3FAD];
	_ =	sdelay $0x3  }
0x33: {  	p0 =	seq.s32 s10, $0x1;
	s10 =	sld [smem:$0x3FAF];
	_ =	sdelay $0x3  }
0x34: {  	[smem:$0x3FAF] =	sst s10  }
0x35: {  	s10 =	sld [smem:$0x3FAE];
	_ =	sdelay $0x3  }
0x36: {  	p1 =	seq.s32 s10, $0x1;
	s10 =	sld [smem:$0x3FAF];
	_ =	sdelay $0x3  }
0x37: {  	[smem:$0x3FAF] =	sst s10  }
0x38: {  	s10 =	sld [smem:$0x3FB0]  }
0x39: {  	_ = 	snop;
	(pc) =	sbr.ind lr, $3  }
0x3a: {  	_ = 	snop  }
0x3b: {  	_ = 	snop  }
0x3c: {  	p2 =	seq.s32 s10, $0x1;
	s10 =	sld [smem:$0x3FAF]  }
0x3d: {  	_ =	shalt  }
0x3e: {  	_ =	shalt  }
0x3f: {  	_ =	shalt  }
0x40: {  	_ =	shalt  }
0x41: {  	_ =	shalt  }
0x42: {  	_ =	shalt  }
0x43: {  	_ =	shalt  }
0x44: {  	_ =	shalt  }
0x45: {  	_ =	shalt  }
0x46: {  	_ =	shalt  }
0x47: {  	_ =	shalt  }
0x48: {  	_ =	shalt  }
0x49: {  	_ =	shalt  }
0x4a: {  	_ =	shalt  }
0x4b: {  	_ =	shalt  }
0x4c: {  	_ =	shalt  }
0x4d: {  	_ =	shalt  }
0x4e: {  	_ =	shalt  }
0x4f: {  	_ =	shalt  }
0x50: {  	_ =	shalt  }
0x51: {  	_ =	shalt  }
0x52: {  	_ =	shalt  }
0x53: {  	_ =	shalt  }
0x54: {  	_ =	shalt  }
0x55: {  	_ =	shalt  }
0x56: {  	_ =	shalt  }
0x57: {  	_ =	shalt  }
0x58: {  	_ =	shalt  }
0x59: {  	_ =	shalt  }
0x5a: {  	_ =	shalt  }
0x5b: {  	_ =	shalt  }
0x5c: {  	_ =	shalt  }
0x5d: {  	_ =	shalt  }
0x5e: {  	_ =	shalt  }
0x5f: {  	_ =	shalt  }
0x60: {  	_ =	shalt  }
0x61: {  	_ =	shalt  }
0x62: {  	_ =	shalt  }
0x63: {  	_ =	shalt  }
0x64: {  	_ =	shalt  }
0x65: {  	_ =	shalt  }
0x66: {  	_ =	shalt  }
0x67: {  	_ =	shalt  }
0x68: {  	_ =	shalt  }
0x69: {  	_ =	shalt  }
0x6a: {  	_ =	shalt  }
0x6b: {  	_ =	shalt  }
0x6c: {  	_ =	shalt  }
0x6d: {  	_ =	shalt  }
0x6e: {  	_ =	shalt  }
0x6f: {  	_ =	shalt  }
0x70: {  	_ =	shalt  }
0x71: {  	_ =	shalt  }
0x72: {  	_ =	shalt  }
0x73: {  	_ =	shalt  }
0x74: {  	_ =	shalt  }
0x75: {  	_ =	shalt  }
0x76: {  	_ =	shalt  }
0x77: {  	_ =	shalt  }
0x78: {  	_ =	shalt  }
0x79: {  	_ =	shalt  }
0x7a: {  	_ =	shalt  }
0x7b: {  	_ =	shalt  }
0x7c: {  	_ =	shalt  }
0x7d: {  	_ =	shalt  }
0x7e: {  	_ =	shalt  }
0x7f: {  	_ =	shalt  }
0x80: {  	_ =	shalt  }
0x81: {  	_ =	shalt  }
0x82: {  	_ =	shalt  }
0x83: {  	_ =	shalt  }
0x84: {  	_ =	shalt  }
0x85: {  	_ =	shalt  }
0x86: {  	_ =	shalt  }
0x87: {  	_ =	shalt  }
.Lfunc_end0:
.L_simem_size_0:
called_computation.2_lowered:
.L_overlay_start_0:
0x88: {  	s2 =	sld [smem:$0x3FD9]  }
0x89: {  	s3 =	sld [smem:$0x3FFE];
	_ =	sdelay $0x1  }
0x8a: {  	s1 =	srdreg.scid  }
0x8b: {  	s0 =	sand.u32 $0x1, s1  }
0x8c: {  	s17 =	sshll.u32 s0, $0xA;
	s2 =	sadd.s32 s3, s2  }
0x8d: {  	s2 =	sadd.s32 s2, s17  }
0x8e: {  	[smem:$0x3FBB] =	sst s2  }
0x8f: {  	_ = 	snop  }
0x90: {  	s2 =	sld [smem:$0x3FD0];
	(tm) =	ssettm $0x1  }
0x91: {  	s18 =	sld [smem:$0x3FFB];
	_ =	sdelay $0x3  }
0x92: {  	_ =	strace s18  }
0x93: {  	s3 =	sld [smem:$0x3FFC];
	_ =	sdelay $0x3  }
0x94: {  	_ =	strace s3  }
0x95: {  	s3 =	sld [smem:$0x3FFD];
	_ =	sdelay $0x3  }
0x96: {  	_ =	strace s3  }
0x97: {  	_ =	strace $0x8FFFFFFF  }
0x98: {  	s19 =	sld [smem:$0x3FDB];
	_ =	sdelay $0x1  }
0x99: {  	s4 =	simm.s32 $_scs_section_size  }
0x9a: {  	s5 =	simm.s32 $_size__tile_overlayer_lowered;
	s6 =	simm.s32 $_tile_overlayer_lowered  }
0x9b: {  	s22 =	simm.s32 $0x1BFF;
	s21 =	sshll.u32 s6, $0x1;
	s3 =	sadd.s32 s4, s19  }
0x9c: {  	s7 =	simm.s32 $0x0;
	s20 =	sshll.u32 s5, $0x1;
	s5 =	sadd.s32 s21, s3  }
0x9d: {  	[timem:s7], [sflag:s22] =	dma.local [hbm:s5], s20  }
0x9e: {  	_ =	swait.ge [sflag:s22], s20  }
0x9f: {  	s4 =	ssub.s32 $0x0, s20;
	[sflag:s22] =	ssyncset.done $0x0  }
0xa0: {  	[sflag:s22] =	ssyncadd.s32 s4;
	_ =	sdelay $0x1  }
0xa1: {  	s23 =	simm.s32 $0x1B8B  }
0xa2: {  	_ =	swait.ge [sflag:s23], $0x1  }
0xa3: {  	[sflag:s23] =	ssyncset.done $0x0  }
0xa4: {  	s25 =	simm.s32 $0x1B8E;
	s24 =	sld [smem:$0x3FFE];
	[sflag:s23] =	ssyncadd.s32 $0xFFFFFFFF  }
0xa5: {  	s26 =	simm.s32 $execute0_lowered;
	[smem:$0x3FD2] =	sst s25  }
0xa6: {  	s5 =	sshll.u32 s26, $0x1;
	_ =	strace $0x8000004C;
	[dreg:$0x1] =	wrdreg $0xFFFFFFFF  }
0xa7: {  	s28 =	simm.s32 $_size_execute0_lowered;
	s3 =	sadd.s32 s3, s5;
	[dreg:$0x0] =	wrdreg $0x0  }
0xa8: {  	s5 =	sshll.u32 s28, $0x1;
	[dreg:$0x2] =	wrdreg s3  }
0xa9: {  	[dreg:$0x3] =	wrdreg s5  }
0xaa: {  	[dreg:$0x4] =	wrdreg $0xC0  }
0xab: {  	_ =	task [dreg:s7], $0x5FFFF  }
0xac: {  	[dreg:$0x1] =	wrdreg $0xFFFFFFFF  }
0xad: {  	[dreg:$0x0] =	wrdreg $0x60  }
0xae: {  	[dreg:$0x2] =	wrdreg s2  }
0xaf: {  	[dreg:$0x3] =	wrdreg s24  }
0xb0: {  	[dreg:$0x4] =	wrdreg $0x5B700  }
0xb1: {  	[dreg:$0x5] =	wrdreg $0x9  }
0xb2: {  	_ =	task.clear_ibuf [dreg:s7], $0x6FFFF;
	_ =	strace $0x9000004C  }
0xb3: {  	s29 =	simm.s32 $0x9;
	_ =	strace $0x8000004E  }
0xb4: {  	_ =	swait.ge [sflag:s29], $0x1  }
0xb5: {  	[sflag:s29] =	ssyncadd.s32 $0xFFFFFFFF  }
0xb6: {  	_ =	strace $0x9000004E  }
0xb7: {  	_ =	sfence  }
0xb8: {  	s30 =	sld [smem:$0x0];
	_ =	sdelay $0x2  }
0xb9: {  	s31 =	sshll.u32 s1, $0xD;
	s1 =	sshrl.u32 s1, $0x2  }
0xba: {  	s3 =	sand.u32 $0x4000, s31;
	s1 =	sadd.s32 s1, s30  }
0xbb: {  	s0 =	sor.u32 s3, s0;
	s1 =	sshll.u32 s1, $0x11  }
0xbc: {  	s0 =	sor.u32 s1, s0  }
0xbd: {  	s0 =	sadd.s32 $0x8F2B, s0  }
0xbe: {  	[sflag:s0] =	ssyncadd.remote.s32 $0x1  }
0xbf: {  	_ =	sfence.sel $0xFFFF  }
0xc0: {  	[dreg:$0x0] =	wrdreg $0xFFFFFFFF;
	(pc) =	sbr.abs _section_cstart, $3  }
0xc1: {  	[dreg:$0x1] =	wrdreg $0xFFFFFFFF  }
0xc2: {  	_ =	task.clear_ibuf [dreg:s7], $0x2FFFF;
	_ =	strace $0x9FFFFFFF  }
0xc3: {  	(tm) =	ssettm $0x7FFFFFFF  }
tec
execute0_lowered:
.L_overlay_start_1:
0x0: {  	(tag) =	ssettag $0x1  }
0x1: {  	s1 =	rddreg [dreg:$0x0]  }
0x2: {  	s0 =	rddreg [dreg:$0x1]  }
0x3: {  	s3 =	rddreg [dreg:$0x2]  }
0x4: {  	s2 =	srdreg.scid;
	s14 =	stileid.u32  }
0x5: {  	s4 =	simm.s32 $0x0;
	s29 =	simm.s32 $0x4270;
	s6 =	smul.u32 $0x9C40, s14  }
0x6: {  	s30 =	simm.s32 $0x2;
	s2 =	sand.u32 $0x1, s2;
	s9 =	smul.u32 $0x27100, s14  }
0x7: {  	[smem:$0x7FF] =	sst s4;
	s7 =	sadd.s32 $0x4000, s0;
	s18 =	smul.u32 $0x5140, s14  }
0x8: {  	s8 =	sshll.u32 s14, $0x1;
	s5 =	smul.u32 $0x9C400, s2;
	_ =	strace $0x8000004D  }
0x9: {  	s8 =	sor.u32 s2, s8;
	s10 =	ssub.s32 $0x2, s2;
	s2 =	smul.u32 $0x28A0, s2  }
0xa: {  	s17 =	smul.u32 $0x28A0, s8;
	s21 =	sshrl.u32 s10, $0x1;
	s22 =	sshrl.u32 s9, $0x2  }
0xb: {  	s5 =	sadd.s32 s6, s5;
	s16 =	ssub.s32 s10, s21;
	s12 =	sadd.s32 s22, s3  }
0xc: {  	s6 =	sadd.s32 s6, s3;
	s2 =	sadd.s32 s2, s18;
	s21 =	simm.s32 $0x2970  }
0xd: {  	s22 =	simm.s32 $0x3;
	s5 =	sshrl.u32 s5, $0x3;
	s23 =	sshrl.u32 s17, $0x3  }
0xe: {  	s8 =	sadd.s32 $0x1900, s12;
	s24 =	sadd.s32 $0x3200, s12;
	s25 =	sadd.s32 $0x4B00, s12  }
0xf: {  	s10 =	sadd.s32 $0x6400, s12;
	s11 =	sadd.s32 $0x7D00, s12;
	s13 =	sadd.s32 $0x51468, s17  }
0x10: {  	s12 =	sadd.s32 $0x9600, s12;
	s16 =	smax.u32 s16, $0x1;
	s28 =	sadd.s32 $0x53C38, s17  }
0x11: {  	s18 =	sadd.s32 $0x51538, s2;
	s2 =	sadd.s32 $0x514D0, s2;
	[dreg:$0x4] =	wrdreg s8  }
0x12: {  	s0 =	sadd.s32 s5, s0;
	s5 =	sadd.s32 s7, s23;
	[dreg:$0x5] =	wrdreg s24  }
0x13: {  	[dreg:$0x6] =	wrdreg s25;
	s26 =	sshrl.u32 s13, $0x3;
	s31 =	sshrl.u32 s18, $0x3  }
0x14: {  	s2 =	sshrl.u32 s2, $0x3;
	s23 =	simm.s32 $0x1;
	s24 =	simm.s32 $0x28A0  }
0x15: {  	s25 =	simm.s32 $0x64;
	s13 =	sadd.s32 $0xA280, s5;
	s14 =	sadd.s32 s7, s26  }
0x16: {  	s15 =	sadd.s32 $0x18600, s0;
	s0 =	sshrl.u32 s28, $0x3;
	s18 =	sadd.s32 $0xA77A, s5  }
0x17: {  	s19 =	sadd.s32 s31, s7;
	s20 =	sadd.s32 s2, s7;
	s26 =	simm.s32 $0x2908  }
0x18: {  	v0 =	vimm.f32 $0.0e+00;
	s2 =	simm.s32 $0x0;
	s17 =	sadd.s32 s7, s0;
	s0 =	simm.s32 $0x2838  }
.LBB2_1:
0x19: {  	[tilespmem:s4], [sflag:$0x1] =	stream.linear.gather [hbm4b:s5+s4], $0x28A0, $0x38;
	[tilespmem:$0xF7B0] =	vst v63  }
0x1a: {  	s28 =	simm.s32 $0x100;
	s7 =	simm.s32 $0x0  }
.LBB2_2:
0x1b: {  	p0 =	sne.s32 s28, $0x6300;
	[tilespmem:s7+$0x29A0] =	vst v0;
	s31 =	smov.u32 s28;
	s28 =	sadd.s32 $0x100, s28  }
.Ltmp0:
0x1c: {  	[tilespmem:s7+$0x2990] =	vst v0;
	(pc) =	sbr.rel @p0 .LBB2_2-.Ltmp0, $3  }
0x1d: {  	[tilespmem:s7+$0x2970] =	vst v0  }
0x1e: {  	[tilespmem:s7+$0x2980] =	vst v0;
	_ =	sdelay $0x1  }
0x1f: {  	s7 =	sshra.s32 s31, $0x2  }
0x20: {  	[tilespmem:s7+$0x29A0] =	vst v0  }
0x21: {  	[tilespmem:s7+$0x2990] =	vst v0  }
0x22: {  	[tilespmem:s7+$0x2970] =	vst v0  }
0x23: {  	[tilespmem:s7+$0x2980] =	vst v0  }
0x24: {  	[spmem:s6] =	stream.linear.scatter [tilespmem:s21], [sflag:$0x3], $0x1900, $0x38;
	[tilespmem:$0xF7B0] =	vst v63  }
0x25: {  	_ =	swait.ge [sflag:s22], $0x1900  }
0x26: {  	[sflag:s22] =	ssyncset.done $0x0  }
0x27: {  	s8 =	rddreg [dreg:$0x4];
	[sflag:s22] =	ssyncadd.s32 $0xFFFFE700  }
0x28: {  	[spmem:s8] =	stream.linear.scatter [tilespmem:s21], [sflag:$0x3], $0x1900, $0x38;
	[tilespmem:$0xF7B0] =	vst v63  }
0x29: {  	_ =	swait.ge [sflag:s22], $0x1900  }
0x2a: {  	[sflag:s22] =	ssyncset.done $0x0  }
0x2b: {  	s9 =	rddreg [dreg:$0x5];
	[sflag:s22] =	ssyncadd.s32 $0xFFFFE700  }
0x2c: {  	[spmem:s9] =	stream.linear.scatter [tilespmem:s21], [sflag:$0x3], $0x1900, $0x38;
	[tilespmem:$0xF7B0] =	vst v63  }
0x2d: {  	_ =	swait.ge [sflag:s22], $0x1900  }
0x2e: {  	[sflag:s22] =	ssyncset.done $0x0  }
0x2f: {  	s8 =	rddreg [dreg:$0x6];
	[sflag:s22] =	ssyncadd.s32 $0xFFFFE700  }
0x30: {  	[spmem:s8] =	stream.linear.scatter [tilespmem:s21], [sflag:$0x3], $0x1900, $0x38;
	[tilespmem:$0xF7B0] =	vst v63  }
0x31: {  	_ =	swait.ge [sflag:s22], $0x1900  }
0x32: {  	[sflag:s22] =	ssyncset.done $0x0  }
0x33: {  	[sflag:s22] =	ssyncadd.s32 $0xFFFFE700  }
0x34: {  	[spmem:s10] =	stream.linear.scatter [tilespmem:s21], [sflag:$0x3], $0x1900, $0x38;
	[tilespmem:$0xF7B0] =	vst v63  }
0x35: {  	_ =	swait.ge [sflag:s22], $0x1900  }
0x36: {  	[sflag:s22] =	ssyncset.done $0x0  }
0x37: {  	[sflag:s22] =	ssyncadd.s32 $0xFFFFE700  }
0x38: {  	[spmem:s11] =	stream.linear.scatter [tilespmem:s21], [sflag:$0x3], $0x1900, $0x38;
	[tilespmem:$0xF7B0] =	vst v63  }
0x39: {  	_ =	swait.ge [sflag:s22], $0x1900  }
0x3a: {  	[sflag:s22] =	ssyncset.done $0x0  }
0x3b: {  	[sflag:s22] =	ssyncadd.s32 $0xFFFFE700  }
0x3c: {  	[spmem:s12] =	stream.linear.scatter [tilespmem:s21], [sflag:$0x3], $0x640, $0x38;
	[tilespmem:$0xF7B0] =	vst v63  }
0x3d: {  	_ =	swait.ge [sflag:s22], $0x640  }
0x3e: {  	[sflag:s22] =	ssyncset.done $0x0  }
0x3f: {  	[sflag:s22] =	ssyncadd.s32 $0xFFFFF9C0  }
0x40: {  	_ =	swait.ge [sflag:s23], $0x28A0  }
0x41: {  	[sflag:s23] =	ssyncset.done $0x0  }
0x42: {  	[sflag:s23] =	ssyncadd.s32 $0xFFFFD760  }
0x43: {  	s9 =	simm.s32 $0x0;
	[bflag:$0x0] =	sbarrier.arrive $0xFFFF  }
0x44: {  	[tilespmem:s24], [sflag:$0x1] =	stream.linear.gather [hbm4b:s13+s9], $0x68, $0x38;
	[tilespmem:$0xF7B0] =	vst v63  }
0x45: {  	_ = 	snop  }
0x46: {  	[tilespmem:s21], [sflag:$0x1] =	stream.indirect.gather [hbm4b:s1+s25], $0x40, s9, s25, $0xb8;
	[tilespmem:$0xF7B0] =	vst v63  }
0x47: {  	_ = 	snop  }
0x48: {  	[tilespmem:s26], [sflag:$0x2] =	stream.linear.gather [hbm4b:s14+s9], $0x68, $0x38;
	[tilespmem:$0xF7B0] =	vst v63  }
0x49: {  	s8 =	simm.s32 $0x68  }
0x4a: {  	[tilespmem:s29], [sflag:$0x2] =	stream.indirect.gather [hbm4b:s1+s25], $0x40, s8, s25, $0xb8;
	[tilespmem:$0xF7B0] =	vst v63  }
0x4b: {  	_ =	swait.ge [sflag:s23], $0x68  }
0x4c: {  	[sflag:s23] =	ssyncset.done $0x0  }
0x4d: {  	[sflag:s23] =	ssyncadd.s32 $0xFFFFFF98  }
0x4e: {  	_ =	swait.ge [sflag:s23], $0x1900  }
0x4f: {  	[sflag:s23] =	ssyncset.done $0x0  }
0x50: {  	[sflag:s23] =	ssyncadd.s32 $0xFFFFE700  }
0x51: {  	[spmem:s3] =	stream.indirect.scatter.add.f32 [tilespmem:s21], [sflag:$0x3], $0x40, s24, s25, $0xb8;
	[tilespmem:$0xF7B0] =	vst v63  }
0x52: {  	_ =	swait.ge [sflag:s22], $0x1900  }
0x53: {  	[sflag:s22] =	ssyncset.done $0x0  }
0x54: {  	s9 =	sadd.s32 $0x0, s20;
	[sflag:s22] =	ssyncadd.s32 $0xFFFFE700  }
0x55: {  	[tilespmem:s24], [sflag:$0x1] =	stream.linear.gather [hbm4b:s9+s4], $0x68, $0x38;
	[tilespmem:$0xF7B0] =	vst v63  }
0x56: {  	s8 =	simm.s32 $0xD0  }
0x57: {  	[tilespmem:s21], [sflag:$0x1] =	stream.indirect.gather [hbm4b:s1+s25], $0x40, s8, s25, $0xb8;
	[tilespmem:$0xF7B0] =	vst v63  }
0x58: {  	_ =	swait.ge [sflag:s30], $0x68  }
0x59: {  	[sflag:s30] =	ssyncset.done $0x0  }
0x5a: {  	[sflag:s30] =	ssyncadd.s32 $0xFFFFFF98  }
0x5b: {  	_ =	swait.ge [sflag:s30], $0x1900  }
0x5c: {  	[sflag:s30] =	ssyncset.done $0x0  }
0x5d: {  	[sflag:s30] =	ssyncadd.s32 $0xFFFFE700  }
0x5e: {  	[spmem:s3] =	stream.indirect.scatter.add.f32 [tilespmem:s29], [sflag:$0x3], $0x40, s26, s25, $0xb8;
	[tilespmem:$0xF7B0] =	vst v63  }
0x5f: {  	_ =	swait.ge [sflag:s22], $0x1900  }
0x60: {  	s28 =	simm.s32 $0x138;
	s31 =	simm.s32 $0x1A;
	[sflag:s22] =	ssyncset.done $0x0  }
0x61: {  	s7 =	simm.s32 $0x208;
	s9 =	sadd.s32 $0x0, s19;
	[sflag:s22] =	ssyncadd.s32 $0xFFFFE700  }
0x62: {  	[tilespmem:s26], [sflag:$0x2] =	stream.linear.gather [hbm4b:s9+s4], $0x68, $0x38;
	[tilespmem:$0xF7B0] =	vst v63  }
.LBB2_4:
0x63: {  	[tilespmem:s29], [sflag:$0x2] =	stream.indirect.gather [hbm4b:s1+s25], $0x40, s28, s25, $0xb8;
	[tilespmem:$0xF7B0] =	vst v63  }
0x64: {  	s8 =	smov.u32 s31;
	s28 =	smov.u32 s7  }
0x65: {  	p0 =	sne.s32 s31, $0x4C6;
	s31 =	sadd.s32 $0x1A, s31;
	_ =	swait.ge [sflag:s23], $0x68  }
0x66: {  	[sflag:s23] =	ssyncset.done $0x0  }
0x67: {  	[sflag:s23] =	ssyncadd.s32 $0xFFFFFF98  }
0x68: {  	_ =	swait.ge [sflag:s23], $0x1900  }
0x69: {  	[sflag:s23] =	ssyncset.done $0x0  }
0x6a: {  	[sflag:s23] =	ssyncadd.s32 $0xFFFFE700  }
0x6b: {  	[spmem:s3] =	stream.indirect.scatter.add.f32 [tilespmem:s21], [sflag:$0x3], $0x40, s24, s25, $0xb8;
	[tilespmem:$0xF7B0] =	vst v63  }
0x6c: {  	_ =	swait.ge [sflag:s22], $0x1900  }
0x6d: {  	[sflag:s22] =	ssyncset.done $0x0  }
0x6e: {  	s9 =	sadd.s32 s8, s20;
	[sflag:s22] =	ssyncadd.s32 $0xFFFFE700  }
0x6f: {  	[tilespmem:s24], [sflag:$0x1] =	stream.linear.gather [hbm4b:s9+s4], $0x68, $0x38;
	[tilespmem:$0xF7B0] =	vst v63  }
0x70: {  	s9 =	sadd.s32 $0xFFFFFF98, s7  }
0x71: {  	[tilespmem:s21], [sflag:$0x1] =	stream.indirect.gather [hbm4b:s1+s25], $0x40, s9, s25, $0xb8;
	[tilespmem:$0xF7B0] =	vst v63  }
0x72: {  	_ =	swait.ge [sflag:s30], $0x68  }
0x73: {  	[sflag:s30] =	ssyncset.done $0x0  }
0x74: {  	[sflag:s30] =	ssyncadd.s32 $0xFFFFFF98  }
0x75: {  	_ =	swait.ge [sflag:s30], $0x1900  }
0x76: {  	[sflag:s30] =	ssyncset.done $0x0  }
0x77: {  	[sflag:s30] =	ssyncadd.s32 $0xFFFFE700  }
0x78: {  	[spmem:s3] =	stream.indirect.scatter.add.f32 [tilespmem:s29], [sflag:$0x3], $0x40, s26, s25, $0xb8;
	[tilespmem:$0xF7B0] =	vst v63  }
.Ltmp1:
0x79: {  	_ =	swait.ge [sflag:s22], $0x1900;
	(pc) =	sbr.rel @p0 .LBB2_4-.Ltmp1, $4  }
0x7a: {  	[sflag:s22] =	ssyncset.done $0x0  }
0x7b: {  	s8 =	sadd.s32 s8, s19;
	[sflag:s22] =	ssyncadd.s32 $0xFFFFE700  }
0x7c: {  	[tilespmem:s26], [sflag:$0x2] =	stream.linear.gather [hbm4b:s8+s4], $0x68, $0x38;
	[tilespmem:$0xF7B0] =	vst v63  }
0x7d: {  	s7 =	sadd.s32 $0xD0, s7  }
0x7e: {  	[tilespmem:s29], [sflag:$0x2] =	stream.indirect.gather [hbm4b:s1+s25], $0x40, s28, s25, $0xb8;
	[tilespmem:$0xF7B0] =	vst v63  }
0x7f: {  	_ =	swait.ge [sflag:s23], $0x68  }
0x80: {  	[sflag:s23] =	ssyncset.done $0x0  }
0x81: {  	[sflag:s23] =	ssyncadd.s32 $0xFFFFFF98  }
0x82: {  	_ =	swait.ge [sflag:s23], $0x1900  }
0x83: {  	[sflag:s23] =	ssyncset.done $0x0  }
0x84: {  	[sflag:s23] =	ssyncadd.s32 $0xFFFFE700  }
0x85: {  	[spmem:s3] =	stream.indirect.scatter.add.f32 [tilespmem:s21], [sflag:$0x3], $0x40, s24, s25, $0xb8;
	[tilespmem:$0xF7B0] =	vst v63  }
0x86: {  	_ =	swait.ge [sflag:s22], $0x1900  }
0x87: {  	[sflag:s22] =	ssyncset.done $0x0  }
0x88: {  	[sflag:s22] =	ssyncadd.s32 $0xFFFFE700  }
0x89: {  	[tilespmem:s24], [sflag:$0x1] =	stream.linear.gather [hbm4b:s18+s4], $0x68, $0x38;
	[tilespmem:$0xF7B0] =	vst v63  }
0x8a: {  	s7 =	simm.s32 $0x27D0  }
0x8b: {  	[tilespmem:s21], [sflag:$0x1] =	stream.indirect.gather [hbm4b:s1+s25], $0x40, s7, s25, $0xb8;
	[tilespmem:$0xF7B0] =	vst v63  }
0x8c: {  	_ =	swait.ge [sflag:s30], $0x68  }
0x8d: {  	[sflag:s30] =	ssyncset.done $0x0  }
0x8e: {  	[sflag:s30] =	ssyncadd.s32 $0xFFFFFF98  }
0x8f: {  	_ =	swait.ge [sflag:s30], $0x1900  }
0x90: {  	[sflag:s30] =	ssyncset.done $0x0  }
0x91: {  	[sflag:s30] =	ssyncadd.s32 $0xFFFFE700  }
0x92: {  	[spmem:s3] =	stream.indirect.scatter.add.f32 [tilespmem:s29], [sflag:$0x3], $0x40, s26, s25, $0xb8;
	[tilespmem:$0xF7B0] =	vst v63  }
0x93: {  	_ =	swait.ge [sflag:s22], $0x1900  }
0x94: {  	[sflag:s22] =	ssyncset.done $0x0  }
0x95: {  	[sflag:s22] =	ssyncadd.s32 $0xFFFFE700  }
0x96: {  	[tilespmem:s26], [sflag:$0x2] =	stream.linear.gather [hbm4b:s17+s4], $0x68, $0x38;
	[tilespmem:$0xF7B0] =	vst v63  }
0x97: {  	_ = 	snop  }
0x98: {  	[tilespmem:s29], [sflag:$0x2] =	stream.indirect.gather [hbm4b:s1+s25], $0x40, s0, s25, $0xb8;
	[tilespmem:$0xF7B0] =	vst v63  }
0x99: {  	_ =	swait.ge [sflag:s23], $0x68  }
0x9a: {  	[sflag:s23] =	ssyncset.done $0x0  }
0x9b: {  	[sflag:s23] =	ssyncadd.s32 $0xFFFFFF98  }
0x9c: {  	_ =	swait.ge [sflag:s23], $0x1900  }
0x9d: {  	[sflag:s23] =	ssyncset.done $0x0  }
0x9e: {  	[sflag:s23] =	ssyncadd.s32 $0xFFFFE700  }
0x9f: {  	[spmem:s3] =	stream.indirect.scatter.add.f32 [tilespmem:s21], [sflag:$0x3], $0x40, s24, s25, $0xb8;
	[tilespmem:$0xF7B0] =	vst v63  }
0xa0: {  	_ =	swait.ge [sflag:s22], $0x1900  }
0xa1: {  	[sflag:s22] =	ssyncset.done $0x0  }
0xa2: {  	[sflag:s22] =	ssyncadd.s32 $0xFFFFE700  }
0xa3: {  	[tilespmem:s24], [sflag:$0x1] =	stream.linear.gather [hbm4b:s17+s4], $0x68, $0x38;
	[tilespmem:$0xF7B0] =	vst v63  }
0xa4: {  	_ = 	snop  }
0xa5: {  	[tilespmem:s21], [sflag:$0x1] =	stream.indirect.gather [hbm4b:s1+s25], $0x40, s0, s25, $0xb8;
	[tilespmem:$0xF7B0] =	vst v63  }
0xa6: {  	_ =	swait.ge [sflag:s30], $0x68  }
0xa7: {  	[sflag:s30] =	ssyncset.done $0x0  }
0xa8: {  	[sflag:s30] =	ssyncadd.s32 $0xFFFFFF98  }
0xa9: {  	_ =	swait.ge [sflag:s30], $0x1900  }
0xaa: {  	[sflag:s30] =	ssyncset.done $0x0  }
0xab: {  	[sflag:s30] =	ssyncadd.s32 $0xFFFFE700  }
0xac: {  	[spmem:s3] =	stream.indirect.scatter.add.f32 [tilespmem:s29], [sflag:$0x3], $0x40, s26, s25, $0xb8;
	[tilespmem:$0xF7B0] =	vst v63  }
0xad: {  	_ =	swait.ge [sflag:s22], $0x1900  }
0xae: {  	[sflag:s22] =	ssyncset.done $0x0  }
0xaf: {  	[sflag:s22] =	ssyncadd.s32 $0xFFFFE700  }
0xb0: {  	[tilespmem:s26], [sflag:$0x2] =	stream.linear.gather [hbm4b:s17+s4], $0x68, $0x38;
	[tilespmem:$0xF7B0] =	vst v63  }
0xb1: {  	_ = 	snop  }
0xb2: {  	[tilespmem:s29], [sflag:$0x2] =	stream.indirect.gather [hbm4b:s1+s25], $0x40, s0, s25, $0xb8;
	[tilespmem:$0xF7B0] =	vst v63  }
0xb3: {  	_ =	swait.ge [sflag:s23], $0x68  }
0xb4: {  	[sflag:s23] =	ssyncset.done $0x0  }
0xb5: {  	[sflag:s23] =	ssyncadd.s32 $0xFFFFFF98  }
0xb6: {  	_ =	swait.ge [sflag:s23], $0x1900  }
0xb7: {  	[sflag:s23] =	ssyncset.done $0x0  }
0xb8: {  	[sflag:s23] =	ssyncadd.s32 $0xFFFFE700  }
0xb9: {  	_ =	swait.ge [sflag:s30], $0x68  }
0xba: {  	[sflag:s30] =	ssyncset.done $0x0  }
0xbb: {  	[sflag:s30] =	ssyncadd.s32 $0xFFFFFF98  }
0xbc: {  	s31 =	stileid.u32;
	_ =	swait.ge [sflag:s30], $0x1900  }
0xbd: {  	s8 =	sshrl.u32 s6, $0x3;
	s2 =	sadd.s32 $0x1, s2;
	[sflag:s30] =	ssyncset.done $0x0  }
0xbe: {  	p0 =	sne.s32 s2, s16;
	s7 =	sshll.u32 s31, $0x6;
	[sflag:s30] =	ssyncadd.s32 $0xFFFFE700  }
.Ltmp2:
0xbf: {  	s7 =	sor.u32 $0x1C03, s7;
	[bflag:$0x0] =	sbarrier.arrive $0xFFFF;
	(pc) =	sbr.rel @p0 .LBB2_1-.Ltmp2, $4  }
0xc0: {  	[hbm:s15], [sflag:s7] =	dma.local [spmem:s8], $0x1388  }
0xc1: {  	_ =	swait.ge [sflag:s22], $0x1388  }
0xc2: {  	[sflag:s22] =	ssyncset.done $0x0  }
0xc3: {  	[sflag:s22] =	ssyncadd.s32 $0xFFFFEC78  }
0xc4: {  	_ =	sfence.sel $0x180000  }
0xc5: {  	[bflag:$0x0] =	sbarrier.arrive $0xFFFF  }
0xc6: {  	_ =	strace $0x9000004D  }
0xc7: {  	s0 =	stileid.u32;
	[bflag:$0x2] =	sbarrier.arrive $0xFFFF  }
0xc8: {  	p0 =	sne.s32 s0, $0x0;
	s0 =	rddreg [dreg:$0x3]  }
0xc9: {  	s0 =	sadd.s32 @!p0 $0x100000, s0  }
0xca: {  	[sflag:s0] =	ssyncadd.tile.s32 @!p0 $0x1;
	_ =	shalt  }
.Lfunc_end2:
_tile_overlayer_lowered:
.L_overlay_start_2:
0xcb: {  	(tag) =	ssettag $0x2  }
0xcc: {  	s0 =	rddreg [dreg:$0x0];
	s2 =	stileid.u32  }
0xcd: {  	s1 =	rddreg [dreg:$0x1];
	p0 =	sne.s32 s2, $0x0  }
0xce: {  	s3 =	rddreg [dreg:$0x2];
	[bflag:$0x3] =	sbarrier.arrive $0xFFFF;
	s2 =	simm.s32 @!p0 $0x1C03  }
0xcf: {  	[timem:s3], [sflag:s2] =	dma.local @!p0 [hbm:s0], s1  }
0xd0: {  	s0 =	simm.s32 @!p0 $0x3  }
0xd1: {  	_ =	swait.ge @!p0 [sflag:s0], s1  }
0xd2: {  	s1 =	ssub.s32 @!p0 $0x0, s1;
	[sflag:s0] =	ssyncset.done @!p0 $0x0  }
0xd3: {  	[sflag:s0] =	ssyncadd.s32 @!p0 s1  }
0xd4: {  	[bflag:$0x3] =	sbarrier.arrive $0xFFFF  }
0xd5: {  	_ =	shalt  }

</sc_bundles>
